<compile_context>
chip_gen: v7x
topology: tpu7x:2x2x1
jax: 0.10.2.dev20260603
libtpu: 0.0.44.dev20260713+nightly
codegen_flags: <defaults>
</compile_context>

<pallas_src>
import functools

import jax
import jax.numpy as jnp
from jax import lax
from jax.experimental import pallas as pl
from jax.experimental.pallas import tpu as pltpu
from jax.experimental.pallas import tpu_sc as plsc


def _iota16():
    return lax.broadcasted_iota(jnp.int32, (16,), 0)


@functools.lru_cache(maxsize=None)
def _make_kernels(seq: int, batch: int, vocab: int, dim: int):
    info = plsc.get_sparse_core_info()
    num_cores, num_subcores = info.num_cores, info.num_subcores
    num_workers = num_cores * num_subcores
    lanes = 128

    n_full_tcols = vocab // lanes
    tail = vocab - n_full_tcols * lanes
    rows_per_tcol = dim
    scratch_rows = (n_full_tcols + (1 if tail else 0)) * rows_per_tcol

    mesh = plsc.VectorSubcoreMesh(core_axis_name="c", subcore_axis_name="s")

    steps = (n_full_tcols + num_workers - 1) // num_workers
    depth = 4
    rounds = (steps + depth - 1) // depth

    scratch_words = scratch_rows * lanes

    @functools.partial(
        pl.kernel,
        mesh=mesh,
        compiler_params=pltpu.CompilerParams(needs_layout_passes=False),
        out_type=jax.ShapeDtypeStruct((scratch_words,), jnp.float32),
        scratch_types=[
            pltpu.VMEM((dim, lanes), jnp.float32),
            pltpu.VMEM((dim, lanes), jnp.float32),
            pltpu.VMEM((dim, lanes), jnp.float32),
            pltpu.VMEM((dim, lanes), jnp.float32),
            pltpu.VMEM((dim * lanes,), jnp.float32),
            pltpu.VMEM((dim * lanes,), jnp.float32),
            pltpu.VMEM((dim * lanes,), jnp.float32),
            pltpu.VMEM((dim * lanes,), jnp.float32),
            pltpu.SemaphoreType.DMA,
            pltpu.SemaphoreType.DMA,
            pltpu.SemaphoreType.DMA,
            pltpu.SemaphoreType.DMA,
            pltpu.SemaphoreType.DMA,
            pltpu.SemaphoreType.DMA,
            pltpu.SemaphoreType.DMA,
            pltpu.SemaphoreType.DMA,
        ],
    )
    def relayout_kernel(tab_hbm, tail_hbm, scr_hbm,
                        vin0, vin1, vin2, vin3, vout0, vout1, vout2, vout3,
                        isem0, isem1, isem2, isem3,
                        osem0, osem1, osem2, osem3):
        wid = lax.axis_index("s") * num_cores + lax.axis_index("c")
        vins = (vin0, vin1, vin2, vin3)
        vouts = (vout0, vout1, vout2, vout3)
        isems = (isem0, isem1, isem2, isem3)
        osems = (osem0, osem1, osem2, osem3)
        iota = _iota16()
        blk_words = dim * lanes

        def col_of(k2):
            return wid + k2 * num_workers

        def fire_in(k2, p):
            c = col_of(k2)

            @pl.when(c < n_full_tcols)
            def _():
                off = pl.multiple_of(c * lanes, lanes)
                pltpu.async_copy(tab_hbm.at[:, pl.ds(off, lanes)],
                                 vins[p], isems[p])

        def transpose_tile(p):
            vin, vout = vins[p], vouts[p]
            rvecs = [iota + 16 * dblk for dblk in range(dim // 16)]

            def tbody(t, carry):
                pt = lax.bitwise_and(iota + t, 15)
                pt32i = lax.shift_left(pt, 5) + iota
                for dblk in range(dim // 16):
                    for bblk in range(lanes // 16):
                        b0 = 16 * bblk
                        src = plsc.load_gather(vin, [rvecs[dblk], pt + b0])
                        plsc.store_scatter(
                            vout, [pt32i + (b0 * 32 + 16 * dblk)], src)
                return carry

            lax.fori_loop(0, 16, tbody, 0)

        def fire_out(k2, p):
            c = col_of(k2)

            @pl.when(c < n_full_tcols)
            def _():
                off = pl.multiple_of(c * blk_words, 8)
                pltpu.async_copy(vouts[p],
                                 scr_hbm.at[pl.ds(off, blk_words)],
                                 osems[p])

        def wait_in(k2, p):
            c = col_of(k2)

            @pl.when(c < n_full_tcols)
            def _():
                pltpu.make_async_copy(tab_hbm.at[:, pl.ds(0, lanes)],
                                      vins[p], isems[p]).wait()

        def wait_out(k2, p):
            c = col_of(k2)

            @pl.when(c < n_full_tcols)
            def _():
                pltpu.make_async_copy(vouts[p],
                                      scr_hbm.at[pl.ds(0, blk_words)],
                                      osems[p]).wait()

        for h in range(depth - 1):
            fire_in(h, h)

        def body(k, carry):
            for h in range(depth):
                k2 = depth * k + h
                p = h
                fire_in(k2 + depth - 1, (h + depth - 1) % depth)
                wait_in(k2, p)

                @pl.when(k2 >= depth)
                def _():
                    wait_out(k2 - depth, p)

                @pl.when(col_of(k2) < n_full_tcols)
                def _():
                    transpose_tile(p)

                fire_out(k2, p)
            return carry

        lax.fori_loop(0, rounds, body, 0)
        for h in range(depth):
            wait_out(depth * rounds - depth + h, h)

        if tail:
            tail_words = tail * dim

            @pl.when(wid == num_workers - 1)
            def _():
                pltpu.sync_copy(tail_hbm, vout0.at[pl.ds(0, tail_words)])
                pltpu.sync_copy(
                    vout0.at[pl.ds(0, tail_words)],
                    scr_hbm.at[pl.ds(n_full_tcols * blk_words, tail_words)])

    @functools.partial(
        pl.kernel,
        mesh=mesh,
        compiler_params=pltpu.CompilerParams(needs_layout_passes=False),
        out_type=jax.ShapeDtypeStruct((seq, dim, batch), jnp.float32),
        scratch_types=[
            pltpu.VMEM((lanes,), jnp.int32),
            pltpu.VMEM((lanes,), jnp.int32),
            pltpu.VMEM((lanes,), jnp.int32),
            pltpu.VMEM((lanes,), jnp.int32),
            pltpu.VMEM((lanes,), jnp.int32),
            pltpu.VMEM((lanes,), jnp.int32),
            pltpu.VMEM((lanes, lanes), jnp.float32),
            pltpu.VMEM((lanes, lanes), jnp.float32),
            pltpu.VMEM((dim, lanes), jnp.float32),
            pltpu.VMEM((dim, lanes), jnp.float32),
            pltpu.SemaphoreType.DMA,
            pltpu.SemaphoreType.DMA,
            pltpu.SemaphoreType.DMA,
            pltpu.SemaphoreType.DMA,
            pltpu.SemaphoreType.DMA,
            pltpu.SemaphoreType.DMA,
        ],
    )
    def gather_kernel(idx_hbm, scr_hbm, out_hbm,
                      vidx0, vidx1, jref0, jref1, rbref0, rbref1,
                      g0, g1, vo0, vo1,
                      xsem0, xsem1, gsem0, gsem1, osem0, osem1):
        wid = lax.axis_index("s") * num_cores + lax.axis_index("c")
        boff = pl.multiple_of(wid * lanes, lanes)
        vidxs = (vidx0, vidx1)
        jrefs = (jref0, jref1)
        rbrefs = (rbref0, rbref1)
        gs = (g0, g1)
        vos = (vo0, vo1)
        xsems = (xsem0, xsem1)
        gsems = (gsem0, gsem1)
        osems = (osem0, osem1)
        iota = _iota16()

        def fire_idx(s, p):
            pltpu.async_copy(idx_hbm.at[s, pl.ds(boff, lanes)],
                             vidxs[p], xsems[p])

        def wait_idx(p):
            pltpu.make_async_copy(idx_hbm.at[0, pl.ds(boff, lanes)],
                                  vidxs[p], xsems[p]).wait()

        def fire_gather(p):
            for g in range(lanes // 16):
                iv = vidxs[p][pl.ds(16 * g, 16)]
                jrefs[p][pl.ds(16 * g, 16)] = lax.shift_right_logical(iv, 2)
                rbrefs[p][pl.ds(16 * g, 16)] = lax.shift_left(
                    lax.bitwise_and(iv, 3), 5)
            pltpu.async_copy(scr_hbm.at[jrefs[p]], gs[p], gsems[p])

        def wait_gather(p):
            pltpu.make_async_copy(scr_hbm.at[jrefs[p]], gs[p], gsems[p]).wait()

        def extract(p):
            G, vout = gs[p], vos[p]
            colbases = [rbrefs[p][pl.ds(16 * g, 16)]
                        for g in range(lanes // 16)]
            rows = [iota + 16 * g for g in range(lanes // 16)]

            def tbody(t, carry):
                pt = lax.bitwise_and(iota + t, dim - 1)
                for g in range(lanes // 16):
                    val = plsc.load_gather(G, [rows[g], colbases[g] + pt])
                    plsc.store_scatter(vout, [pt, rows[g]], val)
                return carry

            lax.fori_loop(0, dim, tbody, 0)

        def fire_out(s, p):
            pltpu.async_copy(vos[p], out_hbm.at[s].at[:, pl.ds(boff, lanes)],
                             osems[p])

        def wait_out(p):
            pltpu.make_async_copy(vos[p],
                                  out_hbm.at[0].at[:, pl.ds(boff, lanes)],
                                  osems[p]).wait()

        fire_idx(0, 0)
        wait_idx(0)
        fire_gather(0)
        fire_idx(1, 1)

        def body(k, carry):
            for h in range(2):
                s = 2 * k + h
                p = h

                @pl.when(s + 1 < seq)
                def _():
                    wait_idx(1 - p)
                    fire_gather(1 - p)

                @pl.when(s + 2 < seq)
                def _():
                    fire_idx(s + 2, p)

                wait_gather(p)

                @pl.when(s >= 2)
                def _():
                    wait_out(p)

                extract(p)
                fire_out(s, p)
            return carry

        lax.fori_loop(0, seq // 2, body, 0)
        wait_out(0)
        wait_out(1)

    return relayout_kernel, gather_kernel


def kernel(indices, table):
    batch, seq = indices.shape
    vocab, dim = table.shape
    relayout_kernel, gather_kernel = _make_kernels(seq, batch, vocab, dim)
    idx_t = jnp.transpose(indices.astype(jnp.int32))
    table_t = jnp.transpose(table)
    lanes = 128
    tail = vocab % lanes
    if tail:
        tail_rows = table[vocab - tail:].reshape(tail * dim)
    else:
        tail_rows = jnp.zeros((lanes,), jnp.float32)
    scratch = relayout_kernel(table_t, tail_rows)
    scratch = scratch.reshape(-1, lanes)
    out_t = gather_kernel(idx_t, scratch)
    return jnp.transpose(out_t, (2, 0, 1))

# --- scband reference (transcript-rebuilt; emitter-appended) ---
"""Pipeline reference for scband-word-embedding-based-network-45904610460174 (READ-ONLY COPY).

The authoritative reference and input builder live on the scoring server;
editing this copy changes nothing except your own understanding.
"""

import jax, jax.numpy as jnp
import numpy as np

VOCAB = 1000000
EMBED_DIM = 32
BATCH = 4096
SEQ = 50


def setup_inputs(seed: int = 0) -> dict:
    key = jax.random.key(seed)
    k_idx, k_tab = jax.random.split(key)
    indices = jax.random.randint(k_idx, (BATCH, SEQ), 0, VOCAB, dtype=jnp.int64 if jax.config.read('jax_enable_x64') else jnp.int32)
    table = jax.random.normal(k_tab, (VOCAB, EMBED_DIM), dtype=jnp.float32) * 0.6
    # pad row (id 0) is zeros, matching weights_matrix[pad_id] = zeros
    table = table.at[0].set(jnp.zeros((EMBED_DIM,), dtype=jnp.float32))
    return {"indices": indices, "table": table}


def reference(indices, table):
    # Faithful translation of nn.Embedding forward: row gather from the
    # pre-loaded GloVe weight matrix.
    return jnp.take(table, indices, axis=0)

if __name__ == "__main__":
    import jax
    _d = setup_inputs()
    print(jax.jit(kernel)(*tuple(_d.values())))

</pallas_src>

<mosaic_0001>
#map = affine_map<(d0, d1) -> (0, 0)>
#map1 = affine_map<(d0, d1) -> (0)>
module attributes {stable_mosaic.version = 14 : i64} {
  func.func @relayout_kernel(%arg0: i32, %arg1: i32, %arg2: memref<32x1000000xf32, #tpu.memory_space<hbm>>, %arg3: memref<2048xf32, #tpu.memory_space<hbm>>, %arg4: memref<32002048xf32, #tpu.memory_space<hbm>>, %arg5: memref<32x128xf32, #tpu.memory_space<vmem>>, %arg6: memref<32x128xf32, #tpu.memory_space<vmem>>, %arg7: memref<32x128xf32, #tpu.memory_space<vmem>>, %arg8: memref<32x128xf32, #tpu.memory_space<vmem>>, %arg9: memref<4096xf32, #tpu.memory_space<vmem>>, %arg10: memref<4096xf32, #tpu.memory_space<vmem>>, %arg11: memref<4096xf32, #tpu.memory_space<vmem>>, %arg12: memref<4096xf32, #tpu.memory_space<vmem>>, %arg13: memref<!tpu.dma_semaphore, #tpu.memory_space<semaphore_mem>>, %arg14: memref<!tpu.dma_semaphore, #tpu.memory_space<semaphore_mem>>, %arg15: memref<!tpu.dma_semaphore, #tpu.memory_space<semaphore_mem>>, %arg16: memref<!tpu.dma_semaphore, #tpu.memory_space<semaphore_mem>>, %arg17: memref<!tpu.dma_semaphore, #tpu.memory_space<semaphore_mem>>, %arg18: memref<!tpu.dma_semaphore, #tpu.memory_space<semaphore_mem>>, %arg19: memref<!tpu.dma_semaphore, #tpu.memory_space<semaphore_mem>>, %arg20: memref<!tpu.dma_semaphore, #tpu.memory_space<semaphore_mem>>) attributes {dimension_semantics = [#tpu.dimension_semantics<core_parallel>, #tpu.dimension_semantics<subcore_parallel>], iteration_bounds = array<i64: 2, 16>, scalar_prefetch = 0 : i64, scratch_operands = 16 : i64, tpu.core_type = #tpu.core_type<sc_vector_subcore>, window_params = [{transform_indices = #map}, {transform_indices = #map1}, {transform_indices = #map1}]} {
    %mul3A = arith.constant 2 : i32
    %mul3A_0 = arith.muli %arg1, %mul3A : i32
    %add3A = arith.addi %mul3A_0, %arg0 : i32
    %iota3A = tpu.iota {dimensions = array<i32: 0>} : vector<16xi32>
    %add3A_1 = arith.constant 0 : i32
    %add3A_2 = arith.addi %add3A, %add3A_1 : i32
    %lt3A = arith.constant 7812 : i32
    %lt3A_3 = arith.cmpi slt, %add3A_2, %lt3A : i32
    %convert_element_type3A = arith.extui %lt3A_3 : i1 to i32
    %cond3A = arith.constant 0 : i32
    %cond3A_4 = arith.cmpi ne, %convert_element_type3A, %cond3A : i32
    scf.if %cond3A_4 {
      %mul3A_56 = arith.constant 128 : i32
      %mul3A_57 = arith.muli %add3A_2, %mul3A_56 : i32
      %multiple_of3A = tpu.assume_multiple %mul3A_57, 128 : i32
      %dma_start3A = arith.constant 0 : i32
      %dma_start3A_58 = tpu.memref_slice %arg2[%dma_start3A, %multiple_of3A] : memref<32x1000000xf32, #tpu.memory_space<hbm>> -> memref<32x128xf32, #tpu.memory_space<hbm>>
      %dma_start3A_59 = arith.constant 0 : i32
      %dma_start3A_60 = tpu.memref_slice %arg2[%dma_start3A_59, %multiple_of3A] : memref<32x1000000xf32, #tpu.memory_space<hbm>> -> memref<32x128xf32, #tpu.memory_space<hbm>>
      tpu.enqueue_dma source(%dma_start3A_60 : memref<32x128xf32, #tpu.memory_space<hbm>>) target(%arg5 : memref<32x128xf32, #tpu.memory_space<vmem>>) target_semaphore(%arg13 : memref<!tpu.dma_semaphore, #tpu.memory_space<semaphore_mem>>)
    } else {
    }
    %add3A_5 = arith.constant 32 : i32
    %add3A_6 = arith.addi %add3A, %add3A_5 : i32
    %lt3A_7 = arith.constant 7812 : i32
    %lt3A_8 = arith.cmpi slt, %add3A_6, %lt3A_7 : i32
    %convert_element_type3A_9 = arith.extui %lt3A_8 : i1 to i32
    %cond3A_10 = arith.constant 0 : i32
    %cond3A_11 = arith.cmpi ne, %convert_element_type3A_9, %cond3A_10 : i32
    scf.if %cond3A_11 {
      %mul3A_56 = arith.constant 128 : i32
      %mul3A_57 = arith.muli %add3A_6, %mul3A_56 : i32
      %multiple_of3A = tpu.assume_multiple %mul3A_57, 128 : i32
      %dma_start3A = arith.constant 0 : i32
      %dma_start3A_58 = tpu.memref_slice %arg2[%dma_start3A, %multiple_of3A] : memref<32x1000000xf32, #tpu.memory_space<hbm>> -> memref<32x128xf32, #tpu.memory_space<hbm>>
      %dma_start3A_59 = arith.constant 0 : i32
      %dma_start3A_60 = tpu.memref_slice %arg2[%dma_start3A_59, %multiple_of3A] : memref<32x1000000xf32, #tpu.memory_space<hbm>> -> memref<32x128xf32, #tpu.memory_space<hbm>>
      tpu.enqueue_dma source(%dma_start3A_60 : memref<32x128xf32, #tpu.memory_space<hbm>>) target(%arg6 : memref<32x128xf32, #tpu.memory_space<vmem>>) target_semaphore(%arg14 : memref<!tpu.dma_semaphore, #tpu.memory_space<semaphore_mem>>)
    } else {
    }
    %add3A_12 = arith.constant 64 : i32
    %add3A_13 = arith.addi %add3A, %add3A_12 : i32
    %lt3A_14 = arith.constant 7812 : i32
    %lt3A_15 = arith.cmpi slt, %add3A_13, %lt3A_14 : i32
    %convert_element_type3A_16 = arith.extui %lt3A_15 : i1 to i32
    %cond3A_17 = arith.constant 0 : i32
    %cond3A_18 = arith.cmpi ne, %convert_element_type3A_16, %cond3A_17 : i32
    scf.if %cond3A_18 {
      %mul3A_56 = arith.constant 128 : i32
      %mul3A_57 = arith.muli %add3A_13, %mul3A_56 : i32
      %multiple_of3A = tpu.assume_multiple %mul3A_57, 128 : i32
      %dma_start3A = arith.constant 0 : i32
      %dma_start3A_58 = tpu.memref_slice %arg2[%dma_start3A, %multiple_of3A] : memref<32x1000000xf32, #tpu.memory_space<hbm>> -> memref<32x128xf32, #tpu.memory_space<hbm>>
      %dma_start3A_59 = arith.constant 0 : i32
      %dma_start3A_60 = tpu.memref_slice %arg2[%dma_start3A_59, %multiple_of3A] : memref<32x1000000xf32, #tpu.memory_space<hbm>> -> memref<32x128xf32, #tpu.memory_space<hbm>>
      tpu.enqueue_dma source(%dma_start3A_60 : memref<32x128xf32, #tpu.memory_space<hbm>>) target(%arg7 : memref<32x128xf32, #tpu.memory_space<vmem>>) target_semaphore(%arg15 : memref<!tpu.dma_semaphore, #tpu.memory_space<semaphore_mem>>)
    } else {
    }
    %scan3A = arith.constant 0 : i32
    %scan3A_19 = arith.constant 0 : i32
    %scan3A_20 = arith.constant 62 : i32
    %scan3A_21 = arith.addi %scan3A_19, %scan3A_20 : i32
    %scan3A_22 = arith.constant 1 : i32
    scf.for %scan3A_56 = %scan3A_19 to %scan3A_21 step %scan3A_22  : i32 {
      %mul3A_57 = arith.constant 4 : i32
      %mul3A_58 = arith.muli %mul3A_57, %scan3A_56 : i32
      %add3A_59 = arith.constant 0 : i32
      %add3A_60 = arith.addi %mul3A_58, %add3A_59 : i32
      %add3A_61 = arith.constant 4 : i32
      %add3A_62 = arith.addi %add3A_60, %add3A_61 : i32
      %sub3A = arith.constant 1 : i32
      %sub3A_63 = arith.subi %add3A_62, %sub3A : i32
      %mul3A_64 = arith.constant 32 : i32
      %mul3A_65 = arith.muli %sub3A_63, %mul3A_64 : i32
      %add3A_66 = arith.addi %add3A, %mul3A_65 : i32
      %lt3A_67 = arith.constant 7812 : i32
      %lt3A_68 = arith.cmpi slt, %add3A_66, %lt3A_67 : i32
      %convert_element_type3A_69 = arith.extui %lt3A_68 : i1 to i32
      %cond3A_70 = arith.constant 0 : i32
      %cond3A_71 = arith.cmpi ne, %convert_element_type3A_69, %cond3A_70 : i32
      scf.if %cond3A_71 {
        %mul3A_235 = arith.constant 128 : i32
        %mul3A_236 = arith.muli %add3A_66, %mul3A_235 : i32
        %multiple_of3A = tpu.assume_multiple %mul3A_236, 128 : i32
        %dma_start3A = arith.constant 0 : i32
        %dma_start3A_237 = tpu.memref_slice %arg2[%dma_start3A, %multiple_of3A] : memref<32x1000000xf32, #tpu.memory_space<hbm>> -> memref<32x128xf32, #tpu.memory_space<hbm>>
        %dma_start3A_238 = arith.constant 0 : i32
        %dma_start3A_239 = tpu.memref_slice %arg2[%dma_start3A_238, %multiple_of3A] : memref<32x1000000xf32, #tpu.memory_space<hbm>> -> memref<32x128xf32, #tpu.memory_space<hbm>>
        tpu.enqueue_dma source(%dma_start3A_239 : memref<32x128xf32, #tpu.memory_space<hbm>>) target(%arg8 : memref<32x128xf32, #tpu.memory_space<vmem>>) target_semaphore(%arg16 : memref<!tpu.dma_semaphore, #tpu.memory_space<semaphore_mem>>)
      } else {
      }
      %mul3A_72 = arith.constant 32 : i32
      %mul3A_73 = arith.muli %add3A_60, %mul3A_72 : i32
      %add3A_74 = arith.addi %add3A, %mul3A_73 : i32
      %lt3A_75 = arith.constant 7812 : i32
      %lt3A_76 = arith.cmpi slt, %add3A_74, %lt3A_75 : i32
      %convert_element_type3A_77 = arith.extui %lt3A_76 : i1 to i32
      %cond3A_78 = arith.constant 0 : i32
      %cond3A_79 = arith.cmpi ne, %convert_element_type3A_77, %cond3A_78 : i32
      scf.if %cond3A_79 {
        %dma_wait3A = arith.constant 0 : i32
        %dma_wait3A_235 = arith.constant 0 : i32
        %dma_wait3A_236 = tpu.memref_slice %arg2[%dma_wait3A, %dma_wait3A_235] : memref<32x1000000xf32, #tpu.memory_space<hbm>> -> memref<32x128xf32, #tpu.memory_space<hbm>>
        %dma_wait3A_237 = arith.constant 0 : i32
        %dma_wait3A_238 = arith.constant 0 : i32
        %dma_wait3A_239 = tpu.memref_slice %arg2[%dma_wait3A_237, %dma_wait3A_238] : memref<32x1000000xf32, #tpu.memory_space<hbm>> -> memref<32x128xf32, #tpu.memory_space<hbm>>
        tpu.wait_dma2 semaphore(%arg13 : memref<!tpu.dma_semaphore, #tpu.memory_space<semaphore_mem>>) src(%dma_wait3A_239 : memref<32x128xf32, #tpu.memory_space<hbm>>) dst(%arg5 : memref<32x128xf32, #tpu.memory_space<vmem>>)
      } else {
      }
      %ge3A = arith.constant 4 : i32
      %ge3A_80 = arith.cmpi sge, %add3A_60, %ge3A : i32
      %convert_element_type3A_81 = arith.extui %ge3A_80 : i1 to i32
      %cond3A_82 = arith.constant 0 : i32
      %cond3A_83 = arith.cmpi ne, %convert_element_type3A_81, %cond3A_82 : i32
      scf.if %cond3A_83 {
        %sub3A_235 = arith.constant 4 : i32
        %sub3A_236 = arith.subi %add3A_60, %sub3A_235 : i32
        %mul3A_237 = arith.constant 32 : i32
        %mul3A_238 = arith.muli %sub3A_236, %mul3A_237 : i32
        %add3A_239 = arith.addi %add3A, %mul3A_238 : i32
        %lt3A_240 = arith.constant 7812 : i32
        %lt3A_241 = arith.cmpi slt, %add3A_239, %lt3A_240 : i32
        %convert_element_type3A_242 = arith.extui %lt3A_241 : i1 to i32
        %cond3A_243 = arith.constant 0 : i32
        %cond3A_244 = arith.cmpi ne, %convert_element_type3A_242, %cond3A_243 : i32
        scf.if %cond3A_244 {
          %dma_wait3A = arith.constant 0 : i32
          %dma_wait3A_245 = tpu.memref_slice %arg4[%dma_wait3A] : memref<32002048xf32, #tpu.memory_space<hbm>> -> memref<4096xf32, #tpu.memory_space<hbm>>
          %dma_wait3A_246 = arith.constant 0 : i32
          %dma_wait3A_247 = tpu.memref_slice %arg4[%dma_wait3A_246] : memref<32002048xf32, #tpu.memory_space<hbm>> -> memref<4096xf32, #tpu.memory_space<hbm>>
          tpu.wait_dma2 semaphore(%arg17 : memref<!tpu.dma_semaphore, #tpu.memory_space<semaphore_mem>>) src(%arg9 : memref<4096xf32, #tpu.memory_space<vmem>>) dst(%dma_wait3A_247 : memref<4096xf32, #tpu.memory_space<hbm>>)
        } else {
        }
      } else {
      }
      %mul3A_84 = arith.constant 32 : i32
      %mul3A_85 = arith.muli %add3A_60, %mul3A_84 : i32
      %add3A_86 = arith.addi %add3A, %mul3A_85 : i32
      %lt3A_87 = arith.constant 7812 : i32
      %lt3A_88 = arith.cmpi slt, %add3A_86, %lt3A_87 : i32
      %convert_element_type3A_89 = arith.extui %lt3A_88 : i1 to i32
      %cond3A_90 = arith.constant 0 : i32
      %cond3A_91 = arith.cmpi ne, %convert_element_type3A_89, %cond3A_90 : i32
      scf.if %cond3A_91 {
        %add3A_235 = arith.constant 0 : i32
        %add3A_236 = vector.broadcast %add3A_235 : i32 to vector<16xi32>
        %add3A_237 = arith.addi %iota3A, %add3A_236 : vector<16xi32>
        %add3A_238 = arith.constant 16 : i32
        %add3A_239 = vector.broadcast %add3A_238 : i32 to vector<16xi32>
        %add3A_240 = arith.addi %iota3A, %add3A_239 : vector<16xi32>
        %scan3A_241 = arith.constant 0 : i32
        %scan3A_242 = arith.constant 0 : i32
        %scan3A_243 = arith.constant 16 : i32
        %scan3A_244 = arith.addi %scan3A_242, %scan3A_243 : i32
        %scan3A_245 = arith.constant 1 : i32
        scf.for %scan3A_247 = %scan3A_242 to %scan3A_244 step %scan3A_245  : i32 {
          %add3A_248 = vector.broadcast %scan3A_247 : i32 to vector<16xi32>
          %add3A_249 = arith.addi %iota3A, %add3A_248 : vector<16xi32>
          %and3A = arith.constant 15 : i32
          %and3A_250 = vector.broadcast %and3A : i32 to vector<16xi32>
          %and3A_251 = arith.andi %add3A_249, %and3A_250 : vector<16xi32>
          %shift_left3A = arith.constant 5 : i32
          %shift_left3A_252 = vector.broadcast %shift_left3A : i32 to vector<16xi32>
          %shift_left3A_253 = arith.shli %and3A_251, %shift_left3A_252 : vector<16xi32>
          %add3A_254 = arith.addi %shift_left3A_253, %iota3A : vector<16xi32>
          %add3A_255 = arith.constant 0 : i32
          %add3A_256 = vector.broadcast %add3A_255 : i32 to vector<16xi32>
          %add3A_257 = arith.addi %and3A_251, %add3A_256 : vector<16xi32>
          %gather3A = tpu.vector_load_idx %arg5[%add3A_237, %add3A_257] : memref<32x128xf32, #tpu.memory_space<vmem>>[vector<16xi32>, vector<16xi32>], vector<16xf32>,
          %add3A_258 = arith.constant 0 : i32
          %add3A_259 = vector.broadcast %add3A_258 : i32 to vector<16xi32>
          %add3A_260 = arith.addi %add3A_254, %add3A_259 : vector<16xi32>
          tpu.vector_store_idx %arg9[%add3A_260], %gather3A : memref<4096xf32, #tpu.memory_space<vmem>>[vector<16xi32>], vector<16xf32>,
          %add3A_261 = arith.constant 16 : i32
          %add3A_262 = vector.broadcast %add3A_261 : i32 to vector<16xi32>
          %add3A_263 = arith.addi %and3A_251, %add3A_262 : vector<16xi32>
          %gather3A_264 = tpu.vector_load_idx %arg5[%add3A_237, %add3A_263] : memref<32x128xf32, #tpu.memory_space<vmem>>[vector<16xi32>, vector<16xi32>], vector<16xf32>,
          %add3A_265 = arith.constant 512 : i32
          %add3A_266 = vector.broadcast %add3A_265 : i32 to vector<16xi32>
          %add3A_267 = arith.addi %add3A_254, %add3A_266 : vector<16xi32>
          tpu.vector_store_idx %arg9[%add3A_267], %gather3A_264 : memref<4096xf32, #tpu.memory_space<vmem>>[vector<16xi32>], vector<16xf32>,
          %add3A_268 = arith.constant 32 : i32
          %add3A_269 = vector.broadcast %add3A_268 : i32 to vector<16xi32>
          %add3A_270 = arith.addi %and3A_251, %add3A_269 : vector<16xi32>
          %gather3A_271 = tpu.vector_load_idx %arg5[%add3A_237, %add3A_270] : memref<32x128xf32, #tpu.memory_space<vmem>>[vector<16xi32>, vector<16xi32>], vector<16xf32>,
          %add3A_272 = arith.constant 1024 : i32
          %add3A_273 = vector.broadcast %add3A_272 : i32 to vector<16xi32>
          %add3A_274 = arith.addi %add3A_254, %add3A_273 : vector<16xi32>
          tpu.vector_store_idx %arg9[%add3A_274], %gather3A_271 : memref<4096xf32, #tpu.memory_space<vmem>>[vector<16xi32>], vector<16xf32>,
          %add3A_275 = arith.constant 48 : i32
          %add3A_276 = vector.broadcast %add3A_275 : i32 to vector<16xi32>
          %add3A_277 = arith.addi %and3A_251, %add3A_276 : vector<16xi32>
          %gather3A_278 = tpu.vector_load_idx %arg5[%add3A_237, %add3A_277] : memref<32x128xf32, #tpu.memory_space<vmem>>[vector<16xi32>, vector<16xi32>], vector<16xf32>,
          %add3A_279 = arith.constant 1536 : i32
          %add3A_280 = vector.broadcast %add3A_279 : i32 to vector<16xi32>
          %add3A_281 = arith.addi %add3A_254, %add3A_280 : vector<16xi32>
          tpu.vector_store_idx %arg9[%add3A_281], %gather3A_278 : memref<4096xf32, #tpu.memory_space<vmem>>[vector<16xi32>], vector<16xf32>,
          %add3A_282 = arith.constant 64 : i32
          %add3A_283 = vector.broadcast %add3A_282 : i32 to vector<16xi32>
          %add3A_284 = arith.addi %and3A_251, %add3A_283 : vector<16xi32>
          %gather3A_285 = tpu.vector_load_idx %arg5[%add3A_237, %add3A_284] : memref<32x128xf32, #tpu.memory_space<vmem>>[vector<16xi32>, vector<16xi32>], vector<16xf32>,
          %add3A_286 = arith.constant 2048 : i32
          %add3A_287 = vector.broadcast %add3A_286 : i32 to vector<16xi32>
          %add3A_288 = arith.addi %add3A_254, %add3A_287 : vector<16xi32>
          tpu.vector_store_idx %arg9[%add3A_288], %gather3A_285 : memref<4096xf32, #tpu.memory_space<vmem>>[vector<16xi32>], vector<16xf32>,
          %add3A_289 = arith.constant 80 : i32
          %add3A_290 = vector.broadcast %add3A_289 : i32 to vector<16xi32>
          %add3A_291 = arith.addi %and3A_251, %add3A_290 : vector<16xi32>
          %gather3A_292 = tpu.vector_load_idx %arg5[%add3A_237, %add3A_291] : memref<32x128xf32, #tpu.memory_space<vmem>>[vector<16xi32>, vector<16xi32>], vector<16xf32>,
          %add3A_293 = arith.constant 2560 : i32
          %add3A_294 = vector.broadcast %add3A_293 : i32 to vector<16xi32>
          %add3A_295 = arith.addi %add3A_254, %add3A_294 : vector<16xi32>
          tpu.vector_store_idx %arg9[%add3A_295], %gather3A_292 : memref<4096xf32, #tpu.memory_space<vmem>>[vector<16xi32>], vector<16xf32>,
          %add3A_296 = arith.constant 96 : i32
          %add3A_297 = vector.broadcast %add3A_296 : i32 to vector<16xi32>
          %add3A_298 = arith.addi %and3A_251, %add3A_297 : vector<16xi32>
          %gather3A_299 = tpu.vector_load_idx %arg5[%add3A_237, %add3A_298] : memref<32x128xf32, #tpu.memory_space<vmem>>[vector<16xi32>, vector<16xi32>], vector<16xf32>,
          %add3A_300 = arith.constant 3072 : i32
          %add3A_301 = vector.broadcast %add3A_300 : i32 to vector<16xi32>
          %add3A_302 = arith.addi %add3A_254, %add3A_301 : vector<16xi32>
          tpu.vector_store_idx %arg9[%add3A_302], %gather3A_299 : memref<4096xf32, #tpu.memory_space<vmem>>[vector<16xi32>], vector<16xf32>,
          %add3A_303 = arith.constant 112 : i32
          %add3A_304 = vector.broadcast %add3A_303 : i32 to vector<16xi32>
          %add3A_305 = arith.addi %and3A_251, %add3A_304 : vector<16xi32>
          %gather3A_306 = tpu.vector_load_idx %arg5[%add3A_237, %add3A_305] : memref<32x128xf32, #tpu.memory_space<vmem>>[vector<16xi32>, vector<16xi32>], vector<16xf32>,
          %add3A_307 = arith.constant 3584 : i32
          %add3A_308 = vector.broadcast %add3A_307 : i32 to vector<16xi32>
          %add3A_309 = arith.addi %add3A_254, %add3A_308 : vector<16xi32>
          tpu.vector_store_idx %arg9[%add3A_309], %gather3A_306 : memref<4096xf32, #tpu.memory_space<vmem>>[vector<16xi32>], vector<16xf32>,
          %add3A_310 = arith.constant 0 : i32
          %add3A_311 = vector.broadcast %add3A_310 : i32 to vector<16xi32>
          %add3A_312 = arith.addi %and3A_251, %add3A_311 : vector<16xi32>
          %gather3A_313 = tpu.vector_load_idx %arg5[%add3A_240, %add3A_312] : memref<32x128xf32, #tpu.memory_space<vmem>>[vector<16xi32>, vector<16xi32>], vector<16xf32>,
          %add3A_314 = arith.constant 16 : i32
          %add3A_315 = vector.broadcast %add3A_314 : i32 to vector<16xi32>
          %add3A_316 = arith.addi %add3A_254, %add3A_315 : vector<16xi32>
          tpu.vector_store_idx %arg9[%add3A_316], %gather3A_313 : memref<4096xf32, #tpu.memory_space<vmem>>[vector<16xi32>], vector<16xf32>,
          %add3A_317 = arith.constant 16 : i32
          %add3A_318 = vector.broadcast %add3A_317 : i32 to vector<16xi32>
          %add3A_319 = arith.addi %and3A_251, %add3A_318 : vector<16xi32>
          %gather3A_320 = tpu.vector_load_idx %arg5[%add3A_240, %add3A_319] : memref<32x128xf32, #tpu.memory_space<vmem>>[vector<16xi32>, vector<16xi32>], vector<16xf32>,
          %add3A_321 = arith.constant 528 : i32
          %add3A_322 = vector.broadcast %add3A_321 : i32 to vector<16xi32>
          %add3A_323 = arith.addi %add3A_254, %add3A_322 : vector<16xi32>
          tpu.vector_store_idx %arg9[%add3A_323], %gather3A_320 : memref<4096xf32, #tpu.memory_space<vmem>>[vector<16xi32>], vector<16xf32>,
          %add3A_324 = arith.constant 32 : i32
          %add3A_325 = vector.broadcast %add3A_324 : i32 to vector<16xi32>
          %add3A_326 = arith.addi %and3A_251, %add3A_325 : vector<16xi32>
          %gather3A_327 = tpu.vector_load_idx %arg5[%add3A_240, %add3A_326] : memref<32x128xf32, #tpu.memory_space<vmem>>[vector<16xi32>, vector<16xi32>], vector<16xf32>,
          %add3A_328 = arith.constant 1040 : i32
          %add3A_329 = vector.broadcast %add3A_328 : i32 to vector<16xi32>
          %add3A_330 = arith.addi %add3A_254, %add3A_329 : vector<16xi32>
          tpu.vector_store_idx %arg9[%add3A_330], %gather3A_327 : memref<4096xf32, #tpu.memory_space<vmem>>[vector<16xi32>], vector<16xf32>,
          %add3A_331 = arith.constant 48 : i32
          %add3A_332 = vector.broadcast %add3A_331 : i32 to vector<16xi32>
          %add3A_333 = arith.addi %and3A_251, %add3A_332 : vector<16xi32>
          %gather3A_334 = tpu.vector_load_idx %arg5[%add3A_240, %add3A_333] : memref<32x128xf32, #tpu.memory_space<vmem>>[vector<16xi32>, vector<16xi32>], vector<16xf32>,
          %add3A_335 = arith.constant 1552 : i32
          %add3A_336 = vector.broadcast %add3A_335 : i32 to vector<16xi32>
          %add3A_337 = arith.addi %add3A_254, %add3A_336 : vector<16xi32>
          tpu.vector_store_idx %arg9[%add3A_337], %gather3A_334 : memref<4096xf32, #tpu.memory_space<vmem>>[vector<16xi32>], vector<16xf32>,
          %add3A_338 = arith.constant 64 : i32
          %add3A_339 = vector.broadcast %add3A_338 : i32 to vector<16xi32>
          %add3A_340 = arith.addi %and3A_251, %add3A_339 : vector<16xi32>
          %gather3A_341 = tpu.vector_load_idx %arg5[%add3A_240, %add3A_340] : memref<32x128xf32, #tpu.memory_space<vmem>>[vector<16xi32>, vector<16xi32>], vector<16xf32>,
          %add3A_342 = arith.constant 2064 : i32
          %add3A_343 = vector.broadcast %add3A_342 : i32 to vector<16xi32>
          %add3A_344 = arith.addi %add3A_254, %add3A_343 : vector<16xi32>
          tpu.vector_store_idx %arg9[%add3A_344], %gather3A_341 : memref<4096xf32, #tpu.memory_space<vmem>>[vector<16xi32>], vector<16xf32>,
          %add3A_345 = arith.constant 80 : i32
          %add3A_346 = vector.broadcast %add3A_345 : i32 to vector<16xi32>
          %add3A_347 = arith.addi %and3A_251, %add3A_346 : vector<16xi32>
          %gather3A_348 = tpu.vector_load_idx %arg5[%add3A_240, %add3A_347] : memref<32x128xf32, #tpu.memory_space<vmem>>[vector<16xi32>, vector<16xi32>], vector<16xf32>,
          %add3A_349 = arith.constant 2576 : i32
          %add3A_350 = vector.broadcast %add3A_349 : i32 to vector<16xi32>
          %add3A_351 = arith.addi %add3A_254, %add3A_350 : vector<16xi32>
          tpu.vector_store_idx %arg9[%add3A_351], %gather3A_348 : memref<4096xf32, #tpu.memory_space<vmem>>[vector<16xi32>], vector<16xf32>,
          %add3A_352 = arith.constant 96 : i32
          %add3A_353 = vector.broadcast %add3A_352 : i32 to vector<16xi32>
          %add3A_354 = arith.addi %and3A_251, %add3A_353 : vector<16xi32>
          %gather3A_355 = tpu.vector_load_idx %arg5[%add3A_240, %add3A_354] : memref<32x128xf32, #tpu.memory_space<vmem>>[vector<16xi32>, vector<16xi32>], vector<16xf32>,
          %add3A_356 = arith.constant 3088 : i32
          %add3A_357 = vector.broadcast %add3A_356 : i32 to vector<16xi32>
          %add3A_358 = arith.addi %add3A_254, %add3A_357 : vector<16xi32>
          tpu.vector_store_idx %arg9[%add3A_358], %gather3A_355 : memref<4096xf32, #tpu.memory_space<vmem>>[vector<16xi32>], vector<16xf32>,
          %add3A_359 = arith.constant 112 : i32
          %add3A_360 = vector.broadcast %add3A_359 : i32 to vector<16xi32>
          %add3A_361 = arith.addi %and3A_251, %add3A_360 : vector<16xi32>
          %gather3A_362 = tpu.vector_load_idx %arg5[%add3A_240, %add3A_361] : memref<32x128xf32, #tpu.memory_space<vmem>>[vector<16xi32>, vector<16xi32>], vector<16xf32>,
          %add3A_363 = arith.constant 3600 : i32
          %add3A_364 = vector.broadcast %add3A_363 : i32 to vector<16xi32>
          %add3A_365 = arith.addi %add3A_254, %add3A_364 : vector<16xi32>
          tpu.vector_store_idx %arg9[%add3A_365], %gather3A_362 : memref<4096xf32, #tpu.memory_space<vmem>>[vector<16xi32>], vector<16xf32>,
        }
        %scan3A_246 = arith.constant 16 : i32
      } else {
      }
      %mul3A_92 = arith.constant 32 : i32
      %mul3A_93 = arith.muli %add3A_60, %mul3A_92 : i32
      %add3A_94 = arith.addi %add3A, %mul3A_93 : i32
      %lt3A_95 = arith.constant 7812 : i32
      %lt3A_96 = arith.cmpi slt, %add3A_94, %lt3A_95 : i32
      %convert_element_type3A_97 = arith.extui %lt3A_96 : i1 to i32
      %cond3A_98 = arith.constant 0 : i32
      %cond3A_99 = arith.cmpi ne, %convert_element_type3A_97, %cond3A_98 : i32
      scf.if %cond3A_99 {
        %mul3A_235 = arith.constant 4096 : i32
        %mul3A_236 = arith.muli %add3A_94, %mul3A_235 : i32
        %multiple_of3A = tpu.assume_multiple %mul3A_236, 8 : i32
        %dma_start3A = tpu.memref_slice %arg4[%multiple_of3A] : memref<32002048xf32, #tpu.memory_space<hbm>> -> memref<4096xf32, #tpu.memory_space<hbm>>
        %dma_start3A_237 = tpu.memref_slice %arg4[%multiple_of3A] : memref<32002048xf32, #tpu.memory_space<hbm>> -> memref<4096xf32, #tpu.memory_space<hbm>>
        tpu.enqueue_dma source(%arg9 : memref<4096xf32, #tpu.memory_space<vmem>>) target(%dma_start3A_237 : memref<4096xf32, #tpu.memory_space<hbm>>) target_semaphore(%arg17 : memref<!tpu.dma_semaphore, #tpu.memory_space<semaphore_mem>>)
      } else {
      }
      %mul3A_100 = arith.constant 4 : i32
      %mul3A_101 = arith.muli %mul3A_100, %scan3A_56 : i32
      %add3A_102 = arith.constant 1 : i32
      %add3A_103 = arith.addi %mul3A_101, %add3A_102 : i32
      %add3A_104 = arith.constant 4 : i32
      %add3A_105 = arith.addi %add3A_103, %add3A_104 : i32
      %sub3A_106 = arith.constant 1 : i32
      %sub3A_107 = arith.subi %add3A_105, %sub3A_106 : i32
      %mul3A_108 = arith.constant 32 : i32
      %mul3A_109 = arith.muli %sub3A_107, %mul3A_108 : i32
      %add3A_110 = arith.addi %add3A, %mul3A_109 : i32
      %lt3A_111 = arith.constant 7812 : i32
      %lt3A_112 = arith.cmpi slt, %add3A_110, %lt3A_111 : i32
      %convert_element_type3A_113 = arith.extui %lt3A_112 : i1 to i32
      %cond3A_114 = arith.constant 0 : i32
      %cond3A_115 = arith.cmpi ne, %convert_element_type3A_113, %cond3A_114 : i32
      scf.if %cond3A_115 {
        %mul3A_235 = arith.constant 128 : i32
        %mul3A_236 = arith.muli %add3A_110, %mul3A_235 : i32
        %multiple_of3A = tpu.assume_multiple %mul3A_236, 128 : i32
        %dma_start3A = arith.constant 0 : i32
        %dma_start3A_237 = tpu.memref_slice %arg2[%dma_start3A, %multiple_of3A] : memref<32x1000000xf32, #tpu.memory_space<hbm>> -> memref<32x128xf32, #tpu.memory_space<hbm>>
        %dma_start3A_238 = arith.constant 0 : i32
        %dma_start3A_239 = tpu.memref_slice %arg2[%dma_start3A_238, %multiple_of3A] : memref<32x1000000xf32, #tpu.memory_space<hbm>> -> memref<32x128xf32, #tpu.memory_space<hbm>>
        tpu.enqueue_dma source(%dma_start3A_239 : memref<32x128xf32, #tpu.memory_space<hbm>>) target(%arg5 : memref<32x128xf32, #tpu.memory_space<vmem>>) target_semaphore(%arg13 : memref<!tpu.dma_semaphore, #tpu.memory_space<semaphore_mem>>)
      } else {
      }
      %mul3A_116 = arith.constant 32 : i32
      %mul3A_117 = arith.muli %add3A_103, %mul3A_116 : i32
      %add3A_118 = arith.addi %add3A, %mul3A_117 : i32
      %lt3A_119 = arith.constant 7812 : i32
      %lt3A_120 = arith.cmpi slt, %add3A_118, %lt3A_119 : i32
      %convert_element_type3A_121 = arith.extui %lt3A_120 : i1 to i32
      %cond3A_122 = arith.constant 0 : i32
      %cond3A_123 = arith.cmpi ne, %convert_element_type3A_121, %cond3A_122 : i32
      scf.if %cond3A_123 {
        %dma_wait3A = arith.constant 0 : i32
        %dma_wait3A_235 = arith.constant 0 : i32
        %dma_wait3A_236 = tpu.memref_slice %arg2[%dma_wait3A, %dma_wait3A_235] : memref<32x1000000xf32, #tpu.memory_space<hbm>> -> memref<32x128xf32, #tpu.memory_space<hbm>>
        %dma_wait3A_237 = arith.constant 0 : i32
        %dma_wait3A_238 = arith.constant 0 : i32
        %dma_wait3A_239 = tpu.memref_slice %arg2[%dma_wait3A_237, %dma_wait3A_238] : memref<32x1000000xf32, #tpu.memory_space<hbm>> -> memref<32x128xf32, #tpu.memory_space<hbm>>
        tpu.wait_dma2 semaphore(%arg14 : memref<!tpu.dma_semaphore, #tpu.memory_space<semaphore_mem>>) src(%dma_wait3A_239 : memref<32x128xf32, #tpu.memory_space<hbm>>) dst(%arg6 : memref<32x128xf32, #tpu.memory_space<vmem>>)
      } else {
      }
      %ge3A_124 = arith.constant 4 : i32
      %ge3A_125 = arith.cmpi sge, %add3A_103, %ge3A_124 : i32
      %convert_element_type3A_126 = arith.extui %ge3A_125 : i1 to i32
      %cond3A_127 = arith.constant 0 : i32
      %cond3A_128 = arith.cmpi ne, %convert_element_type3A_126, %cond3A_127 : i32
      scf.if %cond3A_128 {
        %sub3A_235 = arith.constant 4 : i32
        %sub3A_236 = arith.subi %add3A_103, %sub3A_235 : i32
        %mul3A_237 = arith.constant 32 : i32
        %mul3A_238 = arith.muli %sub3A_236, %mul3A_237 : i32
        %add3A_239 = arith.addi %add3A, %mul3A_238 : i32
        %lt3A_240 = arith.constant 7812 : i32
        %lt3A_241 = arith.cmpi slt, %add3A_239, %lt3A_240 : i32
        %convert_element_type3A_242 = arith.extui %lt3A_241 : i1 to i32
        %cond3A_243 = arith.constant 0 : i32
        %cond3A_244 = arith.cmpi ne, %convert_element_type3A_242, %cond3A_243 : i32
        scf.if %cond3A_244 {
          %dma_wait3A = arith.constant 0 : i32
          %dma_wait3A_245 = tpu.memref_slice %arg4[%dma_wait3A] : memref<32002048xf32, #tpu.memory_space<hbm>> -> memref<4096xf32, #tpu.memory_space<hbm>>
          %dma_wait3A_246 = arith.constant 0 : i32
          %dma_wait3A_247 = tpu.memref_slice %arg4[%dma_wait3A_246] : memref<32002048xf32, #tpu.memory_space<hbm>> -> memref<4096xf32, #tpu.memory_space<hbm>>
          tpu.wait_dma2 semaphore(%arg18 : memref<!tpu.dma_semaphore, #tpu.memory_space<semaphore_mem>>) src(%arg10 : memref<4096xf32, #tpu.memory_space<vmem>>) dst(%dma_wait3A_247 : memref<4096xf32, #tpu.memory_space<hbm>>)
        } else {
        }
      } else {
      }
      %mul3A_129 = arith.constant 32 : i32
      %mul3A_130 = arith.muli %add3A_103, %mul3A_129 : i32
      %add3A_131 = arith.addi %add3A, %mul3A_130 : i32
      %lt3A_132 = arith.constant 7812 : i32
      %lt3A_133 = arith.cmpi slt, %add3A_131, %lt3A_132 : i32
      %convert_element_type3A_134 = arith.extui %lt3A_133 : i1 to i32
      %cond3A_135 = arith.constant 0 : i32
      %cond3A_136 = arith.cmpi ne, %convert_element_type3A_134, %cond3A_135 : i32
      scf.if %cond3A_136 {
        %add3A_235 = arith.constant 0 : i32
        %add3A_236 = vector.broadcast %add3A_235 : i32 to vector<16xi32>
        %add3A_237 = arith.addi %iota3A, %add3A_236 : vector<16xi32>
        %add3A_238 = arith.constant 16 : i32
        %add3A_239 = vector.broadcast %add3A_238 : i32 to vector<16xi32>
        %add3A_240 = arith.addi %iota3A, %add3A_239 : vector<16xi32>
        %scan3A_241 = arith.constant 0 : i32
        %scan3A_242 = arith.constant 0 : i32
        %scan3A_243 = arith.constant 16 : i32
        %scan3A_244 = arith.addi %scan3A_242, %scan3A_243 : i32
        %scan3A_245 = arith.constant 1 : i32
        scf.for %scan3A_247 = %scan3A_242 to %scan3A_244 step %scan3A_245  : i32 {
          %add3A_248 = vector.broadcast %scan3A_247 : i32 to vector<16xi32>
          %add3A_249 = arith.addi %iota3A, %add3A_248 : vector<16xi32>
          %and3A = arith.constant 15 : i32
          %and3A_250 = vector.broadcast %and3A : i32 to vector<16xi32>
          %and3A_251 = arith.andi %add3A_249, %and3A_250 : vector<16xi32>
          %shift_left3A = arith.constant 5 : i32
          %shift_left3A_252 = vector.broadcast %shift_left3A : i32 to vector<16xi32>
          %shift_left3A_253 = arith.shli %and3A_251, %shift_left3A_252 : vector<16xi32>
          %add3A_254 = arith.addi %shift_left3A_253, %iota3A : vector<16xi32>
          %add3A_255 = arith.constant 0 : i32
          %add3A_256 = vector.broadcast %add3A_255 : i32 to vector<16xi32>
          %add3A_257 = arith.addi %and3A_251, %add3A_256 : vector<16xi32>
          %gather3A = tpu.vector_load_idx %arg6[%add3A_237, %add3A_257] : memref<32x128xf32, #tpu.memory_space<vmem>>[vector<16xi32>, vector<16xi32>], vector<16xf32>,
          %add3A_258 = arith.constant 0 : i32
          %add3A_259 = vector.broadcast %add3A_258 : i32 to vector<16xi32>
          %add3A_260 = arith.addi %add3A_254, %add3A_259 : vector<16xi32>
          tpu.vector_store_idx %arg10[%add3A_260], %gather3A : memref<4096xf32, #tpu.memory_space<vmem>>[vector<16xi32>], vector<16xf32>,
          %add3A_261 = arith.constant 16 : i32
          %add3A_262 = vector.broadcast %add3A_261 : i32 to vector<16xi32>
          %add3A_263 = arith.addi %and3A_251, %add3A_262 : vector<16xi32>
          %gather3A_264 = tpu.vector_load_idx %arg6[%add3A_237, %add3A_263] : memref<32x128xf32, #tpu.memory_space<vmem>>[vector<16xi32>, vector<16xi32>], vector<16xf32>,
          %add3A_265 = arith.constant 512 : i32
          %add3A_266 = vector.broadcast %add3A_265 : i32 to vector<16xi32>
          %add3A_267 = arith.addi %add3A_254, %add3A_266 : vector<16xi32>
          tpu.vector_store_idx %arg10[%add3A_267], %gather3A_264 : memref<4096xf32, #tpu.memory_space<vmem>>[vector<16xi32>], vector<16xf32>,
          %add3A_268 = arith.constant 32 : i32
          %add3A_269 = vector.broadcast %add3A_268 : i32 to vector<16xi32>
          %add3A_270 = arith.addi %and3A_251, %add3A_269 : vector<16xi32>
          %gather3A_271 = tpu.vector_load_idx %arg6[%add3A_237, %add3A_270] : memref<32x128xf32, #tpu.memory_space<vmem>>[vector<16xi32>, vector<16xi32>], vector<16xf32>,
          %add3A_272 = arith.constant 1024 : i32
          %add3A_273 = vector.broadcast %add3A_272 : i32 to vector<16xi32>
          %add3A_274 = arith.addi %add3A_254, %add3A_273 : vector<16xi32>
          tpu.vector_store_idx %arg10[%add3A_274], %gather3A_271 : memref<4096xf32, #tpu.memory_space<vmem>>[vector<16xi32>], vector<16xf32>,
          %add3A_275 = arith.constant 48 : i32
          %add3A_276 = vector.broadcast %add3A_275 : i32 to vector<16xi32>
          %add3A_277 = arith.addi %and3A_251, %add3A_276 : vector<16xi32>
          %gather3A_278 = tpu.vector_load_idx %arg6[%add3A_237, %add3A_277] : memref<32x128xf32, #tpu.memory_space<vmem>>[vector<16xi32>, vector<16xi32>], vector<16xf32>,
          %add3A_279 = arith.constant 1536 : i32
          %add3A_280 = vector.broadcast %add3A_279 : i32 to vector<16xi32>
          %add3A_281 = arith.addi %add3A_254, %add3A_280 : vector<16xi32>
          tpu.vector_store_idx %arg10[%add3A_281], %gather3A_278 : memref<4096xf32, #tpu.memory_space<vmem>>[vector<16xi32>], vector<16xf32>,
          %add3A_282 = arith.constant 64 : i32
          %add3A_283 = vector.broadcast %add3A_282 : i32 to vector<16xi32>
          %add3A_284 = arith.addi %and3A_251, %add3A_283 : vector<16xi32>
          %gather3A_285 = tpu.vector_load_idx %arg6[%add3A_237, %add3A_284] : memref<32x128xf32, #tpu.memory_space<vmem>>[vector<16xi32>, vector<16xi32>], vector<16xf32>,
          %add3A_286 = arith.constant 2048 : i32
          %add3A_287 = vector.broadcast %add3A_286 : i32 to vector<16xi32>
          %add3A_288 = arith.addi %add3A_254, %add3A_287 : vector<16xi32>
          tpu.vector_store_idx %arg10[%add3A_288], %gather3A_285 : memref<4096xf32, #tpu.memory_space<vmem>>[vector<16xi32>], vector<16xf32>,
          %add3A_289 = arith.constant 80 : i32
          %add3A_290 = vector.broadcast %add3A_289 : i32 to vector<16xi32>
          %add3A_291 = arith.addi %and3A_251, %add3A_290 : vector<16xi32>
          %gather3A_292 = tpu.vector_load_idx %arg6[%add3A_237, %add3A_291] : memref<32x128xf32, #tpu.memory_space<vmem>>[vector<16xi32>, vector<16xi32>], vector<16xf32>,
          %add3A_293 = arith.constant 2560 : i32
          %add3A_294 = vector.broadcast %add3A_293 : i32 to vector<16xi32>
          %add3A_295 = arith.addi %add3A_254, %add3A_294 : vector<16xi32>
          tpu.vector_store_idx %arg10[%add3A_295], %gather3A_292 : memref<4096xf32, #tpu.memory_space<vmem>>[vector<16xi32>], vector<16xf32>,
          %add3A_296 = arith.constant 96 : i32
          %add3A_297 = vector.broadcast %add3A_296 : i32 to vector<16xi32>
          %add3A_298 = arith.addi %and3A_251, %add3A_297 : vector<16xi32>
          %gather3A_299 = tpu.vector_load_idx %arg6[%add3A_237, %add3A_298] : memref<32x128xf32, #tpu.memory_space<vmem>>[vector<16xi32>, vector<16xi32>], vector<16xf32>,
          %add3A_300 = arith.constant 3072 : i32
          %add3A_301 = vector.broadcast %add3A_300 : i32 to vector<16xi32>
          %add3A_302 = arith.addi %add3A_254, %add3A_301 : vector<16xi32>
          tpu.vector_store_idx %arg10[%add3A_302], %gather3A_299 : memref<4096xf32, #tpu.memory_space<vmem>>[vector<16xi32>], vector<16xf32>,
          %add3A_303 = arith.constant 112 : i32
          %add3A_304 = vector.broadcast %add3A_303 : i32 to vector<16xi32>
          %add3A_305 = arith.addi %and3A_251, %add3A_304 : vector<16xi32>
          %gather3A_306 = tpu.vector_load_idx %arg6[%add3A_237, %add3A_305] : memref<32x128xf32, #tpu.memory_space<vmem>>[vector<16xi32>, vector<16xi32>], vector<16xf32>,
          %add3A_307 = arith.constant 3584 : i32
          %add3A_308 = vector.broadcast %add3A_307 : i32 to vector<16xi32>
          %add3A_309 = arith.addi %add3A_254, %add3A_308 : vector<16xi32>
          tpu.vector_store_idx %arg10[%add3A_309], %gather3A_306 : memref<4096xf32, #tpu.memory_space<vmem>>[vector<16xi32>], vector<16xf32>,
          %add3A_310 = arith.constant 0 : i32
          %add3A_311 = vector.broadcast %add3A_310 : i32 to vector<16xi32>
          %add3A_312 = arith.addi %and3A_251, %add3A_311 : vector<16xi32>
          %gather3A_313 = tpu.vector_load_idx %arg6[%add3A_240, %add3A_312] : memref<32x128xf32, #tpu.memory_space<vmem>>[vector<16xi32>, vector<16xi32>], vector<16xf32>,
          %add3A_314 = arith.constant 16 : i32
          %add3A_315 = vector.broadcast %add3A_314 : i32 to vector<16xi32>
          %add3A_316 = arith.addi %add3A_254, %add3A_315 : vector<16xi32>
          tpu.vector_store_idx %arg10[%add3A_316], %gather3A_313 : memref<4096xf32, #tpu.memory_space<vmem>>[vector<16xi32>], vector<16xf32>,
          %add3A_317 = arith.constant 16 : i32
          %add3A_318 = vector.broadcast %add3A_317 : i32 to vector<16xi32>
          %add3A_319 = arith.addi %and3A_251, %add3A_318 : vector<16xi32>
          %gather3A_320 = tpu.vector_load_idx %arg6[%add3A_240, %add3A_319] : memref<32x128xf32, #tpu.memory_space<vmem>>[vector<16xi32>, vector<16xi32>], vector<16xf32>,
          %add3A_321 = arith.constant 528 : i32
          %add3A_322 = vector.broadcast %add3A_321 : i32 to vector<16xi32>
          %add3A_323 = arith.addi %add3A_254, %add3A_322 : vector<16xi32>
          tpu.vector_store_idx %arg10[%add3A_323], %gather3A_320 : memref<4096xf32, #tpu.memory_space<vmem>>[vector<16xi32>], vector<16xf32>,
          %add3A_324 = arith.constant 32 : i32
          %add3A_325 = vector.broadcast %add3A_324 : i32 to vector<16xi32>
          %add3A_326 = arith.addi %and3A_251, %add3A_325 : vector<16xi32>
          %gather3A_327 = tpu.vector_load_idx %arg6[%add3A_240, %add3A_326] : memref<32x128xf32, #tpu.memory_space<vmem>>[vector<16xi32>, vector<16xi32>], vector<16xf32>,
          %add3A_328 = arith.constant 1040 : i32
          %add3A_329 = vector.broadcast %add3A_328 : i32 to vector<16xi32>
          %add3A_330 = arith.addi %add3A_254, %add3A_329 : vector<16xi32>
          tpu.vector_store_idx %arg10[%add3A_330], %gather3A_327 : memref<4096xf32, #tpu.memory_space<vmem>>[vector<16xi32>], vector<16xf32>,
          %add3A_331 = arith.constant 48 : i32
          %add3A_332 = vector.broadcast %add3A_331 : i32 to vector<16xi32>
          %add3A_333 = arith.addi %and3A_251, %add3A_332 : vector<16xi32>
          %gather3A_334 = tpu.vector_load_idx %arg6[%add3A_240, %add3A_333] : memref<32x128xf32, #tpu.memory_space<vmem>>[vector<16xi32>, vector<16xi32>], vector<16xf32>,
          %add3A_335 = arith.constant 1552 : i32
          %add3A_336 = vector.broadcast %add3A_335 : i32 to vector<16xi32>
          %add3A_337 = arith.addi %add3A_254, %add3A_336 : vector<16xi32>
          tpu.vector_store_idx %arg10[%add3A_337], %gather3A_334 : memref<4096xf32, #tpu.memory_space<vmem>>[vector<16xi32>], vector<16xf32>,
          %add3A_338 = arith.constant 64 : i32
          %add3A_339 = vector.broadcast %add3A_338 : i32 to vector<16xi32>
          %add3A_340 = arith.addi %and3A_251, %add3A_339 : vector<16xi32>
          %gather3A_341 = tpu.vector_load_idx %arg6[%add3A_240, %add3A_340] : memref<32x128xf32, #tpu.memory_space<vmem>>[vector<16xi32>, vector<16xi32>], vector<16xf32>,
          %add3A_342 = arith.constant 2064 : i32
          %add3A_343 = vector.broadcast %add3A_342 : i32 to vector<16xi32>
          %add3A_344 = arith.addi %add3A_254, %add3A_343 : vector<16xi32>
          tpu.vector_store_idx %arg10[%add3A_344], %gather3A_341 : memref<4096xf32, #tpu.memory_space<vmem>>[vector<16xi32>], vector<16xf32>,
          %add3A_345 = arith.constant 80 : i32
          %add3A_346 = vector.broadcast %add3A_345 : i32 to vector<16xi32>
          %add3A_347 = arith.addi %and3A_251, %add3A_346 : vector<16xi32>
          %gather3A_348 = tpu.vector_load_idx %arg6[%add3A_240, %add3A_347] : memref<32x128xf32, #tpu.memory_space<vmem>>[vector<16xi32>, vector<16xi32>], vector<16xf32>,
          %add3A_349 = arith.constant 2576 : i32
          %add3A_350 = vector.broadcast %add3A_349 : i32 to vector<16xi32>
          %add3A_351 = arith.addi %add3A_254, %add3A_350 : vector<16xi32>
          tpu.vector_store_idx %arg10[%add3A_351], %gather3A_348 : memref<4096xf32, #tpu.memory_space<vmem>>[vector<16xi32>], vector<16xf32>,
          %add3A_352 = arith.constant 96 : i32
          %add3A_353 = vector.broadcast %add3A_352 : i32 to vector<16xi32>
          %add3A_354 = arith.addi %and3A_251, %add3A_353 : vector<16xi32>
          %gather3A_355 = tpu.vector_load_idx %arg6[%add3A_240, %add3A_354] : memref<32x128xf32, #tpu.memory_space<vmem>>[vector<16xi32>, vector<16xi32>], vector<16xf32>,
          %add3A_356 = arith.constant 3088 : i32
          %add3A_357 = vector.broadcast %add3A_356 : i32 to vector<16xi32>
          %add3A_358 = arith.addi %add3A_254, %add3A_357 : vector<16xi32>
          tpu.vector_store_idx %arg10[%add3A_358], %gather3A_355 : memref<4096xf32, #tpu.memory_space<vmem>>[vector<16xi32>], vector<16xf32>,
          %add3A_359 = arith.constant 112 : i32
          %add3A_360 = vector.broadcast %add3A_359 : i32 to vector<16xi32>
          %add3A_361 = arith.addi %and3A_251, %add3A_360 : vector<16xi32>
          %gather3A_362 = tpu.vector_load_idx %arg6[%add3A_240, %add3A_361] : memref<32x128xf32, #tpu.memory_space<vmem>>[vector<16xi32>, vector<16xi32>], vector<16xf32>,
          %add3A_363 = arith.constant 3600 : i32
          %add3A_364 = vector.broadcast %add3A_363 : i32 to vector<16xi32>
          %add3A_365 = arith.addi %add3A_254, %add3A_364 : vector<16xi32>
          tpu.vector_store_idx %arg10[%add3A_365], %gather3A_362 : memref<4096xf32, #tpu.memory_space<vmem>>[vector<16xi32>], vector<16xf32>,
        }
        %scan3A_246 = arith.constant 16 : i32
      } else {
      }
      %mul3A_137 = arith.constant 32 : i32
      %mul3A_138 = arith.muli %add3A_103, %mul3A_137 : i32
      %add3A_139 = arith.addi %add3A, %mul3A_138 : i32
      %lt3A_140 = arith.constant 7812 : i32
      %lt3A_141 = arith.cmpi slt, %add3A_139, %lt3A_140 : i32
      %convert_element_type3A_142 = arith.extui %lt3A_141 : i1 to i32
      %cond3A_143 = arith.constant 0 : i32
      %cond3A_144 = arith.cmpi ne, %convert_element_type3A_142, %cond3A_143 : i32
      scf.if %cond3A_144 {
        %mul3A_235 = arith.constant 4096 : i32
        %mul3A_236 = arith.muli %add3A_139, %mul3A_235 : i32
        %multiple_of3A = tpu.assume_multiple %mul3A_236, 8 : i32
        %dma_start3A = tpu.memref_slice %arg4[%multiple_of3A] : memref<32002048xf32, #tpu.memory_space<hbm>> -> memref<4096xf32, #tpu.memory_space<hbm>>
        %dma_start3A_237 = tpu.memref_slice %arg4[%multiple_of3A] : memref<32002048xf32, #tpu.memory_space<hbm>> -> memref<4096xf32, #tpu.memory_space<hbm>>
        tpu.enqueue_dma source(%arg10 : memref<4096xf32, #tpu.memory_space<vmem>>) target(%dma_start3A_237 : memref<4096xf32, #tpu.memory_space<hbm>>) target_semaphore(%arg18 : memref<!tpu.dma_semaphore, #tpu.memory_space<semaphore_mem>>)
      } else {
      }
      %mul3A_145 = arith.constant 4 : i32
      %mul3A_146 = arith.muli %mul3A_145, %scan3A_56 : i32
      %add3A_147 = arith.constant 2 : i32
      %add3A_148 = arith.addi %mul3A_146, %add3A_147 : i32
      %add3A_149 = arith.constant 4 : i32
      %add3A_150 = arith.addi %add3A_148, %add3A_149 : i32
      %sub3A_151 = arith.constant 1 : i32
      %sub3A_152 = arith.subi %add3A_150, %sub3A_151 : i32
      %mul3A_153 = arith.constant 32 : i32
      %mul3A_154 = arith.muli %sub3A_152, %mul3A_153 : i32
      %add3A_155 = arith.addi %add3A, %mul3A_154 : i32
      %lt3A_156 = arith.constant 7812 : i32
      %lt3A_157 = arith.cmpi slt, %add3A_155, %lt3A_156 : i32
      %convert_element_type3A_158 = arith.extui %lt3A_157 : i1 to i32
      %cond3A_159 = arith.constant 0 : i32
      %cond3A_160 = arith.cmpi ne, %convert_element_type3A_158, %cond3A_159 : i32
      scf.if %cond3A_160 {
        %mul3A_235 = arith.constant 128 : i32
        %mul3A_236 = arith.muli %add3A_155, %mul3A_235 : i32
        %multiple_of3A = tpu.assume_multiple %mul3A_236, 128 : i32
        %dma_start3A = arith.constant 0 : i32
        %dma_start3A_237 = tpu.memref_slice %arg2[%dma_start3A, %multiple_of3A] : memref<32x1000000xf32, #tpu.memory_space<hbm>> -> memref<32x128xf32, #tpu.memory_space<hbm>>
        %dma_start3A_238 = arith.constant 0 : i32
        %dma_start3A_239 = tpu.memref_slice %arg2[%dma_start3A_238, %multiple_of3A] : memref<32x1000000xf32, #tpu.memory_space<hbm>> -> memref<32x128xf32, #tpu.memory_space<hbm>>
        tpu.enqueue_dma source(%dma_start3A_239 : memref<32x128xf32, #tpu.memory_space<hbm>>) target(%arg6 : memref<32x128xf32, #tpu.memory_space<vmem>>) target_semaphore(%arg14 : memref<!tpu.dma_semaphore, #tpu.memory_space<semaphore_mem>>)
      } else {
      }
      %mul3A_161 = arith.constant 32 : i32
      %mul3A_162 = arith.muli %add3A_148, %mul3A_161 : i32
      %add3A_163 = arith.addi %add3A, %mul3A_162 : i32
      %lt3A_164 = arith.constant 7812 : i32
      %lt3A_165 = arith.cmpi slt, %add3A_163, %lt3A_164 : i32
      %convert_element_type3A_166 = arith.extui %lt3A_165 : i1 to i32
      %cond3A_167 = arith.constant 0 : i32
      %cond3A_168 = arith.cmpi ne, %convert_element_type3A_166, %cond3A_167 : i32
      scf.if %cond3A_168 {
        %dma_wait3A = arith.constant 0 : i32
        %dma_wait3A_235 = arith.constant 0 : i32
        %dma_wait3A_236 = tpu.memref_slice %arg2[%dma_wait3A, %dma_wait3A_235] : memref<32x1000000xf32, #tpu.memory_space<hbm>> -> memref<32x128xf32, #tpu.memory_space<hbm>>
        %dma_wait3A_237 = arith.constant 0 : i32
        %dma_wait3A_238 = arith.constant 0 : i32
        %dma_wait3A_239 = tpu.memref_slice %arg2[%dma_wait3A_237, %dma_wait3A_238] : memref<32x1000000xf32, #tpu.memory_space<hbm>> -> memref<32x128xf32, #tpu.memory_space<hbm>>
        tpu.wait_dma2 semaphore(%arg15 : memref<!tpu.dma_semaphore, #tpu.memory_space<semaphore_mem>>) src(%dma_wait3A_239 : memref<32x128xf32, #tpu.memory_space<hbm>>) dst(%arg7 : memref<32x128xf32, #tpu.memory_space<vmem>>)
      } else {
      }
      %ge3A_169 = arith.constant 4 : i32
      %ge3A_170 = arith.cmpi sge, %add3A_148, %ge3A_169 : i32
      %convert_element_type3A_171 = arith.extui %ge3A_170 : i1 to i32
      %cond3A_172 = arith.constant 0 : i32
      %cond3A_173 = arith.cmpi ne, %convert_element_type3A_171, %cond3A_172 : i32
      scf.if %cond3A_173 {
        %sub3A_235 = arith.constant 4 : i32
        %sub3A_236 = arith.subi %add3A_148, %sub3A_235 : i32
        %mul3A_237 = arith.constant 32 : i32
        %mul3A_238 = arith.muli %sub3A_236, %mul3A_237 : i32
        %add3A_239 = arith.addi %add3A, %mul3A_238 : i32
        %lt3A_240 = arith.constant 7812 : i32
        %lt3A_241 = arith.cmpi slt, %add3A_239, %lt3A_240 : i32
        %convert_element_type3A_242 = arith.extui %lt3A_241 : i1 to i32
        %cond3A_243 = arith.constant 0 : i32
        %cond3A_244 = arith.cmpi ne, %convert_element_type3A_242, %cond3A_243 : i32
        scf.if %cond3A_244 {
          %dma_wait3A = arith.constant 0 : i32
          %dma_wait3A_245 = tpu.memref_slice %arg4[%dma_wait3A] : memref<32002048xf32, #tpu.memory_space<hbm>> -> memref<4096xf32, #tpu.memory_space<hbm>>
          %dma_wait3A_246 = arith.constant 0 : i32
          %dma_wait3A_247 = tpu.memref_slice %arg4[%dma_wait3A_246] : memref<32002048xf32, #tpu.memory_space<hbm>> -> memref<4096xf32, #tpu.memory_space<hbm>>
          tpu.wait_dma2 semaphore(%arg19 : memref<!tpu.dma_semaphore, #tpu.memory_space<semaphore_mem>>) src(%arg11 : memref<4096xf32, #tpu.memory_space<vmem>>) dst(%dma_wait3A_247 : memref<4096xf32, #tpu.memory_space<hbm>>)
        } else {
        }
      } else {
      }
      %mul3A_174 = arith.constant 32 : i32
      %mul3A_175 = arith.muli %add3A_148, %mul3A_174 : i32
      %add3A_176 = arith.addi %add3A, %mul3A_175 : i32
      %lt3A_177 = arith.constant 7812 : i32
      %lt3A_178 = arith.cmpi slt, %add3A_176, %lt3A_177 : i32
      %convert_element_type3A_179 = arith.extui %lt3A_178 : i1 to i32
      %cond3A_180 = arith.constant 0 : i32
      %cond3A_181 = arith.cmpi ne, %convert_element_type3A_179, %cond3A_180 : i32
      scf.if %cond3A_181 {
        %add3A_235 = arith.constant 0 : i32
        %add3A_236 = vector.broadcast %add3A_235 : i32 to vector<16xi32>
        %add3A_237 = arith.addi %iota3A, %add3A_236 : vector<16xi32>
        %add3A_238 = arith.constant 16 : i32
        %add3A_239 = vector.broadcast %add3A_238 : i32 to vector<16xi32>
        %add3A_240 = arith.addi %iota3A, %add3A_239 : vector<16xi32>
        %scan3A_241 = arith.constant 0 : i32
        %scan3A_242 = arith.constant 0 : i32
        %scan3A_243 = arith.constant 16 : i32
        %scan3A_244 = arith.addi %scan3A_242, %scan3A_243 : i32
        %scan3A_245 = arith.constant 1 : i32
        scf.for %scan3A_247 = %scan3A_242 to %scan3A_244 step %scan3A_245  : i32 {
          %add3A_248 = vector.broadcast %scan3A_247 : i32 to vector<16xi32>
          %add3A_249 = arith.addi %iota3A, %add3A_248 : vector<16xi32>
          %and3A = arith.constant 15 : i32
          %and3A_250 = vector.broadcast %and3A : i32 to vector<16xi32>
          %and3A_251 = arith.andi %add3A_249, %and3A_250 : vector<16xi32>
          %shift_left3A = arith.constant 5 : i32
          %shift_left3A_252 = vector.broadcast %shift_left3A : i32 to vector<16xi32>
          %shift_left3A_253 = arith.shli %and3A_251, %shift_left3A_252 : vector<16xi32>
          %add3A_254 = arith.addi %shift_left3A_253, %iota3A : vector<16xi32>
          %add3A_255 = arith.constant 0 : i32
          %add3A_256 = vector.broadcast %add3A_255 : i32 to vector<16xi32>
          %add3A_257 = arith.addi %and3A_251, %add3A_256 : vector<16xi32>
          %gather3A = tpu.vector_load_idx %arg7[%add3A_237, %add3A_257] : memref<32x128xf32, #tpu.memory_space<vmem>>[vector<16xi32>, vector<16xi32>], vector<16xf32>,
          %add3A_258 = arith.constant 0 : i32
          %add3A_259 = vector.broadcast %add3A_258 : i32 to vector<16xi32>
          %add3A_260 = arith.addi %add3A_254, %add3A_259 : vector<16xi32>
          tpu.vector_store_idx %arg11[%add3A_260], %gather3A : memref<4096xf32, #tpu.memory_space<vmem>>[vector<16xi32>], vector<16xf32>,
          %add3A_261 = arith.constant 16 : i32
          %add3A_262 = vector.broadcast %add3A_261 : i32 to vector<16xi32>
          %add3A_263 = arith.addi %and3A_251, %add3A_262 : vector<16xi32>
          %gather3A_264 = tpu.vector_load_idx %arg7[%add3A_237, %add3A_263] : memref<32x128xf32, #tpu.memory_space<vmem>>[vector<16xi32>, vector<16xi32>], vector<16xf32>,
          %add3A_265 = arith.constant 512 : i32
          %add3A_266 = vector.broadcast %add3A_265 : i32 to vector<16xi32>
          %add3A_267 = arith.addi %add3A_254, %add3A_266 : vector<16xi32>
          tpu.vector_store_idx %arg11[%add3A_267], %gather3A_264 : memref<4096xf32, #tpu.memory_space<vmem>>[vector<16xi32>], vector<16xf32>,
          %add3A_268 = arith.constant 32 : i32
          %add3A_269 = vector.broadcast %add3A_268 : i32 to vector<16xi32>
          %add3A_270 = arith.addi %and3A_251, %add3A_269 : vector<16xi32>
          %gather3A_271 = tpu.vector_load_idx %arg7[%add3A_237, %add3A_270] : memref<32x128xf32, #tpu.memory_space<vmem>>[vector<16xi32>, vector<16xi32>], vector<16xf32>,
          %add3A_272 = arith.constant 1024 : i32
          %add3A_273 = vector.broadcast %add3A_272 : i32 to vector<16xi32>
          %add3A_274 = arith.addi %add3A_254, %add3A_273 : vector<16xi32>
          tpu.vector_store_idx %arg11[%add3A_274], %gather3A_271 : memref<4096xf32, #tpu.memory_space<vmem>>[vector<16xi32>], vector<16xf32>,
          %add3A_275 = arith.constant 48 : i32
          %add3A_276 = vector.broadcast %add3A_275 : i32 to vector<16xi32>
          %add3A_277 = arith.addi %and3A_251, %add3A_276 : vector<16xi32>
          %gather3A_278 = tpu.vector_load_idx %arg7[%add3A_237, %add3A_277] : memref<32x128xf32, #tpu.memory_space<vmem>>[vector<16xi32>, vector<16xi32>], vector<16xf32>,
          %add3A_279 = arith.constant 1536 : i32
          %add3A_280 = vector.broadcast %add3A_279 : i32 to vector<16xi32>
          %add3A_281 = arith.addi %add3A_254, %add3A_280 : vector<16xi32>
          tpu.vector_store_idx %arg11[%add3A_281], %gather3A_278 : memref<4096xf32, #tpu.memory_space<vmem>>[vector<16xi32>], vector<16xf32>,
          %add3A_282 = arith.constant 64 : i32
          %add3A_283 = vector.broadcast %add3A_282 : i32 to vector<16xi32>
          %add3A_284 = arith.addi %and3A_251, %add3A_283 : vector<16xi32>
          %gather3A_285 = tpu.vector_load_idx %arg7[%add3A_237, %add3A_284] : memref<32x128xf32, #tpu.memory_space<vmem>>[vector<16xi32>, vector<16xi32>], vector<16xf32>,
          %add3A_286 = arith.constant 2048 : i32
          %add3A_287 = vector.broadcast %add3A_286 : i32 to vector<16xi32>
          %add3A_288 = arith.addi %add3A_254, %add3A_287 : vector<16xi32>
          tpu.vector_store_idx %arg11[%add3A_288], %gather3A_285 : memref<4096xf32, #tpu.memory_space<vmem>>[vector<16xi32>], vector<16xf32>,
          %add3A_289 = arith.constant 80 : i32
          %add3A_290 = vector.broadcast %add3A_289 : i32 to vector<16xi32>
          %add3A_291 = arith.addi %and3A_251, %add3A_290 : vector<16xi32>
          %gather3A_292 = tpu.vector_load_idx %arg7[%add3A_237, %add3A_291] : memref<32x128xf32, #tpu.memory_space<vmem>>[vector<16xi32>, vector<16xi32>], vector<16xf32>,
          %add3A_293 = arith.constant 2560 : i32
          %add3A_294 = vector.broadcast %add3A_293 : i32 to vector<16xi32>
          %add3A_295 = arith.addi %add3A_254, %add3A_294 : vector<16xi32>
          tpu.vector_store_idx %arg11[%add3A_295], %gather3A_292 : memref<4096xf32, #tpu.memory_space<vmem>>[vector<16xi32>], vector<16xf32>,
          %add3A_296 = arith.constant 96 : i32
          %add3A_297 = vector.broadcast %add3A_296 : i32 to vector<16xi32>
          %add3A_298 = arith.addi %and3A_251, %add3A_297 : vector<16xi32>
          %gather3A_299 = tpu.vector_load_idx %arg7[%add3A_237, %add3A_298] : memref<32x128xf32, #tpu.memory_space<vmem>>[vector<16xi32>, vector<16xi32>], vector<16xf32>,
          %add3A_300 = arith.constant 3072 : i32
          %add3A_301 = vector.broadcast %add3A_300 : i32 to vector<16xi32>
          %add3A_302 = arith.addi %add3A_254, %add3A_301 : vector<16xi32>
          tpu.vector_store_idx %arg11[%add3A_302], %gather3A_299 : memref<4096xf32, #tpu.memory_space<vmem>>[vector<16xi32>], vector<16xf32>,
          %add3A_303 = arith.constant 112 : i32
          %add3A_304 = vector.broadcast %add3A_303 : i32 to vector<16xi32>
          %add3A_305 = arith.addi %and3A_251, %add3A_304 : vector<16xi32>
          %gather3A_306 = tpu.vector_load_idx %arg7[%add3A_237, %add3A_305] : memref<32x128xf32, #tpu.memory_space<vmem>>[vector<16xi32>, vector<16xi32>], vector<16xf32>,
          %add3A_307 = arith.constant 3584 : i32
          %add3A_308 = vector.broadcast %add3A_307 : i32 to vector<16xi32>
          %add3A_309 = arith.addi %add3A_254, %add3A_308 : vector<16xi32>
          tpu.vector_store_idx %arg11[%add3A_309], %gather3A_306 : memref<4096xf32, #tpu.memory_space<vmem>>[vector<16xi32>], vector<16xf32>,
          %add3A_310 = arith.constant 0 : i32
          %add3A_311 = vector.broadcast %add3A_310 : i32 to vector<16xi32>
          %add3A_312 = arith.addi %and3A_251, %add3A_311 : vector<16xi32>
          %gather3A_313 = tpu.vector_load_idx %arg7[%add3A_240, %add3A_312] : memref<32x128xf32, #tpu.memory_space<vmem>>[vector<16xi32>, vector<16xi32>], vector<16xf32>,
          %add3A_314 = arith.constant 16 : i32
          %add3A_315 = vector.broadcast %add3A_314 : i32 to vector<16xi32>
          %add3A_316 = arith.addi %add3A_254, %add3A_315 : vector<16xi32>
          tpu.vector_store_idx %arg11[%add3A_316], %gather3A_313 : memref<4096xf32, #tpu.memory_space<vmem>>[vector<16xi32>], vector<16xf32>,
          %add3A_317 = arith.constant 16 : i32
          %add3A_318 = vector.broadcast %add3A_317 : i32 to vector<16xi32>
          %add3A_319 = arith.addi %and3A_251, %add3A_318 : vector<16xi32>
          %gather3A_320 = tpu.vector_load_idx %arg7[%add3A_240, %add3A_319] : memref<32x128xf32, #tpu.memory_space<vmem>>[vector<16xi32>, vector<16xi32>], vector<16xf32>,
          %add3A_321 = arith.constant 528 : i32
          %add3A_322 = vector.broadcast %add3A_321 : i32 to vector<16xi32>
          %add3A_323 = arith.addi %add3A_254, %add3A_322 : vector<16xi32>
          tpu.vector_store_idx %arg11[%add3A_323], %gather3A_320 : memref<4096xf32, #tpu.memory_space<vmem>>[vector<16xi32>], vector<16xf32>,
          %add3A_324 = arith.constant 32 : i32
          %add3A_325 = vector.broadcast %add3A_324 : i32 to vector<16xi32>
          %add3A_326 = arith.addi %and3A_251, %add3A_325 : vector<16xi32>
          %gather3A_327 = tpu.vector_load_idx %arg7[%add3A_240, %add3A_326] : memref<32x128xf32, #tpu.memory_space<vmem>>[vector<16xi32>, vector<16xi32>], vector<16xf32>,
          %add3A_328 = arith.constant 1040 : i32
          %add3A_329 = vector.broadcast %add3A_328 : i32 to vector<16xi32>
          %add3A_330 = arith.addi %add3A_254, %add3A_329 : vector<16xi32>
          tpu.vector_store_idx %arg11[%add3A_330], %gather3A_327 : memref<4096xf32, #tpu.memory_space<vmem>>[vector<16xi32>], vector<16xf32>,
          %add3A_331 = arith.constant 48 : i32
          %add3A_332 = vector.broadcast %add3A_331 : i32 to vector<16xi32>
          %add3A_333 = arith.addi %and3A_251, %add3A_332 : vector<16xi32>
          %gather3A_334 = tpu.vector_load_idx %arg7[%add3A_240, %add3A_333] : memref<32x128xf32, #tpu.memory_space<vmem>>[vector<16xi32>, vector<16xi32>], vector<16xf32>,
          %add3A_335 = arith.constant 1552 : i32
          %add3A_336 = vector.broadcast %add3A_335 : i32 to vector<16xi32>
          %add3A_337 = arith.addi %add3A_254, %add3A_336 : vector<16xi32>
          tpu.vector_store_idx %arg11[%add3A_337], %gather3A_334 : memref<4096xf32, #tpu.memory_space<vmem>>[vector<16xi32>], vector<16xf32>,
          %add3A_338 = arith.constant 64 : i32
          %add3A_339 = vector.broadcast %add3A_338 : i32 to vector<16xi32>
          %add3A_340 = arith.addi %and3A_251, %add3A_339 : vector<16xi32>
          %gather3A_341 = tpu.vector_load_idx %arg7[%add3A_240, %add3A_340] : memref<32x128xf32, #tpu.memory_space<vmem>>[vector<16xi32>, vector<16xi32>], vector<16xf32>,
          %add3A_342 = arith.constant 2064 : i32
          %add3A_343 = vector.broadcast %add3A_342 : i32 to vector<16xi32>
          %add3A_344 = arith.addi %add3A_254, %add3A_343 : vector<16xi32>
          tpu.vector_store_idx %arg11[%add3A_344], %gather3A_341 : memref<4096xf32, #tpu.memory_space<vmem>>[vector<16xi32>], vector<16xf32>,
          %add3A_345 = arith.constant 80 : i32
          %add3A_346 = vector.broadcast %add3A_345 : i32 to vector<16xi32>
          %add3A_347 = arith.addi %and3A_251, %add3A_346 : vector<16xi32>
          %gather3A_348 = tpu.vector_load_idx %arg7[%add3A_240, %add3A_347] : memref<32x128xf32, #tpu.memory_space<vmem>>[vector<16xi32>, vector<16xi32>], vector<16xf32>,
          %add3A_349 = arith.constant 2576 : i32
          %add3A_350 = vector.broadcast %add3A_349 : i32 to vector<16xi32>
          %add3A_351 = arith.addi %add3A_254, %add3A_350 : vector<16xi32>
          tpu.vector_store_idx %arg11[%add3A_351], %gather3A_348 : memref<4096xf32, #tpu.memory_space<vmem>>[vector<16xi32>], vector<16xf32>,
          %add3A_352 = arith.constant 96 : i32
          %add3A_353 = vector.broadcast %add3A_352 : i32 to vector<16xi32>
          %add3A_354 = arith.addi %and3A_251, %add3A_353 : vector<16xi32>
          %gather3A_355 = tpu.vector_load_idx %arg7[%add3A_240, %add3A_354] : memref<32x128xf32, #tpu.memory_space<vmem>>[vector<16xi32>, vector<16xi32>], vector<16xf32>,
          %add3A_356 = arith.constant 3088 : i32
          %add3A_357 = vector.broadcast %add3A_356 : i32 to vector<16xi32>
          %add3A_358 = arith.addi %add3A_254, %add3A_357 : vector<16xi32>
          tpu.vector_store_idx %arg11[%add3A_358], %gather3A_355 : memref<4096xf32, #tpu.memory_space<vmem>>[vector<16xi32>], vector<16xf32>,
          %add3A_359 = arith.constant 112 : i32
          %add3A_360 = vector.broadcast %add3A_359 : i32 to vector<16xi32>
          %add3A_361 = arith.addi %and3A_251, %add3A_360 : vector<16xi32>
          %gather3A_362 = tpu.vector_load_idx %arg7[%add3A_240, %add3A_361] : memref<32x128xf32, #tpu.memory_space<vmem>>[vector<16xi32>, vector<16xi32>], vector<16xf32>,
          %add3A_363 = arith.constant 3600 : i32
          %add3A_364 = vector.broadcast %add3A_363 : i32 to vector<16xi32>
          %add3A_365 = arith.addi %add3A_254, %add3A_364 : vector<16xi32>
          tpu.vector_store_idx %arg11[%add3A_365], %gather3A_362 : memref<4096xf32, #tpu.memory_space<vmem>>[vector<16xi32>], vector<16xf32>,
        }
        %scan3A_246 = arith.constant 16 : i32
      } else {
      }
      %mul3A_182 = arith.constant 32 : i32
      %mul3A_183 = arith.muli %add3A_148, %mul3A_182 : i32
      %add3A_184 = arith.addi %add3A, %mul3A_183 : i32
      %lt3A_185 = arith.constant 7812 : i32
      %lt3A_186 = arith.cmpi slt, %add3A_184, %lt3A_185 : i32
      %convert_element_type3A_187 = arith.extui %lt3A_186 : i1 to i32
      %cond3A_188 = arith.constant 0 : i32
      %cond3A_189 = arith.cmpi ne, %convert_element_type3A_187, %cond3A_188 : i32
      scf.if %cond3A_189 {
        %mul3A_235 = arith.constant 4096 : i32
        %mul3A_236 = arith.muli %add3A_184, %mul3A_235 : i32
        %multiple_of3A = tpu.assume_multiple %mul3A_236, 8 : i32
        %dma_start3A = tpu.memref_slice %arg4[%multiple_of3A] : memref<32002048xf32, #tpu.memory_space<hbm>> -> memref<4096xf32, #tpu.memory_space<hbm>>
        %dma_start3A_237 = tpu.memref_slice %arg4[%multiple_of3A] : memref<32002048xf32, #tpu.memory_space<hbm>> -> memref<4096xf32, #tpu.memory_space<hbm>>
        tpu.enqueue_dma source(%arg11 : memref<4096xf32, #tpu.memory_space<vmem>>) target(%dma_start3A_237 : memref<4096xf32, #tpu.memory_space<hbm>>) target_semaphore(%arg19 : memref<!tpu.dma_semaphore, #tpu.memory_space<semaphore_mem>>)
      } else {
      }
      %mul3A_190 = arith.constant 4 : i32
      %mul3A_191 = arith.muli %mul3A_190, %scan3A_56 : i32
      %add3A_192 = arith.constant 3 : i32
      %add3A_193 = arith.addi %mul3A_191, %add3A_192 : i32
      %add3A_194 = arith.constant 4 : i32
      %add3A_195 = arith.addi %add3A_193, %add3A_194 : i32
      %sub3A_196 = arith.constant 1 : i32
      %sub3A_197 = arith.subi %add3A_195, %sub3A_196 : i32
      %mul3A_198 = arith.constant 32 : i32
      %mul3A_199 = arith.muli %sub3A_197, %mul3A_198 : i32
      %add3A_200 = arith.addi %add3A, %mul3A_199 : i32
      %lt3A_201 = arith.constant 7812 : i32
      %lt3A_202 = arith.cmpi slt, %add3A_200, %lt3A_201 : i32
      %convert_element_type3A_203 = arith.extui %lt3A_202 : i1 to i32
      %cond3A_204 = arith.constant 0 : i32
      %cond3A_205 = arith.cmpi ne, %convert_element_type3A_203, %cond3A_204 : i32
      scf.if %cond3A_205 {
        %mul3A_235 = arith.constant 128 : i32
        %mul3A_236 = arith.muli %add3A_200, %mul3A_235 : i32
        %multiple_of3A = tpu.assume_multiple %mul3A_236, 128 : i32
        %dma_start3A = arith.constant 0 : i32
        %dma_start3A_237 = tpu.memref_slice %arg2[%dma_start3A, %multiple_of3A] : memref<32x1000000xf32, #tpu.memory_space<hbm>> -> memref<32x128xf32, #tpu.memory_space<hbm>>
        %dma_start3A_238 = arith.constant 0 : i32
        %dma_start3A_239 = tpu.memref_slice %arg2[%dma_start3A_238, %multiple_of3A] : memref<32x1000000xf32, #tpu.memory_space<hbm>> -> memref<32x128xf32, #tpu.memory_space<hbm>>
        tpu.enqueue_dma source(%dma_start3A_239 : memref<32x128xf32, #tpu.memory_space<hbm>>) target(%arg7 : memref<32x128xf32, #tpu.memory_space<vmem>>) target_semaphore(%arg15 : memref<!tpu.dma_semaphore, #tpu.memory_space<semaphore_mem>>)
      } else {
      }
      %mul3A_206 = arith.constant 32 : i32
      %mul3A_207 = arith.muli %add3A_193, %mul3A_206 : i32
      %add3A_208 = arith.addi %add3A, %mul3A_207 : i32
      %lt3A_209 = arith.constant 7812 : i32
      %lt3A_210 = arith.cmpi slt, %add3A_208, %lt3A_209 : i32
      %convert_element_type3A_211 = arith.extui %lt3A_210 : i1 to i32
      %cond3A_212 = arith.constant 0 : i32
      %cond3A_213 = arith.cmpi ne, %convert_element_type3A_211, %cond3A_212 : i32
      scf.if %cond3A_213 {
        %dma_wait3A = arith.constant 0 : i32
        %dma_wait3A_235 = arith.constant 0 : i32
        %dma_wait3A_236 = tpu.memref_slice %arg2[%dma_wait3A, %dma_wait3A_235] : memref<32x1000000xf32, #tpu.memory_space<hbm>> -> memref<32x128xf32, #tpu.memory_space<hbm>>
        %dma_wait3A_237 = arith.constant 0 : i32
        %dma_wait3A_238 = arith.constant 0 : i32
        %dma_wait3A_239 = tpu.memref_slice %arg2[%dma_wait3A_237, %dma_wait3A_238] : memref<32x1000000xf32, #tpu.memory_space<hbm>> -> memref<32x128xf32, #tpu.memory_space<hbm>>
        tpu.wait_dma2 semaphore(%arg16 : memref<!tpu.dma_semaphore, #tpu.memory_space<semaphore_mem>>) src(%dma_wait3A_239 : memref<32x128xf32, #tpu.memory_space<hbm>>) dst(%arg8 : memref<32x128xf32, #tpu.memory_space<vmem>>)
      } else {
      }
      %ge3A_214 = arith.constant 4 : i32
      %ge3A_215 = arith.cmpi sge, %add3A_193, %ge3A_214 : i32
      %convert_element_type3A_216 = arith.extui %ge3A_215 : i1 to i32
      %cond3A_217 = arith.constant 0 : i32
      %cond3A_218 = arith.cmpi ne, %convert_element_type3A_216, %cond3A_217 : i32
      scf.if %cond3A_218 {
        %sub3A_235 = arith.constant 4 : i32
        %sub3A_236 = arith.subi %add3A_193, %sub3A_235 : i32
        %mul3A_237 = arith.constant 32 : i32
        %mul3A_238 = arith.muli %sub3A_236, %mul3A_237 : i32
        %add3A_239 = arith.addi %add3A, %mul3A_238 : i32
        %lt3A_240 = arith.constant 7812 : i32
        %lt3A_241 = arith.cmpi slt, %add3A_239, %lt3A_240 : i32
        %convert_element_type3A_242 = arith.extui %lt3A_241 : i1 to i32
        %cond3A_243 = arith.constant 0 : i32
        %cond3A_244 = arith.cmpi ne, %convert_element_type3A_242, %cond3A_243 : i32
        scf.if %cond3A_244 {
          %dma_wait3A = arith.constant 0 : i32
          %dma_wait3A_245 = tpu.memref_slice %arg4[%dma_wait3A] : memref<32002048xf32, #tpu.memory_space<hbm>> -> memref<4096xf32, #tpu.memory_space<hbm>>
          %dma_wait3A_246 = arith.constant 0 : i32
          %dma_wait3A_247 = tpu.memref_slice %arg4[%dma_wait3A_246] : memref<32002048xf32, #tpu.memory_space<hbm>> -> memref<4096xf32, #tpu.memory_space<hbm>>
          tpu.wait_dma2 semaphore(%arg20 : memref<!tpu.dma_semaphore, #tpu.memory_space<semaphore_mem>>) src(%arg12 : memref<4096xf32, #tpu.memory_space<vmem>>) dst(%dma_wait3A_247 : memref<4096xf32, #tpu.memory_space<hbm>>)
        } else {
        }
      } else {
      }
      %mul3A_219 = arith.constant 32 : i32
      %mul3A_220 = arith.muli %add3A_193, %mul3A_219 : i32
      %add3A_221 = arith.addi %add3A, %mul3A_220 : i32
      %lt3A_222 = arith.constant 7812 : i32
      %lt3A_223 = arith.cmpi slt, %add3A_221, %lt3A_222 : i32
      %convert_element_type3A_224 = arith.extui %lt3A_223 : i1 to i32
      %cond3A_225 = arith.constant 0 : i32
      %cond3A_226 = arith.cmpi ne, %convert_element_type3A_224, %cond3A_225 : i32
      scf.if %cond3A_226 {
        %add3A_235 = arith.constant 0 : i32
        %add3A_236 = vector.broadcast %add3A_235 : i32 to vector<16xi32>
        %add3A_237 = arith.addi %iota3A, %add3A_236 : vector<16xi32>
        %add3A_238 = arith.constant 16 : i32
        %add3A_239 = vector.broadcast %add3A_238 : i32 to vector<16xi32>
        %add3A_240 = arith.addi %iota3A, %add3A_239 : vector<16xi32>
        %scan3A_241 = arith.constant 0 : i32
        %scan3A_242 = arith.constant 0 : i32
        %scan3A_243 = arith.constant 16 : i32
        %scan3A_244 = arith.addi %scan3A_242, %scan3A_243 : i32
        %scan3A_245 = arith.constant 1 : i32
        scf.for %scan3A_247 = %scan3A_242 to %scan3A_244 step %scan3A_245  : i32 {
          %add3A_248 = vector.broadcast %scan3A_247 : i32 to vector<16xi32>
          %add3A_249 = arith.addi %iota3A, %add3A_248 : vector<16xi32>
          %and3A = arith.constant 15 : i32
          %and3A_250 = vector.broadcast %and3A : i32 to vector<16xi32>
          %and3A_251 = arith.andi %add3A_249, %and3A_250 : vector<16xi32>
          %shift_left3A = arith.constant 5 : i32
          %shift_left3A_252 = vector.broadcast %shift_left3A : i32 to vector<16xi32>
          %shift_left3A_253 = arith.shli %and3A_251, %shift_left3A_252 : vector<16xi32>
          %add3A_254 = arith.addi %shift_left3A_253, %iota3A : vector<16xi32>
          %add3A_255 = arith.constant 0 : i32
          %add3A_256 = vector.broadcast %add3A_255 : i32 to vector<16xi32>
          %add3A_257 = arith.addi %and3A_251, %add3A_256 : vector<16xi32>
          %gather3A = tpu.vector_load_idx %arg8[%add3A_237, %add3A_257] : memref<32x128xf32, #tpu.memory_space<vmem>>[vector<16xi32>, vector<16xi32>], vector<16xf32>,
          %add3A_258 = arith.constant 0 : i32
          %add3A_259 = vector.broadcast %add3A_258 : i32 to vector<16xi32>
          %add3A_260 = arith.addi %add3A_254, %add3A_259 : vector<16xi32>
          tpu.vector_store_idx %arg12[%add3A_260], %gather3A : memref<4096xf32, #tpu.memory_space<vmem>>[vector<16xi32>], vector<16xf32>,
          %add3A_261 = arith.constant 16 : i32
          %add3A_262 = vector.broadcast %add3A_261 : i32 to vector<16xi32>
          %add3A_263 = arith.addi %and3A_251, %add3A_262 : vector<16xi32>
          %gather3A_264 = tpu.vector_load_idx %arg8[%add3A_237, %add3A_263] : memref<32x128xf32, #tpu.memory_space<vmem>>[vector<16xi32>, vector<16xi32>], vector<16xf32>,
          %add3A_265 = arith.constant 512 : i32
          %add3A_266 = vector.broadcast %add3A_265 : i32 to vector<16xi32>
          %add3A_267 = arith.addi %add3A_254, %add3A_266 : vector<16xi32>
          tpu.vector_store_idx %arg12[%add3A_267], %gather3A_264 : memref<4096xf32, #tpu.memory_space<vmem>>[vector<16xi32>], vector<16xf32>,
          %add3A_268 = arith.constant 32 : i32
          %add3A_269 = vector.broadcast %add3A_268 : i32 to vector<16xi32>
          %add3A_270 = arith.addi %and3A_251, %add3A_269 : vector<16xi32>
          %gather3A_271 = tpu.vector_load_idx %arg8[%add3A_237, %add3A_270] : memref<32x128xf32, #tpu.memory_space<vmem>>[vector<16xi32>, vector<16xi32>], vector<16xf32>,
          %add3A_272 = arith.constant 1024 : i32
          %add3A_273 = vector.broadcast %add3A_272 : i32 to vector<16xi32>
          %add3A_274 = arith.addi %add3A_254, %add3A_273 : vector<16xi32>
          tpu.vector_store_idx %arg12[%add3A_274], %gather3A_271 : memref<4096xf32, #tpu.memory_space<vmem>>[vector<16xi32>], vector<16xf32>,
          %add3A_275 = arith.constant 48 : i32
          %add3A_276 = vector.broadcast %add3A_275 : i32 to vector<16xi32>
          %add3A_277 = arith.addi %and3A_251, %add3A_276 : vector<16xi32>
          %gather3A_278 = tpu.vector_load_idx %arg8[%add3A_237, %add3A_277] : memref<32x128xf32, #tpu.memory_space<vmem>>[vector<16xi32>, vector<16xi32>], vector<16xf32>,
          %add3A_279 = arith.constant 1536 : i32
          %add3A_280 = vector.broadcast %add3A_279 : i32 to vector<16xi32>
          %add3A_281 = arith.addi %add3A_254, %add3A_280 : vector<16xi32>
          tpu.vector_store_idx %arg12[%add3A_281], %gather3A_278 : memref<4096xf32, #tpu.memory_space<vmem>>[vector<16xi32>], vector<16xf32>,
          %add3A_282 = arith.constant 64 : i32
          %add3A_283 = vector.broadcast %add3A_282 : i32 to vector<16xi32>
          %add3A_284 = arith.addi %and3A_251, %add3A_283 : vector<16xi32>
          %gather3A_285 = tpu.vector_load_idx %arg8[%add3A_237, %add3A_284] : memref<32x128xf32, #tpu.memory_space<vmem>>[vector<16xi32>, vector<16xi32>], vector<16xf32>,
          %add3A_286 = arith.constant 2048 : i32
          %add3A_287 = vector.broadcast %add3A_286 : i32 to vector<16xi32>
          %add3A_288 = arith.addi %add3A_254, %add3A_287 : vector<16xi32>
          tpu.vector_store_idx %arg12[%add3A_288], %gather3A_285 : memref<4096xf32, #tpu.memory_space<vmem>>[vector<16xi32>], vector<16xf32>,
          %add3A_289 = arith.constant 80 : i32
          %add3A_290 = vector.broadcast %add3A_289 : i32 to vector<16xi32>
          %add3A_291 = arith.addi %and3A_251, %add3A_290 : vector<16xi32>
          %gather3A_292 = tpu.vector_load_idx %arg8[%add3A_237, %add3A_291] : memref<32x128xf32, #tpu.memory_space<vmem>>[vector<16xi32>, vector<16xi32>], vector<16xf32>,
          %add3A_293 = arith.constant 2560 : i32
          %add3A_294 = vector.broadcast %add3A_293 : i32 to vector<16xi32>
          %add3A_295 = arith.addi %add3A_254, %add3A_294 : vector<16xi32>
          tpu.vector_store_idx %arg12[%add3A_295], %gather3A_292 : memref<4096xf32, #tpu.memory_space<vmem>>[vector<16xi32>], vector<16xf32>,
          %add3A_296 = arith.constant 96 : i32
          %add3A_297 = vector.broadcast %add3A_296 : i32 to vector<16xi32>
          %add3A_298 = arith.addi %and3A_251, %add3A_297 : vector<16xi32>
          %gather3A_299 = tpu.vector_load_idx %arg8[%add3A_237, %add3A_298] : memref<32x128xf32, #tpu.memory_space<vmem>>[vector<16xi32>, vector<16xi32>], vector<16xf32>,
          %add3A_300 = arith.constant 3072 : i32
          %add3A_301 = vector.broadcast %add3A_300 : i32 to vector<16xi32>
          %add3A_302 = arith.addi %add3A_254, %add3A_301 : vector<16xi32>
          tpu.vector_store_idx %arg12[%add3A_302], %gather3A_299 : memref<4096xf32, #tpu.memory_space<vmem>>[vector<16xi32>], vector<16xf32>,
          %add3A_303 = arith.constant 112 : i32
          %add3A_304 = vector.broadcast %add3A_303 : i32 to vector<16xi32>
          %add3A_305 = arith.addi %and3A_251, %add3A_304 : vector<16xi32>
          %gather3A_306 = tpu.vector_load_idx %arg8[%add3A_237, %add3A_305] : memref<32x128xf32, #tpu.memory_space<vmem>>[vector<16xi32>, vector<16xi32>], vector<16xf32>,
          %add3A_307 = arith.constant 3584 : i32
          %add3A_308 = vector.broadcast %add3A_307 : i32 to vector<16xi32>
          %add3A_309 = arith.addi %add3A_254, %add3A_308 : vector<16xi32>
          tpu.vector_store_idx %arg12[%add3A_309], %gather3A_306 : memref<4096xf32, #tpu.memory_space<vmem>>[vector<16xi32>], vector<16xf32>,
          %add3A_310 = arith.constant 0 : i32
          %add3A_311 = vector.broadcast %add3A_310 : i32 to vector<16xi32>
          %add3A_312 = arith.addi %and3A_251, %add3A_311 : vector<16xi32>
          %gather3A_313 = tpu.vector_load_idx %arg8[%add3A_240, %add3A_312] : memref<32x128xf32, #tpu.memory_space<vmem>>[vector<16xi32>, vector<16xi32>], vector<16xf32>,
          %add3A_314 = arith.constant 16 : i32
          %add3A_315 = vector.broadcast %add3A_314 : i32 to vector<16xi32>
          %add3A_316 = arith.addi %add3A_254, %add3A_315 : vector<16xi32>
          tpu.vector_store_idx %arg12[%add3A_316], %gather3A_313 : memref<4096xf32, #tpu.memory_space<vmem>>[vector<16xi32>], vector<16xf32>,
          %add3A_317 = arith.constant 16 : i32
          %add3A_318 = vector.broadcast %add3A_317 : i32 to vector<16xi32>
          %add3A_319 = arith.addi %and3A_251, %add3A_318 : vector<16xi32>
          %gather3A_320 = tpu.vector_load_idx %arg8[%add3A_240, %add3A_319] : memref<32x128xf32, #tpu.memory_space<vmem>>[vector<16xi32>, vector<16xi32>], vector<16xf32>,
          %add3A_321 = arith.constant 528 : i32
          %add3A_322 = vector.broadcast %add3A_321 : i32 to vector<16xi32>
          %add3A_323 = arith.addi %add3A_254, %add3A_322 : vector<16xi32>
          tpu.vector_store_idx %arg12[%add3A_323], %gather3A_320 : memref<4096xf32, #tpu.memory_space<vmem>>[vector<16xi32>], vector<16xf32>,
          %add3A_324 = arith.constant 32 : i32
          %add3A_325 = vector.broadcast %add3A_324 : i32 to vector<16xi32>
          %add3A_326 = arith.addi %and3A_251, %add3A_325 : vector<16xi32>
          %gather3A_327 = tpu.vector_load_idx %arg8[%add3A_240, %add3A_326] : memref<32x128xf32, #tpu.memory_space<vmem>>[vector<16xi32>, vector<16xi32>], vector<16xf32>,
          %add3A_328 = arith.constant 1040 : i32
          %add3A_329 = vector.broadcast %add3A_328 : i32 to vector<16xi32>
          %add3A_330 = arith.addi %add3A_254, %add3A_329 : vector<16xi32>
          tpu.vector_store_idx %arg12[%add3A_330], %gather3A_327 : memref<4096xf32, #tpu.memory_space<vmem>>[vector<16xi32>], vector<16xf32>,
          %add3A_331 = arith.constant 48 : i32
          %add3A_332 = vector.broadcast %add3A_331 : i32 to vector<16xi32>
          %add3A_333 = arith.addi %and3A_251, %add3A_332 : vector<16xi32>
          %gather3A_334 = tpu.vector_load_idx %arg8[%add3A_240, %add3A_333] : memref<32x128xf32, #tpu.memory_space<vmem>>[vector<16xi32>, vector<16xi32>], vector<16xf32>,
          %add3A_335 = arith.constant 1552 : i32
          %add3A_336 = vector.broadcast %add3A_335 : i32 to vector<16xi32>
          %add3A_337 = arith.addi %add3A_254, %add3A_336 : vector<16xi32>
          tpu.vector_store_idx %arg12[%add3A_337], %gather3A_334 : memref<4096xf32, #tpu.memory_space<vmem>>[vector<16xi32>], vector<16xf32>,
          %add3A_338 = arith.constant 64 : i32
          %add3A_339 = vector.broadcast %add3A_338 : i32 to vector<16xi32>
          %add3A_340 = arith.addi %and3A_251, %add3A_339 : vector<16xi32>
          %gather3A_341 = tpu.vector_load_idx %arg8[%add3A_240, %add3A_340] : memref<32x128xf32, #tpu.memory_space<vmem>>[vector<16xi32>, vector<16xi32>], vector<16xf32>,
          %add3A_342 = arith.constant 2064 : i32
          %add3A_343 = vector.broadcast %add3A_342 : i32 to vector<16xi32>
          %add3A_344 = arith.addi %add3A_254, %add3A_343 : vector<16xi32>
          tpu.vector_store_idx %arg12[%add3A_344], %gather3A_341 : memref<4096xf32, #tpu.memory_space<vmem>>[vector<16xi32>], vector<16xf32>,
          %add3A_345 = arith.constant 80 : i32
          %add3A_346 = vector.broadcast %add3A_345 : i32 to vector<16xi32>
          %add3A_347 = arith.addi %and3A_251, %add3A_346 : vector<16xi32>
          %gather3A_348 = tpu.vector_load_idx %arg8[%add3A_240, %add3A_347] : memref<32x128xf32, #tpu.memory_space<vmem>>[vector<16xi32>, vector<16xi32>], vector<16xf32>,
          %add3A_349 = arith.constant 2576 : i32
          %add3A_350 = vector.broadcast %add3A_349 : i32 to vector<16xi32>
          %add3A_351 = arith.addi %add3A_254, %add3A_350 : vector<16xi32>
          tpu.vector_store_idx %arg12[%add3A_351], %gather3A_348 : memref<4096xf32, #tpu.memory_space<vmem>>[vector<16xi32>], vector<16xf32>,
          %add3A_352 = arith.constant 96 : i32
          %add3A_353 = vector.broadcast %add3A_352 : i32 to vector<16xi32>
          %add3A_354 = arith.addi %and3A_251, %add3A_353 : vector<16xi32>
          %gather3A_355 = tpu.vector_load_idx %arg8[%add3A_240, %add3A_354] : memref<32x128xf32, #tpu.memory_space<vmem>>[vector<16xi32>, vector<16xi32>], vector<16xf32>,
          %add3A_356 = arith.constant 3088 : i32
          %add3A_357 = vector.broadcast %add3A_356 : i32 to vector<16xi32>
          %add3A_358 = arith.addi %add3A_254, %add3A_357 : vector<16xi32>
          tpu.vector_store_idx %arg12[%add3A_358], %gather3A_355 : memref<4096xf32, #tpu.memory_space<vmem>>[vector<16xi32>], vector<16xf32>,
          %add3A_359 = arith.constant 112 : i32
          %add3A_360 = vector.broadcast %add3A_359 : i32 to vector<16xi32>
          %add3A_361 = arith.addi %and3A_251, %add3A_360 : vector<16xi32>
          %gather3A_362 = tpu.vector_load_idx %arg8[%add3A_240, %add3A_361] : memref<32x128xf32, #tpu.memory_space<vmem>>[vector<16xi32>, vector<16xi32>], vector<16xf32>,
          %add3A_363 = arith.constant 3600 : i32
          %add3A_364 = vector.broadcast %add3A_363 : i32 to vector<16xi32>
          %add3A_365 = arith.addi %add3A_254, %add3A_364 : vector<16xi32>
          tpu.vector_store_idx %arg12[%add3A_365], %gather3A_362 : memref<4096xf32, #tpu.memory_space<vmem>>[vector<16xi32>], vector<16xf32>,
        }
        %scan3A_246 = arith.constant 16 : i32
      } else {
      }
      %mul3A_227 = arith.constant 32 : i32
      %mul3A_228 = arith.muli %add3A_193, %mul3A_227 : i32
      %add3A_229 = arith.addi %add3A, %mul3A_228 : i32
      %lt3A_230 = arith.constant 7812 : i32
      %lt3A_231 = arith.cmpi slt, %add3A_229, %lt3A_230 : i32
      %convert_element_type3A_232 = arith.extui %lt3A_231 : i1 to i32
      %cond3A_233 = arith.constant 0 : i32
      %cond3A_234 = arith.cmpi ne, %convert_element_type3A_232, %cond3A_233 : i32
      scf.if %cond3A_234 {
        %mul3A_235 = arith.constant 4096 : i32
        %mul3A_236 = arith.muli %add3A_229, %mul3A_235 : i32
        %multiple_of3A = tpu.assume_multiple %mul3A_236, 8 : i32
        %dma_start3A = tpu.memref_slice %arg4[%multiple_of3A] : memref<32002048xf32, #tpu.memory_space<hbm>> -> memref<4096xf32, #tpu.memory_space<hbm>>
        %dma_start3A_237 = tpu.memref_slice %arg4[%multiple_of3A] : memref<32002048xf32, #tpu.memory_space<hbm>> -> memref<4096xf32, #tpu.memory_space<hbm>>
        tpu.enqueue_dma source(%arg12 : memref<4096xf32, #tpu.memory_space<vmem>>) target(%dma_start3A_237 : memref<4096xf32, #tpu.memory_space<hbm>>) target_semaphore(%arg20 : memref<!tpu.dma_semaphore, #tpu.memory_space<semaphore_mem>>)
      } else {
      }
    }
    %scan3A_23 = arith.constant 62 : i32
    %add3A_24 = arith.constant 7808 : i32
    %add3A_25 = arith.addi %add3A, %add3A_24 : i32
    %lt3A_26 = arith.constant 7812 : i32
    %lt3A_27 = arith.cmpi slt, %add3A_25, %lt3A_26 : i32
    %convert_element_type3A_28 = arith.extui %lt3A_27 : i1 to i32
    %cond3A_29 = arith.constant 0 : i32
    %cond3A_30 = arith.cmpi ne, %convert_element_type3A_28, %cond3A_29 : i32
    scf.if %cond3A_30 {
      %dma_wait3A = arith.constant 0 : i32
      %dma_wait3A_56 = tpu.memref_slice %arg4[%dma_wait3A] : memref<32002048xf32, #tpu.memory_space<hbm>> -> memref<4096xf32, #tpu.memory_space<hbm>>
      %dma_wait3A_57 = arith.constant 0 : i32
      %dma_wait3A_58 = tpu.memref_slice %arg4[%dma_wait3A_57] : memref<32002048xf32, #tpu.memory_space<hbm>> -> memref<4096xf32, #tpu.memory_space<hbm>>
      tpu.wait_dma2 semaphore(%arg17 : memref<!tpu.dma_semaphore, #tpu.memory_space<semaphore_mem>>) src(%arg9 : memref<4096xf32, #tpu.memory_space<vmem>>) dst(%dma_wait3A_58 : memref<4096xf32, #tpu.memory_space<hbm>>)
    } else {
    }
    %add3A_31 = arith.constant 7840 : i32
    %add3A_32 = arith.addi %add3A, %add3A_31 : i32
    %lt3A_33 = arith.constant 7812 : i32
    %lt3A_34 = arith.cmpi slt, %add3A_32, %lt3A_33 : i32
    %convert_element_type3A_35 = arith.extui %lt3A_34 : i1 to i32
    %cond3A_36 = arith.constant 0 : i32
    %cond3A_37 = arith.cmpi ne, %convert_element_type3A_35, %cond3A_36 : i32
    scf.if %cond3A_37 {
      %dma_wait3A = arith.constant 0 : i32
      %dma_wait3A_56 = tpu.memref_slice %arg4[%dma_wait3A] : memref<32002048xf32, #tpu.memory_space<hbm>> -> memref<4096xf32, #tpu.memory_space<hbm>>
      %dma_wait3A_57 = arith.constant 0 : i32
      %dma_wait3A_58 = tpu.memref_slice %arg4[%dma_wait3A_57] : memref<32002048xf32, #tpu.memory_space<hbm>> -> memref<4096xf32, #tpu.memory_space<hbm>>
      tpu.wait_dma2 semaphore(%arg18 : memref<!tpu.dma_semaphore, #tpu.memory_space<semaphore_mem>>) src(%arg10 : memref<4096xf32, #tpu.memory_space<vmem>>) dst(%dma_wait3A_58 : memref<4096xf32, #tpu.memory_space<hbm>>)
    } else {
    }
    %add3A_38 = arith.constant 7872 : i32
    %add3A_39 = arith.addi %add3A, %add3A_38 : i32
    %lt3A_40 = arith.constant 7812 : i32
    %lt3A_41 = arith.cmpi slt, %add3A_39, %lt3A_40 : i32
    %convert_element_type3A_42 = arith.extui %lt3A_41 : i1 to i32
    %cond3A_43 = arith.constant 0 : i32
    %cond3A_44 = arith.cmpi ne, %convert_element_type3A_42, %cond3A_43 : i32
    scf.if %cond3A_44 {
      %dma_wait3A = arith.constant 0 : i32
      %dma_wait3A_56 = tpu.memref_slice %arg4[%dma_wait3A] : memref<32002048xf32, #tpu.memory_space<hbm>> -> memref<4096xf32, #tpu.memory_space<hbm>>
      %dma_wait3A_57 = arith.constant 0 : i32
      %dma_wait3A_58 = tpu.memref_slice %arg4[%dma_wait3A_57] : memref<32002048xf32, #tpu.memory_space<hbm>> -> memref<4096xf32, #tpu.memory_space<hbm>>
      tpu.wait_dma2 semaphore(%arg19 : memref<!tpu.dma_semaphore, #tpu.memory_space<semaphore_mem>>) src(%arg11 : memref<4096xf32, #tpu.memory_space<vmem>>) dst(%dma_wait3A_58 : memref<4096xf32, #tpu.memory_space<hbm>>)
    } else {
    }
    %add3A_45 = arith.constant 7904 : i32
    %add3A_46 = arith.addi %add3A, %add3A_45 : i32
    %lt3A_47 = arith.constant 7812 : i32
    %lt3A_48 = arith.cmpi slt, %add3A_46, %lt3A_47 : i32
    %convert_element_type3A_49 = arith.extui %lt3A_48 : i1 to i32
    %cond3A_50 = arith.constant 0 : i32
    %cond3A_51 = arith.cmpi ne, %convert_element_type3A_49, %cond3A_50 : i32
    scf.if %cond3A_51 {
      %dma_wait3A = arith.constant 0 : i32
      %dma_wait3A_56 = tpu.memref_slice %arg4[%dma_wait3A] : memref<32002048xf32, #tpu.memory_space<hbm>> -> memref<4096xf32, #tpu.memory_space<hbm>>
      %dma_wait3A_57 = arith.constant 0 : i32
      %dma_wait3A_58 = tpu.memref_slice %arg4[%dma_wait3A_57] : memref<32002048xf32, #tpu.memory_space<hbm>> -> memref<4096xf32, #tpu.memory_space<hbm>>
      tpu.wait_dma2 semaphore(%arg20 : memref<!tpu.dma_semaphore, #tpu.memory_space<semaphore_mem>>) src(%arg12 : memref<4096xf32, #tpu.memory_space<vmem>>) dst(%dma_wait3A_58 : memref<4096xf32, #tpu.memory_space<hbm>>)
    } else {
    }
    %eq3A = arith.constant 31 : i32
    %eq3A_52 = arith.cmpi eq, %add3A, %eq3A : i32
    %convert_element_type3A_53 = arith.extui %eq3A_52 : i1 to i32
    %cond3A_54 = arith.constant 0 : i32
    %cond3A_55 = arith.cmpi ne, %convert_element_type3A_53, %cond3A_54 : i32
    scf.if %cond3A_55 {
      "tpu.region"() ({
        %run_scoped3A = tpu.sem_alloc : memref<!tpu.dma_semaphore, #tpu.memory_space<semaphore_mem>>
        %dma_start3A = arith.constant 0 : i32
        %dma_start3A_56 = tpu.memref_slice %arg9[%dma_start3A] : memref<4096xf32, #tpu.memory_space<vmem>> -> memref<2048xf32, #tpu.memory_space<vmem>>
        %dma_start3A_57 = arith.constant 0 : i32
        %dma_start3A_58 = tpu.memref_slice %arg9[%dma_start3A_57] : memref<4096xf32, #tpu.memory_space<vmem>> -> memref<2048xf32, #tpu.memory_space<vmem>>
        tpu.enqueue_dma source(%arg3 : memref<2048xf32, #tpu.memory_space<hbm>>) target(%dma_start3A_58 : memref<2048xf32, #tpu.memory_space<vmem>>) target_semaphore(%run_scoped3A : memref<!tpu.dma_semaphore, #tpu.memory_space<semaphore_mem>>)
        %dma_wait3A = arith.constant 0 : i32
        %dma_wait3A_59 = tpu.memref_slice %arg9[%dma_wait3A] : memref<4096xf32, #tpu.memory_space<vmem>> -> memref<2048xf32, #tpu.memory_space<vmem>>
        %dma_wait3A_60 = arith.constant 0 : i32
        %dma_wait3A_61 = tpu.memref_slice %arg9[%dma_wait3A_60] : memref<4096xf32, #tpu.memory_space<vmem>> -> memref<2048xf32, #tpu.memory_space<vmem>>
        tpu.wait_dma2 semaphore(%run_scoped3A : memref<!tpu.dma_semaphore, #tpu.memory_space<semaphore_mem>>) src(%arg3 : memref<2048xf32, #tpu.memory_space<hbm>>) dst(%dma_wait3A_61 : memref<2048xf32, #tpu.memory_space<vmem>>)
        tpu.yield
      }) : () -> ()
      "tpu.region"() ({
        %run_scoped3A = tpu.sem_alloc : memref<!tpu.dma_semaphore, #tpu.memory_space<semaphore_mem>>
        %dma_start3A = arith.constant 0 : i32
        %dma_start3A_56 = tpu.memref_slice %arg9[%dma_start3A] : memref<4096xf32, #tpu.memory_space<vmem>> -> memref<2048xf32, #tpu.memory_space<vmem>>
        %dma_start3A_57 = arith.constant 31997952 : i32
        %dma_start3A_58 = tpu.memref_slice %arg4[%dma_start3A_57] : memref<32002048xf32, #tpu.memory_space<hbm>> -> memref<2048xf32, #tpu.memory_space<hbm>>
        %dma_start3A_59 = arith.constant 31997952 : i32
        %dma_start3A_60 = tpu.memref_slice %arg4[%dma_start3A_59] : memref<32002048xf32, #tpu.memory_space<hbm>> -> memref<2048xf32, #tpu.memory_space<hbm>>
        %dma_start3A_61 = arith.constant 0 : i32
        %dma_start3A_62 = tpu.memref_slice %arg9[%dma_start3A_61] : memref<4096xf32, #tpu.memory_space<vmem>> -> memref<2048xf32, #tpu.memory_space<vmem>>
        tpu.enqueue_dma source(%dma_start3A_62 : memref<2048xf32, #tpu.memory_space<vmem>>) target(%dma_start3A_60 : memref<2048xf32, #tpu.memory_space<hbm>>) target_semaphore(%run_scoped3A : memref<!tpu.dma_semaphore, #tpu.memory_space<semaphore_mem>>)
        %dma_wait3A = arith.constant 0 : i32
        %dma_wait3A_63 = tpu.memref_slice %arg9[%dma_wait3A] : memref<4096xf32, #tpu.memory_space<vmem>> -> memref<2048xf32, #tpu.memory_space<vmem>>
        %dma_wait3A_64 = arith.constant 31997952 : i32
        %dma_wait3A_65 = tpu.memref_slice %arg4[%dma_wait3A_64] : memref<32002048xf32, #tpu.memory_space<hbm>> -> memref<2048xf32, #tpu.memory_space<hbm>>
        %dma_wait3A_66 = arith.constant 31997952 : i32
        %dma_wait3A_67 = tpu.memref_slice %arg4[%dma_wait3A_66] : memref<32002048xf32, #tpu.memory_space<hbm>> -> memref<2048xf32, #tpu.memory_space<hbm>>
        %dma_wait3A_68 = arith.constant 0 : i32
        %dma_wait3A_69 = tpu.memref_slice %arg9[%dma_wait3A_68] : memref<4096xf32, #tpu.memory_space<vmem>> -> memref<2048xf32, #tpu.memory_space<vmem>>
        tpu.wait_dma2 semaphore(%run_scoped3A : memref<!tpu.dma_semaphore, #tpu.memory_space<semaphore_mem>>) src(%dma_wait3A_69 : memref<2048xf32, #tpu.memory_space<vmem>>) dst(%dma_wait3A_67 : memref<2048xf32, #tpu.memory_space<hbm>>)
        tpu.yield
      }) : () -> ()
    } else {
    }
    return
  }
}

#map = affine_map<(d0, d1) -> (0, 0)>
#map1 = affine_map<(d0, d1) -> (0, 0, 0)>
module attributes {stable_mosaic.version = 14 : i64} {
  func.func @gather_kernel(%arg0: i32, %arg1: i32, %arg2: memref<50x4096xi32, #tpu.memory_space<hbm>>, %arg3: memref<250016x128xf32, #tpu.memory_space<hbm>>, %arg4: memref<50x32x4096xf32, #tpu.memory_space<hbm>>, %arg5: memref<128xi32, #tpu.memory_space<vmem>>, %arg6: memref<128xi32, #tpu.memory_space<vmem>>, %arg7: memref<128xi32, #tpu.memory_space<vmem>>, %arg8: memref<128xi32, #tpu.memory_space<vmem>>, %arg9: memref<128xi32, #tpu.memory_space<vmem>>, %arg10: memref<128xi32, #tpu.memory_space<vmem>>, %arg11: memref<128x128xf32, #tpu.memory_space<vmem>>, %arg12: memref<128x128xf32, #tpu.memory_space<vmem>>, %arg13: memref<32x128xf32, #tpu.memory_space<vmem>>, %arg14: memref<32x128xf32, #tpu.memory_space<vmem>>, %arg15: memref<!tpu.dma_semaphore, #tpu.memory_space<semaphore_mem>>, %arg16: memref<!tpu.dma_semaphore, #tpu.memory_space<semaphore_mem>>, %arg17: memref<!tpu.dma_semaphore, #tpu.memory_space<semaphore_mem>>, %arg18: memref<!tpu.dma_semaphore, #tpu.memory_space<semaphore_mem>>, %arg19: memref<!tpu.dma_semaphore, #tpu.memory_space<semaphore_mem>>, %arg20: memref<!tpu.dma_semaphore, #tpu.memory_space<semaphore_mem>>) attributes {dimension_semantics = [#tpu.dimension_semantics<core_parallel>, #tpu.dimension_semantics<subcore_parallel>], iteration_bounds = array<i64: 2, 16>, scalar_prefetch = 0 : i64, scratch_operands = 16 : i64, tpu.core_type = #tpu.core_type<sc_vector_subcore>, window_params = [{transform_indices = #map}, {transform_indices = #map}, {transform_indices = #map1}]} {
    %mul3A = arith.constant 2 : i32
    %mul3A_0 = arith.muli %arg1, %mul3A : i32
    %add3A = arith.addi %mul3A_0, %arg0 : i32
    %mul3A_1 = arith.constant 128 : i32
    %mul3A_2 = arith.muli %add3A, %mul3A_1 : i32
    %multiple_of3A = tpu.assume_multiple %mul3A_2, 128 : i32
    %iota3A = tpu.iota {dimensions = array<i32: 0>} : vector<16xi32>
    %dma_start3A = arith.constant 0 : i32
    %dma_start3A_3 = tpu.memref_slice %arg2[%dma_start3A, %multiple_of3A] : memref<50x4096xi32, #tpu.memory_space<hbm>> -> memref<1x128xi32, #tpu.memory_space<hbm>>
    %dma_start3A_4 = tpu.memref_squeeze %dma_start3A_3 : memref<1x128xi32, #tpu.memory_space<hbm>> -> memref<128xi32, #tpu.memory_space<hbm>>
    %dma_start3A_5 = tpu.memref_slice %arg2[%dma_start3A, %multiple_of3A] : memref<50x4096xi32, #tpu.memory_space<hbm>> -> memref<1x128xi32, #tpu.memory_space<hbm>>
    %dma_start3A_6 = tpu.memref_squeeze %dma_start3A_5 : memref<1x128xi32, #tpu.memory_space<hbm>> -> memref<128xi32, #tpu.memory_space<hbm>>
    tpu.enqueue_dma source(%dma_start3A_6 : memref<128xi32, #tpu.memory_space<hbm>>) target(%arg5 : memref<128xi32, #tpu.memory_space<vmem>>) target_semaphore(%arg15 : memref<!tpu.dma_semaphore, #tpu.memory_space<semaphore_mem>>)
    %dma_wait3A = arith.constant 0 : i32
    %dma_wait3A_7 = tpu.memref_slice %arg2[%dma_wait3A, %multiple_of3A] : memref<50x4096xi32, #tpu.memory_space<hbm>> -> memref<1x128xi32, #tpu.memory_space<hbm>>
    %dma_wait3A_8 = tpu.memref_squeeze %dma_wait3A_7 : memref<1x128xi32, #tpu.memory_space<hbm>> -> memref<128xi32, #tpu.memory_space<hbm>>
    %dma_wait3A_9 = tpu.memref_slice %arg2[%dma_wait3A, %multiple_of3A] : memref<50x4096xi32, #tpu.memory_space<hbm>> -> memref<1x128xi32, #tpu.memory_space<hbm>>
    %dma_wait3A_10 = tpu.memref_squeeze %dma_wait3A_9 : memref<1x128xi32, #tpu.memory_space<hbm>> -> memref<128xi32, #tpu.memory_space<hbm>>
    tpu.wait_dma2 semaphore(%arg15 : memref<!tpu.dma_semaphore, #tpu.memory_space<semaphore_mem>>) src(%dma_wait3A_10 : memref<128xi32, #tpu.memory_space<hbm>>) dst(%arg5 : memref<128xi32, #tpu.memory_space<vmem>>)
    %get3A = arith.constant 0 : index
    %get3A_11 = tpu.vector_load %arg5[%get3A] {strides = array<i32>} : memref<128xi32, #tpu.memory_space<vmem>>, vector<16xi32>,
    %shift_right_logical3A = arith.constant 2 : i32
    %shift_right_logical3A_12 = vector.broadcast %shift_right_logical3A : i32 to vector<16xi32>
    %shift_right_logical3A_13 = arith.shrui %get3A_11, %shift_right_logical3A_12 : vector<16xi32>
    %swap3A = arith.constant 0 : index
    %swap3A_14 = tpu.vector_load %arg7[%swap3A] {strides = array<i32>} : memref<128xi32, #tpu.memory_space<vmem>>, vector<16xi32>,
    tpu.vector_store %arg7[%swap3A], %shift_right_logical3A_13 {strides = array<i32>} : memref<128xi32, #tpu.memory_space<vmem>>, vector<16xi32>,
    %and3A = arith.constant 3 : i32
    %and3A_15 = vector.broadcast %and3A : i32 to vector<16xi32>
    %and3A_16 = arith.andi %get3A_11, %and3A_15 : vector<16xi32>
    %shift_left3A = arith.constant 5 : i32
    %shift_left3A_17 = vector.broadcast %shift_left3A : i32 to vector<16xi32>
    %shift_left3A_18 = arith.shli %and3A_16, %shift_left3A_17 : vector<16xi32>
    %swap3A_19 = arith.constant 0 : index
    %swap3A_20 = tpu.vector_load %arg9[%swap3A_19] {strides = array<i32>} : memref<128xi32, #tpu.memory_space<vmem>>, vector<16xi32>,
    tpu.vector_store %arg9[%swap3A_19], %shift_left3A_18 {strides = array<i32>} : memref<128xi32, #tpu.memory_space<vmem>>, vector<16xi32>,
    %get3A_21 = arith.constant 16 : index
    %get3A_22 = tpu.vector_load %arg5[%get3A_21] {strides = array<i32>} : memref<128xi32, #tpu.memory_space<vmem>>, vector<16xi32>,
    %shift_right_logical3A_23 = arith.constant 2 : i32
    %shift_right_logical3A_24 = vector.broadcast %shift_right_logical3A_23 : i32 to vector<16xi32>
    %shift_right_logical3A_25 = arith.shrui %get3A_22, %shift_right_logical3A_24 : vector<16xi32>
    %swap3A_26 = arith.constant 16 : index
    %swap3A_27 = tpu.vector_load %arg7[%swap3A_26] {strides = array<i32>} : memref<128xi32, #tpu.memory_space<vmem>>, vector<16xi32>,
    tpu.vector_store %arg7[%swap3A_26], %shift_right_logical3A_25 {strides = array<i32>} : memref<128xi32, #tpu.memory_space<vmem>>, vector<16xi32>,
    %and3A_28 = arith.constant 3 : i32
    %and3A_29 = vector.broadcast %and3A_28 : i32 to vector<16xi32>
    %and3A_30 = arith.andi %get3A_22, %and3A_29 : vector<16xi32>
    %shift_left3A_31 = arith.constant 5 : i32
    %shift_left3A_32 = vector.broadcast %shift_left3A_31 : i32 to vector<16xi32>
    %shift_left3A_33 = arith.shli %and3A_30, %shift_left3A_32 : vector<16xi32>
    %swap3A_34 = arith.constant 16 : index
    %swap3A_35 = tpu.vector_load %arg9[%swap3A_34] {strides = array<i32>} : memref<128xi32, #tpu.memory_space<vmem>>, vector<16xi32>,
    tpu.vector_store %arg9[%swap3A_34], %shift_left3A_33 {strides = array<i32>} : memref<128xi32, #tpu.memory_space<vmem>>, vector<16xi32>,
    %get3A_36 = arith.constant 32 : index
    %get3A_37 = tpu.vector_load %arg5[%get3A_36] {strides = array<i32>} : memref<128xi32, #tpu.memory_space<vmem>>, vector<16xi32>,
    %shift_right_logical3A_38 = arith.constant 2 : i32
    %shift_right_logical3A_39 = vector.broadcast %shift_right_logical3A_38 : i32 to vector<16xi32>
    %shift_right_logical3A_40 = arith.shrui %get3A_37, %shift_right_logical3A_39 : vector<16xi32>
    %swap3A_41 = arith.constant 32 : index
    %swap3A_42 = tpu.vector_load %arg7[%swap3A_41] {strides = array<i32>} : memref<128xi32, #tpu.memory_space<vmem>>, vector<16xi32>,
    tpu.vector_store %arg7[%swap3A_41], %shift_right_logical3A_40 {strides = array<i32>} : memref<128xi32, #tpu.memory_space<vmem>>, vector<16xi32>,
    %and3A_43 = arith.constant 3 : i32
    %and3A_44 = vector.broadcast %and3A_43 : i32 to vector<16xi32>
    %and3A_45 = arith.andi %get3A_37, %and3A_44 : vector<16xi32>
    %shift_left3A_46 = arith.constant 5 : i32
    %shift_left3A_47 = vector.broadcast %shift_left3A_46 : i32 to vector<16xi32>
    %shift_left3A_48 = arith.shli %and3A_45, %shift_left3A_47 : vector<16xi32>
    %swap3A_49 = arith.constant 32 : index
    %swap3A_50 = tpu.vector_load %arg9[%swap3A_49] {strides = array<i32>} : memref<128xi32, #tpu.memory_space<vmem>>, vector<16xi32>,
    tpu.vector_store %arg9[%swap3A_49], %shift_left3A_48 {strides = array<i32>} : memref<128xi32, #tpu.memory_space<vmem>>, vector<16xi32>,
    %get3A_51 = arith.constant 48 : index
    %get3A_52 = tpu.vector_load %arg5[%get3A_51] {strides = array<i32>} : memref<128xi32, #tpu.memory_space<vmem>>, vector<16xi32>,
    %shift_right_logical3A_53 = arith.constant 2 : i32
    %shift_right_logical3A_54 = vector.broadcast %shift_right_logical3A_53 : i32 to vector<16xi32>
    %shift_right_logical3A_55 = arith.shrui %get3A_52, %shift_right_logical3A_54 : vector<16xi32>
    %swap3A_56 = arith.constant 48 : index
    %swap3A_57 = tpu.vector_load %arg7[%swap3A_56] {strides = array<i32>} : memref<128xi32, #tpu.memory_space<vmem>>, vector<16xi32>,
    tpu.vector_store %arg7[%swap3A_56], %shift_right_logical3A_55 {strides = array<i32>} : memref<128xi32, #tpu.memory_space<vmem>>, vector<16xi32>,
    %and3A_58 = arith.constant 3 : i32
    %and3A_59 = vector.broadcast %and3A_58 : i32 to vector<16xi32>
    %and3A_60 = arith.andi %get3A_52, %and3A_59 : vector<16xi32>
    %shift_left3A_61 = arith.constant 5 : i32
    %shift_left3A_62 = vector.broadcast %shift_left3A_61 : i32 to vector<16xi32>
    %shift_left3A_63 = arith.shli %and3A_60, %shift_left3A_62 : vector<16xi32>
    %swap3A_64 = arith.constant 48 : index
    %swap3A_65 = tpu.vector_load %arg9[%swap3A_64] {strides = array<i32>} : memref<128xi32, #tpu.memory_space<vmem>>, vector<16xi32>,
    tpu.vector_store %arg9[%swap3A_64], %shift_left3A_63 {strides = array<i32>} : memref<128xi32, #tpu.memory_space<vmem>>, vector<16xi32>,
    %get3A_66 = arith.constant 64 : index
    %get3A_67 = tpu.vector_load %arg5[%get3A_66] {strides = array<i32>} : memref<128xi32, #tpu.memory_space<vmem>>, vector<16xi32>,
    %shift_right_logical3A_68 = arith.constant 2 : i32
    %shift_right_logical3A_69 = vector.broadcast %shift_right_logical3A_68 : i32 to vector<16xi32>
    %shift_right_logical3A_70 = arith.shrui %get3A_67, %shift_right_logical3A_69 : vector<16xi32>
    %swap3A_71 = arith.constant 64 : index
    %swap3A_72 = tpu.vector_load %arg7[%swap3A_71] {strides = array<i32>} : memref<128xi32, #tpu.memory_space<vmem>>, vector<16xi32>,
    tpu.vector_store %arg7[%swap3A_71], %shift_right_logical3A_70 {strides = array<i32>} : memref<128xi32, #tpu.memory_space<vmem>>, vector<16xi32>,
    %and3A_73 = arith.constant 3 : i32
    %and3A_74 = vector.broadcast %and3A_73 : i32 to vector<16xi32>
    %and3A_75 = arith.andi %get3A_67, %and3A_74 : vector<16xi32>
    %shift_left3A_76 = arith.constant 5 : i32
    %shift_left3A_77 = vector.broadcast %shift_left3A_76 : i32 to vector<16xi32>
    %shift_left3A_78 = arith.shli %and3A_75, %shift_left3A_77 : vector<16xi32>
    %swap3A_79 = arith.constant 64 : index
    %swap3A_80 = tpu.vector_load %arg9[%swap3A_79] {strides = array<i32>} : memref<128xi32, #tpu.memory_space<vmem>>, vector<16xi32>,
    tpu.vector_store %arg9[%swap3A_79], %shift_left3A_78 {strides = array<i32>} : memref<128xi32, #tpu.memory_space<vmem>>, vector<16xi32>,
    %get3A_81 = arith.constant 80 : index
    %get3A_82 = tpu.vector_load %arg5[%get3A_81] {strides = array<i32>} : memref<128xi32, #tpu.memory_space<vmem>>, vector<16xi32>,
    %shift_right_logical3A_83 = arith.constant 2 : i32
    %shift_right_logical3A_84 = vector.broadcast %shift_right_logical3A_83 : i32 to vector<16xi32>
    %shift_right_logical3A_85 = arith.shrui %get3A_82, %shift_right_logical3A_84 : vector<16xi32>
    %swap3A_86 = arith.constant 80 : index
    %swap3A_87 = tpu.vector_load %arg7[%swap3A_86] {strides = array<i32>} : memref<128xi32, #tpu.memory_space<vmem>>, vector<16xi32>,
    tpu.vector_store %arg7[%swap3A_86], %shift_right_logical3A_85 {strides = array<i32>} : memref<128xi32, #tpu.memory_space<vmem>>, vector<16xi32>,
    %and3A_88 = arith.constant 3 : i32
    %and3A_89 = vector.broadcast %and3A_88 : i32 to vector<16xi32>
    %and3A_90 = arith.andi %get3A_82, %and3A_89 : vector<16xi32>
    %shift_left3A_91 = arith.constant 5 : i32
    %shift_left3A_92 = vector.broadcast %shift_left3A_91 : i32 to vector<16xi32>
    %shift_left3A_93 = arith.shli %and3A_90, %shift_left3A_92 : vector<16xi32>
    %swap3A_94 = arith.constant 80 : index
    %swap3A_95 = tpu.vector_load %arg9[%swap3A_94] {strides = array<i32>} : memref<128xi32, #tpu.memory_space<vmem>>, vector<16xi32>,
    tpu.vector_store %arg9[%swap3A_94], %shift_left3A_93 {strides = array<i32>} : memref<128xi32, #tpu.memory_space<vmem>>, vector<16xi32>,
    %get3A_96 = arith.constant 96 : index
    %get3A_97 = tpu.vector_load %arg5[%get3A_96] {strides = array<i32>} : memref<128xi32, #tpu.memory_space<vmem>>, vector<16xi32>,
    %shift_right_logical3A_98 = arith.constant 2 : i32
    %shift_right_logical3A_99 = vector.broadcast %shift_right_logical3A_98 : i32 to vector<16xi32>
    %shift_right_logical3A_100 = arith.shrui %get3A_97, %shift_right_logical3A_99 : vector<16xi32>
    %swap3A_101 = arith.constant 96 : index
    %swap3A_102 = tpu.vector_load %arg7[%swap3A_101] {strides = array<i32>} : memref<128xi32, #tpu.memory_space<vmem>>, vector<16xi32>,
    tpu.vector_store %arg7[%swap3A_101], %shift_right_logical3A_100 {strides = array<i32>} : memref<128xi32, #tpu.memory_space<vmem>>, vector<16xi32>,
    %and3A_103 = arith.constant 3 : i32
    %and3A_104 = vector.broadcast %and3A_103 : i32 to vector<16xi32>
    %and3A_105 = arith.andi %get3A_97, %and3A_104 : vector<16xi32>
    %shift_left3A_106 = arith.constant 5 : i32
    %shift_left3A_107 = vector.broadcast %shift_left3A_106 : i32 to vector<16xi32>
    %shift_left3A_108 = arith.shli %and3A_105, %shift_left3A_107 : vector<16xi32>
    %swap3A_109 = arith.constant 96 : index
    %swap3A_110 = tpu.vector_load %arg9[%swap3A_109] {strides = array<i32>} : memref<128xi32, #tpu.memory_space<vmem>>, vector<16xi32>,
    tpu.vector_store %arg9[%swap3A_109], %shift_left3A_108 {strides = array<i32>} : memref<128xi32, #tpu.memory_space<vmem>>, vector<16xi32>,
    %get3A_111 = arith.constant 112 : index
    %get3A_112 = tpu.vector_load %arg5[%get3A_111] {strides = array<i32>} : memref<128xi32, #tpu.memory_space<vmem>>, vector<16xi32>,
    %shift_right_logical3A_113 = arith.constant 2 : i32
    %shift_right_logical3A_114 = vector.broadcast %shift_right_logical3A_113 : i32 to vector<16xi32>
    %shift_right_logical3A_115 = arith.shrui %get3A_112, %shift_right_logical3A_114 : vector<16xi32>
    %swap3A_116 = arith.constant 112 : index
    %swap3A_117 = tpu.vector_load %arg7[%swap3A_116] {strides = array<i32>} : memref<128xi32, #tpu.memory_space<vmem>>, vector<16xi32>,
    tpu.vector_store %arg7[%swap3A_116], %shift_right_logical3A_115 {strides = array<i32>} : memref<128xi32, #tpu.memory_space<vmem>>, vector<16xi32>,
    %and3A_118 = arith.constant 3 : i32
    %and3A_119 = vector.broadcast %and3A_118 : i32 to vector<16xi32>
    %and3A_120 = arith.andi %get3A_112, %and3A_119 : vector<16xi32>
    %shift_left3A_121 = arith.constant 5 : i32
    %shift_left3A_122 = vector.broadcast %shift_left3A_121 : i32 to vector<16xi32>
    %shift_left3A_123 = arith.shli %and3A_120, %shift_left3A_122 : vector<16xi32>
    %swap3A_124 = arith.constant 112 : index
    %swap3A_125 = tpu.vector_load %arg9[%swap3A_124] {strides = array<i32>} : memref<128xi32, #tpu.memory_space<vmem>>, vector<16xi32>,
    tpu.vector_store %arg9[%swap3A_124], %shift_left3A_123 {strides = array<i32>} : memref<128xi32, #tpu.memory_space<vmem>>, vector<16xi32>,
    %dma_start3A_126 = arith.constant 0 : i32
    %dma_start3A_127 = arith.constant 0 : i32
    %dma_start3A_128 = tpu.memref_slice %arg3[%dma_start3A_126, %dma_start3A_127] : memref<250016x128xf32, #tpu.memory_space<hbm>> -> memref<250016x128xf32, #tpu.memory_space<hbm>>
    tpu.enqueue_indirect_dma source(%dma_start3A_128 : memref<250016x128xf32, #tpu.memory_space<hbm>>) target(%arg11 : memref<128x128xf32, #tpu.memory_space<vmem>>) offsets(%arg7 : memref<128xi32, #tpu.memory_space<vmem>>) semaphore(%arg17 : memref<!tpu.dma_semaphore, #tpu.memory_space<semaphore_mem>>)
    %dma_start3A_129 = arith.constant 1 : i32
    %dma_start3A_130 = tpu.memref_slice %arg2[%dma_start3A_129, %multiple_of3A] : memref<50x4096xi32, #tpu.memory_space<hbm>> -> memref<1x128xi32, #tpu.memory_space<hbm>>
    %dma_start3A_131 = tpu.memref_squeeze %dma_start3A_130 : memref<1x128xi32, #tpu.memory_space<hbm>> -> memref<128xi32, #tpu.memory_space<hbm>>
    %dma_start3A_132 = tpu.memref_slice %arg2[%dma_start3A_129, %multiple_of3A] : memref<50x4096xi32, #tpu.memory_space<hbm>> -> memref<1x128xi32, #tpu.memory_space<hbm>>
    %dma_start3A_133 = tpu.memref_squeeze %dma_start3A_132 : memref<1x128xi32, #tpu.memory_space<hbm>> -> memref<128xi32, #tpu.memory_space<hbm>>
    tpu.enqueue_dma source(%dma_start3A_133 : memref<128xi32, #tpu.memory_space<hbm>>) target(%arg6 : memref<128xi32, #tpu.memory_space<vmem>>) target_semaphore(%arg16 : memref<!tpu.dma_semaphore, #tpu.memory_space<semaphore_mem>>)
    %scan3A = arith.constant 0 : i32
    %scan3A_134 = arith.constant 0 : i32
    %scan3A_135 = arith.constant 25 : i32
    %scan3A_136 = arith.addi %scan3A_134, %scan3A_135 : i32
    %scan3A_137 = arith.constant 1 : i32
    scf.for %scan3A_165 = %scan3A_134 to %scan3A_136 step %scan3A_137  : i32 {
      %mul3A_166 = arith.constant 2 : i32
      %mul3A_167 = arith.muli %mul3A_166, %scan3A_165 : i32
      %add3A_168 = arith.constant 0 : i32
      %add3A_169 = arith.addi %mul3A_167, %add3A_168 : i32
      %add3A_170 = arith.constant 1 : i32
      %add3A_171 = arith.addi %add3A_169, %add3A_170 : i32
      %lt3A = arith.constant 50 : i32
      %lt3A_172 = arith.cmpi slt, %add3A_171, %lt3A : i32
      %convert_element_type3A = arith.extui %lt3A_172 : i1 to i32
      %cond3A = arith.constant 0 : i32
      %cond3A_173 = arith.cmpi ne, %convert_element_type3A, %cond3A : i32
      scf.if %cond3A_173 {
        %dma_wait3A_330 = arith.constant 0 : i32
        %dma_wait3A_331 = tpu.memref_slice %arg2[%dma_wait3A_330, %multiple_of3A] : memref<50x4096xi32, #tpu.memory_space<hbm>> -> memref<1x128xi32, #tpu.memory_space<hbm>>
        %dma_wait3A_332 = tpu.memref_squeeze %dma_wait3A_331 : memref<1x128xi32, #tpu.memory_space<hbm>> -> memref<128xi32, #tpu.memory_space<hbm>>
        %dma_wait3A_333 = tpu.memref_slice %arg2[%dma_wait3A_330, %multiple_of3A] : memref<50x4096xi32, #tpu.memory_space<hbm>> -> memref<1x128xi32, #tpu.memory_space<hbm>>
        %dma_wait3A_334 = tpu.memref_squeeze %dma_wait3A_333 : memref<1x128xi32, #tpu.memory_space<hbm>> -> memref<128xi32, #tpu.memory_space<hbm>>
        tpu.wait_dma2 semaphore(%arg16 : memref<!tpu.dma_semaphore, #tpu.memory_space<semaphore_mem>>) src(%dma_wait3A_334 : memref<128xi32, #tpu.memory_space<hbm>>) dst(%arg6 : memref<128xi32, #tpu.memory_space<vmem>>)
        %get3A_335 = arith.constant 0 : index
        %get3A_336 = tpu.vector_load %arg6[%get3A_335] {strides = array<i32>} : memref<128xi32, #tpu.memory_space<vmem>>, vector<16xi32>,
        %shift_right_logical3A_337 = arith.constant 2 : i32
        %shift_right_logical3A_338 = vector.broadcast %shift_right_logical3A_337 : i32 to vector<16xi32>
        %shift_right_logical3A_339 = arith.shrui %get3A_336, %shift_right_logical3A_338 : vector<16xi32>
        %swap3A_340 = arith.constant 0 : index
        %swap3A_341 = tpu.vector_load %arg8[%swap3A_340] {strides = array<i32>} : memref<128xi32, #tpu.memory_space<vmem>>, vector<16xi32>,
        tpu.vector_store %arg8[%swap3A_340], %shift_right_logical3A_339 {strides = array<i32>} : memref<128xi32, #tpu.memory_space<vmem>>, vector<16xi32>,
        %and3A_342 = arith.constant 3 : i32
        %and3A_343 = vector.broadcast %and3A_342 : i32 to vector<16xi32>
        %and3A_344 = arith.andi %get3A_336, %and3A_343 : vector<16xi32>
        %shift_left3A_345 = arith.constant 5 : i32
        %shift_left3A_346 = vector.broadcast %shift_left3A_345 : i32 to vector<16xi32>
        %shift_left3A_347 = arith.shli %and3A_344, %shift_left3A_346 : vector<16xi32>
        %swap3A_348 = arith.constant 0 : index
        %swap3A_349 = tpu.vector_load %arg10[%swap3A_348] {strides = array<i32>} : memref<128xi32, #tpu.memory_space<vmem>>, vector<16xi32>,
        tpu.vector_store %arg10[%swap3A_348], %shift_left3A_347 {strides = array<i32>} : memref<128xi32, #tpu.memory_space<vmem>>, vector<16xi32>,
        %get3A_350 = arith.constant 16 : index
        %get3A_351 = tpu.vector_load %arg6[%get3A_350] {strides = array<i32>} : memref<128xi32, #tpu.memory_space<vmem>>, vector<16xi32>,
        %shift_right_logical3A_352 = arith.constant 2 : i32
        %shift_right_logical3A_353 = vector.broadcast %shift_right_logical3A_352 : i32 to vector<16xi32>
        %shift_right_logical3A_354 = arith.shrui %get3A_351, %shift_right_logical3A_353 : vector<16xi32>
        %swap3A_355 = arith.constant 16 : index
        %swap3A_356 = tpu.vector_load %arg8[%swap3A_355] {strides = array<i32>} : memref<128xi32, #tpu.memory_space<vmem>>, vector<16xi32>,
        tpu.vector_store %arg8[%swap3A_355], %shift_right_logical3A_354 {strides = array<i32>} : memref<128xi32, #tpu.memory_space<vmem>>, vector<16xi32>,
        %and3A_357 = arith.constant 3 : i32
        %and3A_358 = vector.broadcast %and3A_357 : i32 to vector<16xi32>
        %and3A_359 = arith.andi %get3A_351, %and3A_358 : vector<16xi32>
        %shift_left3A_360 = arith.constant 5 : i32
        %shift_left3A_361 = vector.broadcast %shift_left3A_360 : i32 to vector<16xi32>
        %shift_left3A_362 = arith.shli %and3A_359, %shift_left3A_361 : vector<16xi32>
        %swap3A_363 = arith.constant 16 : index
        %swap3A_364 = tpu.vector_load %arg10[%swap3A_363] {strides = array<i32>} : memref<128xi32, #tpu.memory_space<vmem>>, vector<16xi32>,
        tpu.vector_store %arg10[%swap3A_363], %shift_left3A_362 {strides = array<i32>} : memref<128xi32, #tpu.memory_space<vmem>>, vector<16xi32>,
        %get3A_365 = arith.constant 32 : index
        %get3A_366 = tpu.vector_load %arg6[%get3A_365] {strides = array<i32>} : memref<128xi32, #tpu.memory_space<vmem>>, vector<16xi32>,
        %shift_right_logical3A_367 = arith.constant 2 : i32
        %shift_right_logical3A_368 = vector.broadcast %shift_right_logical3A_367 : i32 to vector<16xi32>
        %shift_right_logical3A_369 = arith.shrui %get3A_366, %shift_right_logical3A_368 : vector<16xi32>
        %swap3A_370 = arith.constant 32 : index
        %swap3A_371 = tpu.vector_load %arg8[%swap3A_370] {strides = array<i32>} : memref<128xi32, #tpu.memory_space<vmem>>, vector<16xi32>,
        tpu.vector_store %arg8[%swap3A_370], %shift_right_logical3A_369 {strides = array<i32>} : memref<128xi32, #tpu.memory_space<vmem>>, vector<16xi32>,
        %and3A_372 = arith.constant 3 : i32
        %and3A_373 = vector.broadcast %and3A_372 : i32 to vector<16xi32>
        %and3A_374 = arith.andi %get3A_366, %and3A_373 : vector<16xi32>
        %shift_left3A_375 = arith.constant 5 : i32
        %shift_left3A_376 = vector.broadcast %shift_left3A_375 : i32 to vector<16xi32>
        %shift_left3A_377 = arith.shli %and3A_374, %shift_left3A_376 : vector<16xi32>
        %swap3A_378 = arith.constant 32 : index
        %swap3A_379 = tpu.vector_load %arg10[%swap3A_378] {strides = array<i32>} : memref<128xi32, #tpu.memory_space<vmem>>, vector<16xi32>,
        tpu.vector_store %arg10[%swap3A_378], %shift_left3A_377 {strides = array<i32>} : memref<128xi32, #tpu.memory_space<vmem>>, vector<16xi32>,
        %get3A_380 = arith.constant 48 : index
        %get3A_381 = tpu.vector_load %arg6[%get3A_380] {strides = array<i32>} : memref<128xi32, #tpu.memory_space<vmem>>, vector<16xi32>,
        %shift_right_logical3A_382 = arith.constant 2 : i32
        %shift_right_logical3A_383 = vector.broadcast %shift_right_logical3A_382 : i32 to vector<16xi32>
        %shift_right_logical3A_384 = arith.shrui %get3A_381, %shift_right_logical3A_383 : vector<16xi32>
        %swap3A_385 = arith.constant 48 : index
        %swap3A_386 = tpu.vector_load %arg8[%swap3A_385] {strides = array<i32>} : memref<128xi32, #tpu.memory_space<vmem>>, vector<16xi32>,
        tpu.vector_store %arg8[%swap3A_385], %shift_right_logical3A_384 {strides = array<i32>} : memref<128xi32, #tpu.memory_space<vmem>>, vector<16xi32>,
        %and3A_387 = arith.constant 3 : i32
        %and3A_388 = vector.broadcast %and3A_387 : i32 to vector<16xi32>
        %and3A_389 = arith.andi %get3A_381, %and3A_388 : vector<16xi32>
        %shift_left3A_390 = arith.constant 5 : i32
        %shift_left3A_391 = vector.broadcast %shift_left3A_390 : i32 to vector<16xi32>
        %shift_left3A_392 = arith.shli %and3A_389, %shift_left3A_391 : vector<16xi32>
        %swap3A_393 = arith.constant 48 : index
        %swap3A_394 = tpu.vector_load %arg10[%swap3A_393] {strides = array<i32>} : memref<128xi32, #tpu.memory_space<vmem>>, vector<16xi32>,
        tpu.vector_store %arg10[%swap3A_393], %shift_left3A_392 {strides = array<i32>} : memref<128xi32, #tpu.memory_space<vmem>>, vector<16xi32>,
        %get3A_395 = arith.constant 64 : index
        %get3A_396 = tpu.vector_load %arg6[%get3A_395] {strides = array<i32>} : memref<128xi32, #tpu.memory_space<vmem>>, vector<16xi32>,
        %shift_right_logical3A_397 = arith.constant 2 : i32
        %shift_right_logical3A_398 = vector.broadcast %shift_right_logical3A_397 : i32 to vector<16xi32>
        %shift_right_logical3A_399 = arith.shrui %get3A_396, %shift_right_logical3A_398 : vector<16xi32>
        %swap3A_400 = arith.constant 64 : index
        %swap3A_401 = tpu.vector_load %arg8[%swap3A_400] {strides = array<i32>} : memref<128xi32, #tpu.memory_space<vmem>>, vector<16xi32>,
        tpu.vector_store %arg8[%swap3A_400], %shift_right_logical3A_399 {strides = array<i32>} : memref<128xi32, #tpu.memory_space<vmem>>, vector<16xi32>,
        %and3A_402 = arith.constant 3 : i32
        %and3A_403 = vector.broadcast %and3A_402 : i32 to vector<16xi32>
        %and3A_404 = arith.andi %get3A_396, %and3A_403 : vector<16xi32>
        %shift_left3A_405 = arith.constant 5 : i32
        %shift_left3A_406 = vector.broadcast %shift_left3A_405 : i32 to vector<16xi32>
        %shift_left3A_407 = arith.shli %and3A_404, %shift_left3A_406 : vector<16xi32>
        %swap3A_408 = arith.constant 64 : index
        %swap3A_409 = tpu.vector_load %arg10[%swap3A_408] {strides = array<i32>} : memref<128xi32, #tpu.memory_space<vmem>>, vector<16xi32>,
        tpu.vector_store %arg10[%swap3A_408], %shift_left3A_407 {strides = array<i32>} : memref<128xi32, #tpu.memory_space<vmem>>, vector<16xi32>,
        %get3A_410 = arith.constant 80 : index
        %get3A_411 = tpu.vector_load %arg6[%get3A_410] {strides = array<i32>} : memref<128xi32, #tpu.memory_space<vmem>>, vector<16xi32>,
        %shift_right_logical3A_412 = arith.constant 2 : i32
        %shift_right_logical3A_413 = vector.broadcast %shift_right_logical3A_412 : i32 to vector<16xi32>
        %shift_right_logical3A_414 = arith.shrui %get3A_411, %shift_right_logical3A_413 : vector<16xi32>
        %swap3A_415 = arith.constant 80 : index
        %swap3A_416 = tpu.vector_load %arg8[%swap3A_415] {strides = array<i32>} : memref<128xi32, #tpu.memory_space<vmem>>, vector<16xi32>,
        tpu.vector_store %arg8[%swap3A_415], %shift_right_logical3A_414 {strides = array<i32>} : memref<128xi32, #tpu.memory_space<vmem>>, vector<16xi32>,
        %and3A_417 = arith.constant 3 : i32
        %and3A_418 = vector.broadcast %and3A_417 : i32 to vector<16xi32>
        %and3A_419 = arith.andi %get3A_411, %and3A_418 : vector<16xi32>
        %shift_left3A_420 = arith.constant 5 : i32
        %shift_left3A_421 = vector.broadcast %shift_left3A_420 : i32 to vector<16xi32>
        %shift_left3A_422 = arith.shli %and3A_419, %shift_left3A_421 : vector<16xi32>
        %swap3A_423 = arith.constant 80 : index
        %swap3A_424 = tpu.vector_load %arg10[%swap3A_423] {strides = array<i32>} : memref<128xi32, #tpu.memory_space<vmem>>, vector<16xi32>,
        tpu.vector_store %arg10[%swap3A_423], %shift_left3A_422 {strides = array<i32>} : memref<128xi32, #tpu.memory_space<vmem>>, vector<16xi32>,
        %get3A_425 = arith.constant 96 : index
        %get3A_426 = tpu.vector_load %arg6[%get3A_425] {strides = array<i32>} : memref<128xi32, #tpu.memory_space<vmem>>, vector<16xi32>,
        %shift_right_logical3A_427 = arith.constant 2 : i32
        %shift_right_logical3A_428 = vector.broadcast %shift_right_logical3A_427 : i32 to vector<16xi32>
        %shift_right_logical3A_429 = arith.shrui %get3A_426, %shift_right_logical3A_428 : vector<16xi32>
        %swap3A_430 = arith.constant 96 : index
        %swap3A_431 = tpu.vector_load %arg8[%swap3A_430] {strides = array<i32>} : memref<128xi32, #tpu.memory_space<vmem>>, vector<16xi32>,
        tpu.vector_store %arg8[%swap3A_430], %shift_right_logical3A_429 {strides = array<i32>} : memref<128xi32, #tpu.memory_space<vmem>>, vector<16xi32>,
        %and3A_432 = arith.constant 3 : i32
        %and3A_433 = vector.broadcast %and3A_432 : i32 to vector<16xi32>
        %and3A_434 = arith.andi %get3A_426, %and3A_433 : vector<16xi32>
        %shift_left3A_435 = arith.constant 5 : i32
        %shift_left3A_436 = vector.broadcast %shift_left3A_435 : i32 to vector<16xi32>
        %shift_left3A_437 = arith.shli %and3A_434, %shift_left3A_436 : vector<16xi32>
        %swap3A_438 = arith.constant 96 : index
        %swap3A_439 = tpu.vector_load %arg10[%swap3A_438] {strides = array<i32>} : memref<128xi32, #tpu.memory_space<vmem>>, vector<16xi32>,
        tpu.vector_store %arg10[%swap3A_438], %shift_left3A_437 {strides = array<i32>} : memref<128xi32, #tpu.memory_space<vmem>>, vector<16xi32>,
        %get3A_440 = arith.constant 112 : index
        %get3A_441 = tpu.vector_load %arg6[%get3A_440] {strides = array<i32>} : memref<128xi32, #tpu.memory_space<vmem>>, vector<16xi32>,
        %shift_right_logical3A_442 = arith.constant 2 : i32
        %shift_right_logical3A_443 = vector.broadcast %shift_right_logical3A_442 : i32 to vector<16xi32>
        %shift_right_logical3A_444 = arith.shrui %get3A_441, %shift_right_logical3A_443 : vector<16xi32>
        %swap3A_445 = arith.constant 112 : index
        %swap3A_446 = tpu.vector_load %arg8[%swap3A_445] {strides = array<i32>} : memref<128xi32, #tpu.memory_space<vmem>>, vector<16xi32>,
        tpu.vector_store %arg8[%swap3A_445], %shift_right_logical3A_444 {strides = array<i32>} : memref<128xi32, #tpu.memory_space<vmem>>, vector<16xi32>,
        %and3A_447 = arith.constant 3 : i32
        %and3A_448 = vector.broadcast %and3A_447 : i32 to vector<16xi32>
        %and3A_449 = arith.andi %get3A_441, %and3A_448 : vector<16xi32>
        %shift_left3A_450 = arith.constant 5 : i32
        %shift_left3A_451 = vector.broadcast %shift_left3A_450 : i32 to vector<16xi32>
        %shift_left3A_452 = arith.shli %and3A_449, %shift_left3A_451 : vector<16xi32>
        %swap3A_453 = arith.constant 112 : index
        %swap3A_454 = tpu.vector_load %arg10[%swap3A_453] {strides = array<i32>} : memref<128xi32, #tpu.memory_space<vmem>>, vector<16xi32>,
        tpu.vector_store %arg10[%swap3A_453], %shift_left3A_452 {strides = array<i32>} : memref<128xi32, #tpu.memory_space<vmem>>, vector<16xi32>,
        %dma_start3A_455 = arith.constant 0 : i32
        %dma_start3A_456 = arith.constant 0 : i32
        %dma_start3A_457 = tpu.memref_slice %arg3[%dma_start3A_455, %dma_start3A_456] : memref<250016x128xf32, #tpu.memory_space<hbm>> -> memref<250016x128xf32, #tpu.memory_space<hbm>>
        tpu.enqueue_indirect_dma source(%dma_start3A_457 : memref<250016x128xf32, #tpu.memory_space<hbm>>) target(%arg12 : memref<128x128xf32, #tpu.memory_space<vmem>>) offsets(%arg8 : memref<128xi32, #tpu.memory_space<vmem>>) semaphore(%arg18 : memref<!tpu.dma_semaphore, #tpu.memory_space<semaphore_mem>>)
      } else {
      }
      %add3A_174 = arith.constant 2 : i32
      %add3A_175 = arith.addi %add3A_169, %add3A_174 : i32
      %lt3A_176 = arith.constant 50 : i32
      %lt3A_177 = arith.cmpi slt, %add3A_175, %lt3A_176 : i32
      %convert_element_type3A_178 = arith.extui %lt3A_177 : i1 to i32
      %cond3A_179 = arith.constant 0 : i32
      %cond3A_180 = arith.cmpi ne, %convert_element_type3A_178, %cond3A_179 : i32
      scf.if %cond3A_180 {
        %add3A_330 = arith.constant 2 : i32
        %add3A_331 = arith.addi %add3A_169, %add3A_330 : i32
        %dma_start3A_332 = tpu.memref_slice %arg2[%add3A_331, %multiple_of3A] : memref<50x4096xi32, #tpu.memory_space<hbm>> -> memref<1x128xi32, #tpu.memory_space<hbm>>
        %dma_start3A_333 = tpu.memref_squeeze %dma_start3A_332 : memref<1x128xi32, #tpu.memory_space<hbm>> -> memref<128xi32, #tpu.memory_space<hbm>>
        %dma_start3A_334 = tpu.memref_slice %arg2[%add3A_331, %multiple_of3A] : memref<50x4096xi32, #tpu.memory_space<hbm>> -> memref<1x128xi32, #tpu.memory_space<hbm>>
        %dma_start3A_335 = tpu.memref_squeeze %dma_start3A_334 : memref<1x128xi32, #tpu.memory_space<hbm>> -> memref<128xi32, #tpu.memory_space<hbm>>
        tpu.enqueue_dma source(%dma_start3A_335 : memref<128xi32, #tpu.memory_space<hbm>>) target(%arg5 : memref<128xi32, #tpu.memory_space<vmem>>) target_semaphore(%arg15 : memref<!tpu.dma_semaphore, #tpu.memory_space<semaphore_mem>>)
      } else {
      }
      %dma_wait3A_181 = arith.constant 0 : i32
      %dma_wait3A_182 = arith.constant 0 : i32
      %dma_wait3A_183 = tpu.memref_slice %arg3[%dma_wait3A_181, %dma_wait3A_182] : memref<250016x128xf32, #tpu.memory_space<hbm>> -> memref<250016x128xf32, #tpu.memory_space<hbm>>
      tpu.wait_indirect_dma semaphore(%arg17 : memref<!tpu.dma_semaphore, #tpu.memory_space<semaphore_mem>>) src(%dma_wait3A_183 : memref<250016x128xf32, #tpu.memory_space<hbm>>) dst(%arg11 : memref<128x128xf32, #tpu.memory_space<vmem>>)
      %ge3A = arith.constant 2 : i32
      %ge3A_184 = arith.cmpi sge, %add3A_169, %ge3A : i32
      %convert_element_type3A_185 = arith.extui %ge3A_184 : i1 to i32
      %cond3A_186 = arith.constant 0 : i32
      %cond3A_187 = arith.cmpi ne, %convert_element_type3A_185, %cond3A_186 : i32
      scf.if %cond3A_187 {
        %dma_wait3A_330 = arith.constant 0 : i32
        %dma_wait3A_331 = arith.constant 0 : i32
        %dma_wait3A_332 = arith.constant 0 : i32
        %dma_wait3A_333 = tpu.memref_slice %arg4[%dma_wait3A_330, %dma_wait3A_331, %dma_wait3A_332] : memref<50x32x4096xf32, #tpu.memory_space<hbm>> -> memref<1x32x4096xf32, #tpu.memory_space<hbm>>
        %dma_wait3A_334 = tpu.memref_squeeze %dma_wait3A_333 : memref<1x32x4096xf32, #tpu.memory_space<hbm>> -> memref<32x4096xf32, #tpu.memory_space<hbm>>
        %dma_wait3A_335 = arith.constant 0 : i32
        %dma_wait3A_336 = tpu.memref_slice %dma_wait3A_334[%dma_wait3A_335, %multiple_of3A] : memref<32x4096xf32, #tpu.memory_space<hbm>> -> memref<32x128xf32, #tpu.memory_space<hbm>>
        %dma_wait3A_337 = arith.constant 0 : i32
        %dma_wait3A_338 = arith.constant 0 : i32
        %dma_wait3A_339 = tpu.memref_slice %arg4[%dma_wait3A_330, %dma_wait3A_337, %dma_wait3A_338] : memref<50x32x4096xf32, #tpu.memory_space<hbm>> -> memref<1x32x4096xf32, #tpu.memory_space<hbm>>
        %dma_wait3A_340 = tpu.memref_squeeze %dma_wait3A_339 : memref<1x32x4096xf32, #tpu.memory_space<hbm>> -> memref<32x4096xf32, #tpu.memory_space<hbm>>
        %dma_wait3A_341 = arith.constant 0 : i32
        %dma_wait3A_342 = tpu.memref_slice %dma_wait3A_340[%dma_wait3A_341, %multiple_of3A] : memref<32x4096xf32, #tpu.memory_space<hbm>> -> memref<32x128xf32, #tpu.memory_space<hbm>>
        tpu.wait_dma2 semaphore(%arg19 : memref<!tpu.dma_semaphore, #tpu.memory_space<semaphore_mem>>) src(%arg13 : memref<32x128xf32, #tpu.memory_space<vmem>>) dst(%dma_wait3A_342 : memref<32x128xf32, #tpu.memory_space<hbm>>)
      } else {
      }
      %get3A_188 = arith.constant 0 : index
      %get3A_189 = tpu.vector_load %arg9[%get3A_188] {strides = array<i32>} : memref<128xi32, #tpu.memory_space<vmem>>, vector<16xi32>,
      %get3A_190 = arith.constant 16 : index
      %get3A_191 = tpu.vector_load %arg9[%get3A_190] {strides = array<i32>} : memref<128xi32, #tpu.memory_space<vmem>>, vector<16xi32>,
      %get3A_192 = arith.constant 32 : index
      %get3A_193 = tpu.vector_load %arg9[%get3A_192] {strides = array<i32>} : memref<128xi32, #tpu.memory_space<vmem>>, vector<16xi32>,
      %get3A_194 = arith.constant 48 : index
      %get3A_195 = tpu.vector_load %arg9[%get3A_194] {strides = array<i32>} : memref<128xi32, #tpu.memory_space<vmem>>, vector<16xi32>,
      %get3A_196 = arith.constant 64 : index
      %get3A_197 = tpu.vector_load %arg9[%get3A_196] {strides = array<i32>} : memref<128xi32, #tpu.memory_space<vmem>>, vector<16xi32>,
      %get3A_198 = arith.constant 80 : index
      %get3A_199 = tpu.vector_load %arg9[%get3A_198] {strides = array<i32>} : memref<128xi32, #tpu.memory_space<vmem>>, vector<16xi32>,
      %get3A_200 = arith.constant 96 : index
      %get3A_201 = tpu.vector_load %arg9[%get3A_200] {strides = array<i32>} : memref<128xi32, #tpu.memory_space<vmem>>, vector<16xi32>,
      %get3A_202 = arith.constant 112 : index
      %get3A_203 = tpu.vector_load %arg9[%get3A_202] {strides = array<i32>} : memref<128xi32, #tpu.memory_space<vmem>>, vector<16xi32>,
      %add3A_204 = arith.constant 0 : i32
      %add3A_205 = vector.broadcast %add3A_204 : i32 to vector<16xi32>
      %add3A_206 = arith.addi %iota3A, %add3A_205 : vector<16xi32>
      %add3A_207 = arith.constant 16 : i32
      %add3A_208 = vector.broadcast %add3A_207 : i32 to vector<16xi32>
      %add3A_209 = arith.addi %iota3A, %add3A_208 : vector<16xi32>
      %add3A_210 = arith.constant 32 : i32
      %add3A_211 = vector.broadcast %add3A_210 : i32 to vector<16xi32>
      %add3A_212 = arith.addi %iota3A, %add3A_211 : vector<16xi32>
      %add3A_213 = arith.constant 48 : i32
      %add3A_214 = vector.broadcast %add3A_213 : i32 to vector<16xi32>
      %add3A_215 = arith.addi %iota3A, %add3A_214 : vector<16xi32>
      %add3A_216 = arith.constant 64 : i32
      %add3A_217 = vector.broadcast %add3A_216 : i32 to vector<16xi32>
      %add3A_218 = arith.addi %iota3A, %add3A_217 : vector<16xi32>
      %add3A_219 = arith.constant 80 : i32
      %add3A_220 = vector.broadcast %add3A_219 : i32 to vector<16xi32>
      %add3A_221 = arith.addi %iota3A, %add3A_220 : vector<16xi32>
      %add3A_222 = arith.constant 96 : i32
      %add3A_223 = vector.broadcast %add3A_222 : i32 to vector<16xi32>
      %add3A_224 = arith.addi %iota3A, %add3A_223 : vector<16xi32>
      %add3A_225 = arith.constant 112 : i32
      %add3A_226 = vector.broadcast %add3A_225 : i32 to vector<16xi32>
      %add3A_227 = arith.addi %iota3A, %add3A_226 : vector<16xi32>
      %scan3A_228 = arith.constant 0 : i32
      %scan3A_229 = arith.constant 0 : i32
      %scan3A_230 = arith.constant 32 : i32
      %scan3A_231 = arith.addi %scan3A_229, %scan3A_230 : i32
      %scan3A_232 = arith.constant 1 : i32
      scf.for %scan3A_330 = %scan3A_229 to %scan3A_231 step %scan3A_232  : i32 {
        %add3A_331 = vector.broadcast %scan3A_330 : i32 to vector<16xi32>
        %add3A_332 = arith.addi %iota3A, %add3A_331 : vector<16xi32>
        %and3A_333 = arith.constant 31 : i32
        %and3A_334 = vector.broadcast %and3A_333 : i32 to vector<16xi32>
        %and3A_335 = arith.andi %add3A_332, %and3A_334 : vector<16xi32>
        %add3A_336 = arith.addi %get3A_189, %and3A_335 : vector<16xi32>
        %gather3A = tpu.vector_load_idx %arg11[%add3A_206, %add3A_336] : memref<128x128xf32, #tpu.memory_space<vmem>>[vector<16xi32>, vector<16xi32>], vector<16xf32>,
        tpu.vector_store_idx %arg13[%and3A_335, %add3A_206], %gather3A : memref<32x128xf32, #tpu.memory_space<vmem>>[vector<16xi32>, vector<16xi32>], vector<16xf32>,
        %add3A_337 = arith.addi %get3A_191, %and3A_335 : vector<16xi32>
        %gather3A_338 = tpu.vector_load_idx %arg11[%add3A_209, %add3A_337] : memref<128x128xf32, #tpu.memory_space<vmem>>[vector<16xi32>, vector<16xi32>], vector<16xf32>,
        tpu.vector_store_idx %arg13[%and3A_335, %add3A_209], %gather3A_338 : memref<32x128xf32, #tpu.memory_space<vmem>>[vector<16xi32>, vector<16xi32>], vector<16xf32>,
        %add3A_339 = arith.addi %get3A_193, %and3A_335 : vector<16xi32>
        %gather3A_340 = tpu.vector_load_idx %arg11[%add3A_212, %add3A_339] : memref<128x128xf32, #tpu.memory_space<vmem>>[vector<16xi32>, vector<16xi32>], vector<16xf32>,
        tpu.vector_store_idx %arg13[%and3A_335, %add3A_212], %gather3A_340 : memref<32x128xf32, #tpu.memory_space<vmem>>[vector<16xi32>, vector<16xi32>], vector<16xf32>,
        %add3A_341 = arith.addi %get3A_195, %and3A_335 : vector<16xi32>
        %gather3A_342 = tpu.vector_load_idx %arg11[%add3A_215, %add3A_341] : memref<128x128xf32, #tpu.memory_space<vmem>>[vector<16xi32>, vector<16xi32>], vector<16xf32>,
        tpu.vector_store_idx %arg13[%and3A_335, %add3A_215], %gather3A_342 : memref<32x128xf32, #tpu.memory_space<vmem>>[vector<16xi32>, vector<16xi32>], vector<16xf32>,
        %add3A_343 = arith.addi %get3A_197, %and3A_335 : vector<16xi32>
        %gather3A_344 = tpu.vector_load_idx %arg11[%add3A_218, %add3A_343] : memref<128x128xf32, #tpu.memory_space<vmem>>[vector<16xi32>, vector<16xi32>], vector<16xf32>,
        tpu.vector_store_idx %arg13[%and3A_335, %add3A_218], %gather3A_344 : memref<32x128xf32, #tpu.memory_space<vmem>>[vector<16xi32>, vector<16xi32>], vector<16xf32>,
        %add3A_345 = arith.addi %get3A_199, %and3A_335 : vector<16xi32>
        %gather3A_346 = tpu.vector_load_idx %arg11[%add3A_221, %add3A_345] : memref<128x128xf32, #tpu.memory_space<vmem>>[vector<16xi32>, vector<16xi32>], vector<16xf32>,
        tpu.vector_store_idx %arg13[%and3A_335, %add3A_221], %gather3A_346 : memref<32x128xf32, #tpu.memory_space<vmem>>[vector<16xi32>, vector<16xi32>], vector<16xf32>,
        %add3A_347 = arith.addi %get3A_201, %and3A_335 : vector<16xi32>
        %gather3A_348 = tpu.vector_load_idx %arg11[%add3A_224, %add3A_347] : memref<128x128xf32, #tpu.memory_space<vmem>>[vector<16xi32>, vector<16xi32>], vector<16xf32>,
        tpu.vector_store_idx %arg13[%and3A_335, %add3A_224], %gather3A_348 : memref<32x128xf32, #tpu.memory_space<vmem>>[vector<16xi32>, vector<16xi32>], vector<16xf32>,
        %add3A_349 = arith.addi %get3A_203, %and3A_335 : vector<16xi32>
        %gather3A_350 = tpu.vector_load_idx %arg11[%add3A_227, %add3A_349] : memref<128x128xf32, #tpu.memory_space<vmem>>[vector<16xi32>, vector<16xi32>], vector<16xf32>,
        tpu.vector_store_idx %arg13[%and3A_335, %add3A_227], %gather3A_350 : memref<32x128xf32, #tpu.memory_space<vmem>>[vector<16xi32>, vector<16xi32>], vector<16xf32>,
      }
      %scan3A_233 = arith.constant 32 : i32
      %dma_start3A_234 = arith.constant 0 : i32
      %dma_start3A_235 = arith.constant 0 : i32
      %dma_start3A_236 = tpu.memref_slice %arg4[%add3A_169, %dma_start3A_234, %dma_start3A_235] : memref<50x32x4096xf32, #tpu.memory_space<hbm>> -> memref<1x32x4096xf32, #tpu.memory_space<hbm>>
      %dma_start3A_237 = tpu.memref_squeeze %dma_start3A_236 : memref<1x32x4096xf32, #tpu.memory_space<hbm>> -> memref<32x4096xf32, #tpu.memory_space<hbm>>
      %dma_start3A_238 = arith.constant 0 : i32
      %dma_start3A_239 = tpu.memref_slice %dma_start3A_237[%dma_start3A_238, %multiple_of3A] : memref<32x4096xf32, #tpu.memory_space<hbm>> -> memref<32x128xf32, #tpu.memory_space<hbm>>
      %dma_start3A_240 = arith.constant 0 : i32
      %dma_start3A_241 = arith.constant 0 : i32
      %dma_start3A_242 = tpu.memref_slice %arg4[%add3A_169, %dma_start3A_240, %dma_start3A_241] : memref<50x32x4096xf32, #tpu.memory_space<hbm>> -> memref<1x32x4096xf32, #tpu.memory_space<hbm>>
      %dma_start3A_243 = tpu.memref_squeeze %dma_start3A_242 : memref<1x32x4096xf32, #tpu.memory_space<hbm>> -> memref<32x4096xf32, #tpu.memory_space<hbm>>
      %dma_start3A_244 = arith.constant 0 : i32
      %dma_start3A_245 = tpu.memref_slice %dma_start3A_243[%dma_start3A_244, %multiple_of3A] : memref<32x4096xf32, #tpu.memory_space<hbm>> -> memref<32x128xf32, #tpu.memory_space<hbm>>
      tpu.enqueue_dma source(%arg13 : memref<32x128xf32, #tpu.memory_space<vmem>>) target(%dma_start3A_245 : memref<32x128xf32, #tpu.memory_space<hbm>>) target_semaphore(%arg19 : memref<!tpu.dma_semaphore, #tpu.memory_space<semaphore_mem>>)
      %mul3A_246 = arith.constant 2 : i32
      %mul3A_247 = arith.muli %mul3A_246, %scan3A_165 : i32
      %add3A_248 = arith.constant 1 : i32
      %add3A_249 = arith.addi %mul3A_247, %add3A_248 : i32
      %add3A_250 = arith.constant 1 : i32
      %add3A_251 = arith.addi %add3A_249, %add3A_250 : i32
      %lt3A_252 = arith.constant 50 : i32
      %lt3A_253 = arith.cmpi slt, %add3A_251, %lt3A_252 : i32
      %convert_element_type3A_254 = arith.extui %lt3A_253 : i1 to i32
      %cond3A_255 = arith.constant 0 : i32
      %cond3A_256 = arith.cmpi ne, %convert_element_type3A_254, %cond3A_255 : i32
      scf.if %cond3A_256 {
        %dma_wait3A_330 = arith.constant 0 : i32
        %dma_wait3A_331 = tpu.memref_slice %arg2[%dma_wait3A_330, %multiple_of3A] : memref<50x4096xi32, #tpu.memory_space<hbm>> -> memref<1x128xi32, #tpu.memory_space<hbm>>
        %dma_wait3A_332 = tpu.memref_squeeze %dma_wait3A_331 : memref<1x128xi32, #tpu.memory_space<hbm>> -> memref<128xi32, #tpu.memory_space<hbm>>
        %dma_wait3A_333 = tpu.memref_slice %arg2[%dma_wait3A_330, %multiple_of3A] : memref<50x4096xi32, #tpu.memory_space<hbm>> -> memref<1x128xi32, #tpu.memory_space<hbm>>
        %dma_wait3A_334 = tpu.memref_squeeze %dma_wait3A_333 : memref<1x128xi32, #tpu.memory_space<hbm>> -> memref<128xi32, #tpu.memory_space<hbm>>
        tpu.wait_dma2 semaphore(%arg15 : memref<!tpu.dma_semaphore, #tpu.memory_space<semaphore_mem>>) src(%dma_wait3A_334 : memref<128xi32, #tpu.memory_space<hbm>>) dst(%arg5 : memref<128xi32, #tpu.memory_space<vmem>>)
        %get3A_335 = arith.constant 0 : index
        %get3A_336 = tpu.vector_load %arg5[%get3A_335] {strides = array<i32>} : memref<128xi32, #tpu.memory_space<vmem>>, vector<16xi32>,
        %shift_right_logical3A_337 = arith.constant 2 : i32
        %shift_right_logical3A_338 = vector.broadcast %shift_right_logical3A_337 : i32 to vector<16xi32>
        %shift_right_logical3A_339 = arith.shrui %get3A_336, %shift_right_logical3A_338 : vector<16xi32>
        %swap3A_340 = arith.constant 0 : index
        %swap3A_341 = tpu.vector_load %arg7[%swap3A_340] {strides = array<i32>} : memref<128xi32, #tpu.memory_space<vmem>>, vector<16xi32>,
        tpu.vector_store %arg7[%swap3A_340], %shift_right_logical3A_339 {strides = array<i32>} : memref<128xi32, #tpu.memory_space<vmem>>, vector<16xi32>,
        %and3A_342 = arith.constant 3 : i32
        %and3A_343 = vector.broadcast %and3A_342 : i32 to vector<16xi32>
        %and3A_344 = arith.andi %get3A_336, %and3A_343 : vector<16xi32>
        %shift_left3A_345 = arith.constant 5 : i32
        %shift_left3A_346 = vector.broadcast %shift_left3A_345 : i32 to vector<16xi32>
        %shift_left3A_347 = arith.shli %and3A_344, %shift_left3A_346 : vector<16xi32>
        %swap3A_348 = arith.constant 0 : index
        %swap3A_349 = tpu.vector_load %arg9[%swap3A_348] {strides = array<i32>} : memref<128xi32, #tpu.memory_space<vmem>>, vector<16xi32>,
        tpu.vector_store %arg9[%swap3A_348], %shift_left3A_347 {strides = array<i32>} : memref<128xi32, #tpu.memory_space<vmem>>, vector<16xi32>,
        %get3A_350 = arith.constant 16 : index
        %get3A_351 = tpu.vector_load %arg5[%get3A_350] {strides = array<i32>} : memref<128xi32, #tpu.memory_space<vmem>>, vector<16xi32>,
        %shift_right_logical3A_352 = arith.constant 2 : i32
        %shift_right_logical3A_353 = vector.broadcast %shift_right_logical3A_352 : i32 to vector<16xi32>
        %shift_right_logical3A_354 = arith.shrui %get3A_351, %shift_right_logical3A_353 : vector<16xi32>
        %swap3A_355 = arith.constant 16 : index
        %swap3A_356 = tpu.vector_load %arg7[%swap3A_355] {strides = array<i32>} : memref<128xi32, #tpu.memory_space<vmem>>, vector<16xi32>,
        tpu.vector_store %arg7[%swap3A_355], %shift_right_logical3A_354 {strides = array<i32>} : memref<128xi32, #tpu.memory_space<vmem>>, vector<16xi32>,
        %and3A_357 = arith.constant 3 : i32
        %and3A_358 = vector.broadcast %and3A_357 : i32 to vector<16xi32>
        %and3A_359 = arith.andi %get3A_351, %and3A_358 : vector<16xi32>
        %shift_left3A_360 = arith.constant 5 : i32
        %shift_left3A_361 = vector.broadcast %shift_left3A_360 : i32 to vector<16xi32>
        %shift_left3A_362 = arith.shli %and3A_359, %shift_left3A_361 : vector<16xi32>
        %swap3A_363 = arith.constant 16 : index
        %swap3A_364 = tpu.vector_load %arg9[%swap3A_363] {strides = array<i32>} : memref<128xi32, #tpu.memory_space<vmem>>, vector<16xi32>,
        tpu.vector_store %arg9[%swap3A_363], %shift_left3A_362 {strides = array<i32>} : memref<128xi32, #tpu.memory_space<vmem>>, vector<16xi32>,
        %get3A_365 = arith.constant 32 : index
        %get3A_366 = tpu.vector_load %arg5[%get3A_365] {strides = array<i32>} : memref<128xi32, #tpu.memory_space<vmem>>, vector<16xi32>,
        %shift_right_logical3A_367 = arith.constant 2 : i32
        %shift_right_logical3A_368 = vector.broadcast %shift_right_logical3A_367 : i32 to vector<16xi32>
        %shift_right_logical3A_369 = arith.shrui %get3A_366, %shift_right_logical3A_368 : vector<16xi32>
        %swap3A_370 = arith.constant 32 : index
        %swap3A_371 = tpu.vector_load %arg7[%swap3A_370] {strides = array<i32>} : memref<128xi32, #tpu.memory_space<vmem>>, vector<16xi32>,
        tpu.vector_store %arg7[%swap3A_370], %shift_right_logical3A_369 {strides = array<i32>} : memref<128xi32, #tpu.memory_space<vmem>>, vector<16xi32>,
        %and3A_372 = arith.constant 3 : i32
        %and3A_373 = vector.broadcast %and3A_372 : i32 to vector<16xi32>
        %and3A_374 = arith.andi %get3A_366, %and3A_373 : vector<16xi32>
        %shift_left3A_375 = arith.constant 5 : i32
        %shift_left3A_376 = vector.broadcast %shift_left3A_375 : i32 to vector<16xi32>
        %shift_left3A_377 = arith.shli %and3A_374, %shift_left3A_376 : vector<16xi32>
        %swap3A_378 = arith.constant 32 : index
        %swap3A_379 = tpu.vector_load %arg9[%swap3A_378] {strides = array<i32>} : memref<128xi32, #tpu.memory_space<vmem>>, vector<16xi32>,
        tpu.vector_store %arg9[%swap3A_378], %shift_left3A_377 {strides = array<i32>} : memref<128xi32, #tpu.memory_space<vmem>>, vector<16xi32>,
        %get3A_380 = arith.constant 48 : index
        %get3A_381 = tpu.vector_load %arg5[%get3A_380] {strides = array<i32>} : memref<128xi32, #tpu.memory_space<vmem>>, vector<16xi32>,
        %shift_right_logical3A_382 = arith.constant 2 : i32
        %shift_right_logical3A_383 = vector.broadcast %shift_right_logical3A_382 : i32 to vector<16xi32>
        %shift_right_logical3A_384 = arith.shrui %get3A_381, %shift_right_logical3A_383 : vector<16xi32>
        %swap3A_385 = arith.constant 48 : index
        %swap3A_386 = tpu.vector_load %arg7[%swap3A_385] {strides = array<i32>} : memref<128xi32, #tpu.memory_space<vmem>>, vector<16xi32>,
        tpu.vector_store %arg7[%swap3A_385], %shift_right_logical3A_384 {strides = array<i32>} : memref<128xi32, #tpu.memory_space<vmem>>, vector<16xi32>,
        %and3A_387 = arith.constant 3 : i32
        %and3A_388 = vector.broadcast %and3A_387 : i32 to vector<16xi32>
        %and3A_389 = arith.andi %get3A_381, %and3A_388 : vector<16xi32>
        %shift_left3A_390 = arith.constant 5 : i32
        %shift_left3A_391 = vector.broadcast %shift_left3A_390 : i32 to vector<16xi32>
        %shift_left3A_392 = arith.shli %and3A_389, %shift_left3A_391 : vector<16xi32>
        %swap3A_393 = arith.constant 48 : index
        %swap3A_394 = tpu.vector_load %arg9[%swap3A_393] {strides = array<i32>} : memref<128xi32, #tpu.memory_space<vmem>>, vector<16xi32>,
        tpu.vector_store %arg9[%swap3A_393], %shift_left3A_392 {strides = array<i32>} : memref<128xi32, #tpu.memory_space<vmem>>, vector<16xi32>,
        %get3A_395 = arith.constant 64 : index
        %get3A_396 = tpu.vector_load %arg5[%get3A_395] {strides = array<i32>} : memref<128xi32, #tpu.memory_space<vmem>>, vector<16xi32>,
        %shift_right_logical3A_397 = arith.constant 2 : i32
        %shift_right_logical3A_398 = vector.broadcast %shift_right_logical3A_397 : i32 to vector<16xi32>
        %shift_right_logical3A_399 = arith.shrui %get3A_396, %shift_right_logical3A_398 : vector<16xi32>
        %swap3A_400 = arith.constant 64 : index
        %swap3A_401 = tpu.vector_load %arg7[%swap3A_400] {strides = array<i32>} : memref<128xi32, #tpu.memory_space<vmem>>, vector<16xi32>,
        tpu.vector_store %arg7[%swap3A_400], %shift_right_logical3A_399 {strides = array<i32>} : memref<128xi32, #tpu.memory_space<vmem>>, vector<16xi32>,
        %and3A_402 = arith.constant 3 : i32
        %and3A_403 = vector.broadcast %and3A_402 : i32 to vector<16xi32>
        %and3A_404 = arith.andi %get3A_396, %and3A_403 : vector<16xi32>
        %shift_left3A_405 = arith.constant 5 : i32
        %shift_left3A_406 = vector.broadcast %shift_left3A_405 : i32 to vector<16xi32>
        %shift_left3A_407 = arith.shli %and3A_404, %shift_left3A_406 : vector<16xi32>
        %swap3A_408 = arith.constant 64 : index
        %swap3A_409 = tpu.vector_load %arg9[%swap3A_408] {strides = array<i32>} : memref<128xi32, #tpu.memory_space<vmem>>, vector<16xi32>,
        tpu.vector_store %arg9[%swap3A_408], %shift_left3A_407 {strides = array<i32>} : memref<128xi32, #tpu.memory_space<vmem>>, vector<16xi32>,
        %get3A_410 = arith.constant 80 : index
        %get3A_411 = tpu.vector_load %arg5[%get3A_410] {strides = array<i32>} : memref<128xi32, #tpu.memory_space<vmem>>, vector<16xi32>,
        %shift_right_logical3A_412 = arith.constant 2 : i32
        %shift_right_logical3A_413 = vector.broadcast %shift_right_logical3A_412 : i32 to vector<16xi32>
        %shift_right_logical3A_414 = arith.shrui %get3A_411, %shift_right_logical3A_413 : vector<16xi32>
        %swap3A_415 = arith.constant 80 : index
        %swap3A_416 = tpu.vector_load %arg7[%swap3A_415] {strides = array<i32>} : memref<128xi32, #tpu.memory_space<vmem>>, vector<16xi32>,
        tpu.vector_store %arg7[%swap3A_415], %shift_right_logical3A_414 {strides = array<i32>} : memref<128xi32, #tpu.memory_space<vmem>>, vector<16xi32>,
        %and3A_417 = arith.constant 3 : i32
        %and3A_418 = vector.broadcast %and3A_417 : i32 to vector<16xi32>
        %and3A_419 = arith.andi %get3A_411, %and3A_418 : vector<16xi32>
        %shift_left3A_420 = arith.constant 5 : i32
        %shift_left3A_421 = vector.broadcast %shift_left3A_420 : i32 to vector<16xi32>
        %shift_left3A_422 = arith.shli %and3A_419, %shift_left3A_421 : vector<16xi32>
        %swap3A_423 = arith.constant 80 : index
        %swap3A_424 = tpu.vector_load %arg9[%swap3A_423] {strides = array<i32>} : memref<128xi32, #tpu.memory_space<vmem>>, vector<16xi32>,
        tpu.vector_store %arg9[%swap3A_423], %shift_left3A_422 {strides = array<i32>} : memref<128xi32, #tpu.memory_space<vmem>>, vector<16xi32>,
        %get3A_425 = arith.constant 96 : index
        %get3A_426 = tpu.vector_load %arg5[%get3A_425] {strides = array<i32>} : memref<128xi32, #tpu.memory_space<vmem>>, vector<16xi32>,
        %shift_right_logical3A_427 = arith.constant 2 : i32
        %shift_right_logical3A_428 = vector.broadcast %shift_right_logical3A_427 : i32 to vector<16xi32>
        %shift_right_logical3A_429 = arith.shrui %get3A_426, %shift_right_logical3A_428 : vector<16xi32>
        %swap3A_430 = arith.constant 96 : index
        %swap3A_431 = tpu.vector_load %arg7[%swap3A_430] {strides = array<i32>} : memref<128xi32, #tpu.memory_space<vmem>>, vector<16xi32>,
        tpu.vector_store %arg7[%swap3A_430], %shift_right_logical3A_429 {strides = array<i32>} : memref<128xi32, #tpu.memory_space<vmem>>, vector<16xi32>,
        %and3A_432 = arith.constant 3 : i32
        %and3A_433 = vector.broadcast %and3A_432 : i32 to vector<16xi32>
        %and3A_434 = arith.andi %get3A_426, %and3A_433 : vector<16xi32>
        %shift_left3A_435 = arith.constant 5 : i32
        %shift_left3A_436 = vector.broadcast %shift_left3A_435 : i32 to vector<16xi32>
        %shift_left3A_437 = arith.shli %and3A_434, %shift_left3A_436 : vector<16xi32>
        %swap3A_438 = arith.constant 96 : index
        %swap3A_439 = tpu.vector_load %arg9[%swap3A_438] {strides = array<i32>} : memref<128xi32, #tpu.memory_space<vmem>>, vector<16xi32>,
        tpu.vector_store %arg9[%swap3A_438], %shift_left3A_437 {strides = array<i32>} : memref<128xi32, #tpu.memory_space<vmem>>, vector<16xi32>,
        %get3A_440 = arith.constant 112 : index
        %get3A_441 = tpu.vector_load %arg5[%get3A_440] {strides = array<i32>} : memref<128xi32, #tpu.memory_space<vmem>>, vector<16xi32>,
        %shift_right_logical3A_442 = arith.constant 2 : i32
        %shift_right_logical3A_443 = vector.broadcast %shift_right_logical3A_442 : i32 to vector<16xi32>
        %shift_right_logical3A_444 = arith.shrui %get3A_441, %shift_right_logical3A_443 : vector<16xi32>
        %swap3A_445 = arith.constant 112 : index
        %swap3A_446 = tpu.vector_load %arg7[%swap3A_445] {strides = array<i32>} : memref<128xi32, #tpu.memory_space<vmem>>, vector<16xi32>,
        tpu.vector_store %arg7[%swap3A_445], %shift_right_logical3A_444 {strides = array<i32>} : memref<128xi32, #tpu.memory_space<vmem>>, vector<16xi32>,
        %and3A_447 = arith.constant 3 : i32
        %and3A_448 = vector.broadcast %and3A_447 : i32 to vector<16xi32>
        %and3A_449 = arith.andi %get3A_441, %and3A_448 : vector<16xi32>
        %shift_left3A_450 = arith.constant 5 : i32
        %shift_left3A_451 = vector.broadcast %shift_left3A_450 : i32 to vector<16xi32>
        %shift_left3A_452 = arith.shli %and3A_449, %shift_left3A_451 : vector<16xi32>
        %swap3A_453 = arith.constant 112 : index
        %swap3A_454 = tpu.vector_load %arg9[%swap3A_453] {strides = array<i32>} : memref<128xi32, #tpu.memory_space<vmem>>, vector<16xi32>,
        tpu.vector_store %arg9[%swap3A_453], %shift_left3A_452 {strides = array<i32>} : memref<128xi32, #tpu.memory_space<vmem>>, vector<16xi32>,
        %dma_start3A_455 = arith.constant 0 : i32
        %dma_start3A_456 = arith.constant 0 : i32
        %dma_start3A_457 = tpu.memref_slice %arg3[%dma_start3A_455, %dma_start3A_456] : memref<250016x128xf32, #tpu.memory_space<hbm>> -> memref<250016x128xf32, #tpu.memory_space<hbm>>
        tpu.enqueue_indirect_dma source(%dma_start3A_457 : memref<250016x128xf32, #tpu.memory_space<hbm>>) target(%arg11 : memref<128x128xf32, #tpu.memory_space<vmem>>) offsets(%arg7 : memref<128xi32, #tpu.memory_space<vmem>>) semaphore(%arg17 : memref<!tpu.dma_semaphore, #tpu.memory_space<semaphore_mem>>)
      } else {
      }
      %add3A_257 = arith.constant 2 : i32
      %add3A_258 = arith.addi %add3A_249, %add3A_257 : i32
      %lt3A_259 = arith.constant 50 : i32
      %lt3A_260 = arith.cmpi slt, %add3A_258, %lt3A_259 : i32
      %convert_element_type3A_261 = arith.extui %lt3A_260 : i1 to i32
      %cond3A_262 = arith.constant 0 : i32
      %cond3A_263 = arith.cmpi ne, %convert_element_type3A_261, %cond3A_262 : i32
      scf.if %cond3A_263 {
        %add3A_330 = arith.constant 2 : i32
        %add3A_331 = arith.addi %add3A_249, %add3A_330 : i32
        %dma_start3A_332 = tpu.memref_slice %arg2[%add3A_331, %multiple_of3A] : memref<50x4096xi32, #tpu.memory_space<hbm>> -> memref<1x128xi32, #tpu.memory_space<hbm>>
        %dma_start3A_333 = tpu.memref_squeeze %dma_start3A_332 : memref<1x128xi32, #tpu.memory_space<hbm>> -> memref<128xi32, #tpu.memory_space<hbm>>
        %dma_start3A_334 = tpu.memref_slice %arg2[%add3A_331, %multiple_of3A] : memref<50x4096xi32, #tpu.memory_space<hbm>> -> memref<1x128xi32, #tpu.memory_space<hbm>>
        %dma_start3A_335 = tpu.memref_squeeze %dma_start3A_334 : memref<1x128xi32, #tpu.memory_space<hbm>> -> memref<128xi32, #tpu.memory_space<hbm>>
        tpu.enqueue_dma source(%dma_start3A_335 : memref<128xi32, #tpu.memory_space<hbm>>) target(%arg6 : memref<128xi32, #tpu.memory_space<vmem>>) target_semaphore(%arg16 : memref<!tpu.dma_semaphore, #tpu.memory_space<semaphore_mem>>)
      } else {
      }
      %dma_wait3A_264 = arith.constant 0 : i32
      %dma_wait3A_265 = arith.constant 0 : i32
      %dma_wait3A_266 = tpu.memref_slice %arg3[%dma_wait3A_264, %dma_wait3A_265] : memref<250016x128xf32, #tpu.memory_space<hbm>> -> memref<250016x128xf32, #tpu.memory_space<hbm>>
      tpu.wait_indirect_dma semaphore(%arg18 : memref<!tpu.dma_semaphore, #tpu.memory_space<semaphore_mem>>) src(%dma_wait3A_266 : memref<250016x128xf32, #tpu.memory_space<hbm>>) dst(%arg12 : memref<128x128xf32, #tpu.memory_space<vmem>>)
      %ge3A_267 = arith.constant 2 : i32
      %ge3A_268 = arith.cmpi sge, %add3A_249, %ge3A_267 : i32
      %convert_element_type3A_269 = arith.extui %ge3A_268 : i1 to i32
      %cond3A_270 = arith.constant 0 : i32
      %cond3A_271 = arith.cmpi ne, %convert_element_type3A_269, %cond3A_270 : i32
      scf.if %cond3A_271 {
        %dma_wait3A_330 = arith.constant 0 : i32
        %dma_wait3A_331 = arith.constant 0 : i32
        %dma_wait3A_332 = arith.constant 0 : i32
        %dma_wait3A_333 = tpu.memref_slice %arg4[%dma_wait3A_330, %dma_wait3A_331, %dma_wait3A_332] : memref<50x32x4096xf32, #tpu.memory_space<hbm>> -> memref<1x32x4096xf32, #tpu.memory_space<hbm>>
        %dma_wait3A_334 = tpu.memref_squeeze %dma_wait3A_333 : memref<1x32x4096xf32, #tpu.memory_space<hbm>> -> memref<32x4096xf32, #tpu.memory_space<hbm>>
        %dma_wait3A_335 = arith.constant 0 : i32
        %dma_wait3A_336 = tpu.memref_slice %dma_wait3A_334[%dma_wait3A_335, %multiple_of3A] : memref<32x4096xf32, #tpu.memory_space<hbm>> -> memref<32x128xf32, #tpu.memory_space<hbm>>
        %dma_wait3A_337 = arith.constant 0 : i32
        %dma_wait3A_338 = arith.constant 0 : i32
        %dma_wait3A_339 = tpu.memref_slice %arg4[%dma_wait3A_330, %dma_wait3A_337, %dma_wait3A_338] : memref<50x32x4096xf32, #tpu.memory_space<hbm>> -> memref<1x32x4096xf32, #tpu.memory_space<hbm>>
        %dma_wait3A_340 = tpu.memref_squeeze %dma_wait3A_339 : memref<1x32x4096xf32, #tpu.memory_space<hbm>> -> memref<32x4096xf32, #tpu.memory_space<hbm>>
        %dma_wait3A_341 = arith.constant 0 : i32
        %dma_wait3A_342 = tpu.memref_slice %dma_wait3A_340[%dma_wait3A_341, %multiple_of3A] : memref<32x4096xf32, #tpu.memory_space<hbm>> -> memref<32x128xf32, #tpu.memory_space<hbm>>
        tpu.wait_dma2 semaphore(%arg20 : memref<!tpu.dma_semaphore, #tpu.memory_space<semaphore_mem>>) src(%arg14 : memref<32x128xf32, #tpu.memory_space<vmem>>) dst(%dma_wait3A_342 : memref<32x128xf32, #tpu.memory_space<hbm>>)
      } else {
      }
      %get3A_272 = arith.constant 0 : index
      %get3A_273 = tpu.vector_load %arg10[%get3A_272] {strides = array<i32>} : memref<128xi32, #tpu.memory_space<vmem>>, vector<16xi32>,
      %get3A_274 = arith.constant 16 : index
      %get3A_275 = tpu.vector_load %arg10[%get3A_274] {strides = array<i32>} : memref<128xi32, #tpu.memory_space<vmem>>, vector<16xi32>,
      %get3A_276 = arith.constant 32 : index
      %get3A_277 = tpu.vector_load %arg10[%get3A_276] {strides = array<i32>} : memref<128xi32, #tpu.memory_space<vmem>>, vector<16xi32>,
      %get3A_278 = arith.constant 48 : index
      %get3A_279 = tpu.vector_load %arg10[%get3A_278] {strides = array<i32>} : memref<128xi32, #tpu.memory_space<vmem>>, vector<16xi32>,
      %get3A_280 = arith.constant 64 : index
      %get3A_281 = tpu.vector_load %arg10[%get3A_280] {strides = array<i32>} : memref<128xi32, #tpu.memory_space<vmem>>, vector<16xi32>,
      %get3A_282 = arith.constant 80 : index
      %get3A_283 = tpu.vector_load %arg10[%get3A_282] {strides = array<i32>} : memref<128xi32, #tpu.memory_space<vmem>>, vector<16xi32>,
      %get3A_284 = arith.constant 96 : index
      %get3A_285 = tpu.vector_load %arg10[%get3A_284] {strides = array<i32>} : memref<128xi32, #tpu.memory_space<vmem>>, vector<16xi32>,
      %get3A_286 = arith.constant 112 : index
      %get3A_287 = tpu.vector_load %arg10[%get3A_286] {strides = array<i32>} : memref<128xi32, #tpu.memory_space<vmem>>, vector<16xi32>,
      %add3A_288 = arith.constant 0 : i32
      %add3A_289 = vector.broadcast %add3A_288 : i32 to vector<16xi32>
      %add3A_290 = arith.addi %iota3A, %add3A_289 : vector<16xi32>
      %add3A_291 = arith.constant 16 : i32
      %add3A_292 = vector.broadcast %add3A_291 : i32 to vector<16xi32>
      %add3A_293 = arith.addi %iota3A, %add3A_292 : vector<16xi32>
      %add3A_294 = arith.constant 32 : i32
      %add3A_295 = vector.broadcast %add3A_294 : i32 to vector<16xi32>
      %add3A_296 = arith.addi %iota3A, %add3A_295 : vector<16xi32>
      %add3A_297 = arith.constant 48 : i32
      %add3A_298 = vector.broadcast %add3A_297 : i32 to vector<16xi32>
      %add3A_299 = arith.addi %iota3A, %add3A_298 : vector<16xi32>
      %add3A_300 = arith.constant 64 : i32
      %add3A_301 = vector.broadcast %add3A_300 : i32 to vector<16xi32>
      %add3A_302 = arith.addi %iota3A, %add3A_301 : vector<16xi32>
      %add3A_303 = arith.constant 80 : i32
      %add3A_304 = vector.broadcast %add3A_303 : i32 to vector<16xi32>
      %add3A_305 = arith.addi %iota3A, %add3A_304 : vector<16xi32>
      %add3A_306 = arith.constant 96 : i32
      %add3A_307 = vector.broadcast %add3A_306 : i32 to vector<16xi32>
      %add3A_308 = arith.addi %iota3A, %add3A_307 : vector<16xi32>
      %add3A_309 = arith.constant 112 : i32
      %add3A_310 = vector.broadcast %add3A_309 : i32 to vector<16xi32>
      %add3A_311 = arith.addi %iota3A, %add3A_310 : vector<16xi32>
      %scan3A_312 = arith.constant 0 : i32
      %scan3A_313 = arith.constant 0 : i32
      %scan3A_314 = arith.constant 32 : i32
      %scan3A_315 = arith.addi %scan3A_313, %scan3A_314 : i32
      %scan3A_316 = arith.constant 1 : i32
      scf.for %scan3A_330 = %scan3A_313 to %scan3A_315 step %scan3A_316  : i32 {
        %add3A_331 = vector.broadcast %scan3A_330 : i32 to vector<16xi32>
        %add3A_332 = arith.addi %iota3A, %add3A_331 : vector<16xi32>
        %and3A_333 = arith.constant 31 : i32
        %and3A_334 = vector.broadcast %and3A_333 : i32 to vector<16xi32>
        %and3A_335 = arith.andi %add3A_332, %and3A_334 : vector<16xi32>
        %add3A_336 = arith.addi %get3A_273, %and3A_335 : vector<16xi32>
        %gather3A = tpu.vector_load_idx %arg12[%add3A_290, %add3A_336] : memref<128x128xf32, #tpu.memory_space<vmem>>[vector<16xi32>, vector<16xi32>], vector<16xf32>,
        tpu.vector_store_idx %arg14[%and3A_335, %add3A_290], %gather3A : memref<32x128xf32, #tpu.memory_space<vmem>>[vector<16xi32>, vector<16xi32>], vector<16xf32>,
        %add3A_337 = arith.addi %get3A_275, %and3A_335 : vector<16xi32>
        %gather3A_338 = tpu.vector_load_idx %arg12[%add3A_293, %add3A_337] : memref<128x128xf32, #tpu.memory_space<vmem>>[vector<16xi32>, vector<16xi32>], vector<16xf32>,
        tpu.vector_store_idx %arg14[%and3A_335, %add3A_293], %gather3A_338 : memref<32x128xf32, #tpu.memory_space<vmem>>[vector<16xi32>, vector<16xi32>], vector<16xf32>,
        %add3A_339 = arith.addi %get3A_277, %and3A_335 : vector<16xi32>
        %gather3A_340 = tpu.vector_load_idx %arg12[%add3A_296, %add3A_339] : memref<128x128xf32, #tpu.memory_space<vmem>>[vector<16xi32>, vector<16xi32>], vector<16xf32>,
        tpu.vector_store_idx %arg14[%and3A_335, %add3A_296], %gather3A_340 : memref<32x128xf32, #tpu.memory_space<vmem>>[vector<16xi32>, vector<16xi32>], vector<16xf32>,
        %add3A_341 = arith.addi %get3A_279, %and3A_335 : vector<16xi32>
        %gather3A_342 = tpu.vector_load_idx %arg12[%add3A_299, %add3A_341] : memref<128x128xf32, #tpu.memory_space<vmem>>[vector<16xi32>, vector<16xi32>], vector<16xf32>,
        tpu.vector_store_idx %arg14[%and3A_335, %add3A_299], %gather3A_342 : memref<32x128xf32, #tpu.memory_space<vmem>>[vector<16xi32>, vector<16xi32>], vector<16xf32>,
        %add3A_343 = arith.addi %get3A_281, %and3A_335 : vector<16xi32>
        %gather3A_344 = tpu.vector_load_idx %arg12[%add3A_302, %add3A_343] : memref<128x128xf32, #tpu.memory_space<vmem>>[vector<16xi32>, vector<16xi32>], vector<16xf32>,
        tpu.vector_store_idx %arg14[%and3A_335, %add3A_302], %gather3A_344 : memref<32x128xf32, #tpu.memory_space<vmem>>[vector<16xi32>, vector<16xi32>], vector<16xf32>,
        %add3A_345 = arith.addi %get3A_283, %and3A_335 : vector<16xi32>
        %gather3A_346 = tpu.vector_load_idx %arg12[%add3A_305, %add3A_345] : memref<128x128xf32, #tpu.memory_space<vmem>>[vector<16xi32>, vector<16xi32>], vector<16xf32>,
        tpu.vector_store_idx %arg14[%and3A_335, %add3A_305], %gather3A_346 : memref<32x128xf32, #tpu.memory_space<vmem>>[vector<16xi32>, vector<16xi32>], vector<16xf32>,
        %add3A_347 = arith.addi %get3A_285, %and3A_335 : vector<16xi32>
        %gather3A_348 = tpu.vector_load_idx %arg12[%add3A_308, %add3A_347] : memref<128x128xf32, #tpu.memory_space<vmem>>[vector<16xi32>, vector<16xi32>], vector<16xf32>,
        tpu.vector_store_idx %arg14[%and3A_335, %add3A_308], %gather3A_348 : memref<32x128xf32, #tpu.memory_space<vmem>>[vector<16xi32>, vector<16xi32>], vector<16xf32>,
        %add3A_349 = arith.addi %get3A_287, %and3A_335 : vector<16xi32>
        %gather3A_350 = tpu.vector_load_idx %arg12[%add3A_311, %add3A_349] : memref<128x128xf32, #tpu.memory_space<vmem>>[vector<16xi32>, vector<16xi32>], vector<16xf32>,
        tpu.vector_store_idx %arg14[%and3A_335, %add3A_311], %gather3A_350 : memref<32x128xf32, #tpu.memory_space<vmem>>[vector<16xi32>, vector<16xi32>], vector<16xf32>,
      }
      %scan3A_317 = arith.constant 32 : i32
      %dma_start3A_318 = arith.constant 0 : i32
      %dma_start3A_319 = arith.constant 0 : i32
      %dma_start3A_320 = tpu.memref_slice %arg4[%add3A_249, %dma_start3A_318, %dma_start3A_319] : memref<50x32x4096xf32, #tpu.memory_space<hbm>> -> memref<1x32x4096xf32, #tpu.memory_space<hbm>>
      %dma_start3A_321 = tpu.memref_squeeze %dma_start3A_320 : memref<1x32x4096xf32, #tpu.memory_space<hbm>> -> memref<32x4096xf32, #tpu.memory_space<hbm>>
      %dma_start3A_322 = arith.constant 0 : i32
      %dma_start3A_323 = tpu.memref_slice %dma_start3A_321[%dma_start3A_322, %multiple_of3A] : memref<32x4096xf32, #tpu.memory_space<hbm>> -> memref<32x128xf32, #tpu.memory_space<hbm>>
      %dma_start3A_324 = arith.constant 0 : i32
      %dma_start3A_325 = arith.constant 0 : i32
      %dma_start3A_326 = tpu.memref_slice %arg4[%add3A_249, %dma_start3A_324, %dma_start3A_325] : memref<50x32x4096xf32, #tpu.memory_space<hbm>> -> memref<1x32x4096xf32, #tpu.memory_space<hbm>>
      %dma_start3A_327 = tpu.memref_squeeze %dma_start3A_326 : memref<1x32x4096xf32, #tpu.memory_space<hbm>> -> memref<32x4096xf32, #tpu.memory_space<hbm>>
      %dma_start3A_328 = arith.constant 0 : i32
      %dma_start3A_329 = tpu.memref_slice %dma_start3A_327[%dma_start3A_328, %multiple_of3A] : memref<32x4096xf32, #tpu.memory_space<hbm>> -> memref<32x128xf32, #tpu.memory_space<hbm>>
      tpu.enqueue_dma source(%arg14 : memref<32x128xf32, #tpu.memory_space<vmem>>) target(%dma_start3A_329 : memref<32x128xf32, #tpu.memory_space<hbm>>) target_semaphore(%arg20 : memref<!tpu.dma_semaphore, #tpu.memory_space<semaphore_mem>>)
    }
    %scan3A_138 = arith.constant 25 : i32
    %dma_wait3A_139 = arith.constant 0 : i32
    %dma_wait3A_140 = arith.constant 0 : i32
    %dma_wait3A_141 = arith.constant 0 : i32
    %dma_wait3A_142 = tpu.memref_slice %arg4[%dma_wait3A_139, %dma_wait3A_140, %dma_wait3A_141] : memref<50x32x4096xf32, #tpu.memory_space<hbm>> -> memref<1x32x4096xf32, #tpu.memory_space<hbm>>
    %dma_wait3A_143 = tpu.memref_squeeze %dma_wait3A_142 : memref<1x32x4096xf32, #tpu.memory_space<hbm>> -> memref<32x4096xf32, #tpu.memory_space<hbm>>
    %dma_wait3A_144 = arith.constant 0 : i32
    %dma_wait3A_145 = tpu.memref_slice %dma_wait3A_143[%dma_wait3A_144, %multiple_of3A] : memref<32x4096xf32, #tpu.memory_space<hbm>> -> memref<32x128xf32, #tpu.memory_space<hbm>>
    %dma_wait3A_146 = arith.constant 0 : i32
    %dma_wait3A_147 = arith.constant 0 : i32
    %dma_wait3A_148 = tpu.memref_slice %arg4[%dma_wait3A_139, %dma_wait3A_146, %dma_wait3A_147] : memref<50x32x4096xf32, #tpu.memory_space<hbm>> -> memref<1x32x4096xf32, #tpu.memory_space<hbm>>
    %dma_wait3A_149 = tpu.memref_squeeze %dma_wait3A_148 : memref<1x32x4096xf32, #tpu.memory_space<hbm>> -> memref<32x4096xf32, #tpu.memory_space<hbm>>
    %dma_wait3A_150 = arith.constant 0 : i32
    %dma_wait3A_151 = tpu.memref_slice %dma_wait3A_149[%dma_wait3A_150, %multiple_of3A] : memref<32x4096xf32, #tpu.memory_space<hbm>> -> memref<32x128xf32, #tpu.memory_space<hbm>>
    tpu.wait_dma2 semaphore(%arg19 : memref<!tpu.dma_semaphore, #tpu.memory_space<semaphore_mem>>) src(%arg13 : memref<32x128xf32, #tpu.memory_space<vmem>>) dst(%dma_wait3A_151 : memref<32x128xf32, #tpu.memory_space<hbm>>)
    %dma_wait3A_152 = arith.constant 0 : i32
    %dma_wait3A_153 = arith.constant 0 : i32
    %dma_wait3A_154 = arith.constant 0 : i32
    %dma_wait3A_155 = tpu.memref_slice %arg4[%dma_wait3A_152, %dma_wait3A_153, %dma_wait3A_154] : memref<50x32x4096xf32, #tpu.memory_space<hbm>> -> memref<1x32x4096xf32, #tpu.memory_space<hbm>>
    %dma_wait3A_156 = tpu.memref_squeeze %dma_wait3A_155 : memref<1x32x4096xf32, #tpu.memory_space<hbm>> -> memref<32x4096xf32, #tpu.memory_space<hbm>>
    %dma_wait3A_157 = arith.constant 0 : i32
    %dma_wait3A_158 = tpu.memref_slice %dma_wait3A_156[%dma_wait3A_157, %multiple_of3A] : memref<32x4096xf32, #tpu.memory_space<hbm>> -> memref<32x128xf32, #tpu.memory_space<hbm>>
    %dma_wait3A_159 = arith.constant 0 : i32
    %dma_wait3A_160 = arith.constant 0 : i32
    %dma_wait3A_161 = tpu.memref_slice %arg4[%dma_wait3A_152, %dma_wait3A_159, %dma_wait3A_160] : memref<50x32x4096xf32, #tpu.memory_space<hbm>> -> memref<1x32x4096xf32, #tpu.memory_space<hbm>>
    %dma_wait3A_162 = tpu.memref_squeeze %dma_wait3A_161 : memref<1x32x4096xf32, #tpu.memory_space<hbm>> -> memref<32x4096xf32, #tpu.memory_space<hbm>>
    %dma_wait3A_163 = arith.constant 0 : i32
    %dma_wait3A_164 = tpu.memref_slice %dma_wait3A_162[%dma_wait3A_163, %multiple_of3A] : memref<32x4096xf32, #tpu.memory_space<hbm>> -> memref<32x128xf32, #tpu.memory_space<hbm>>
    tpu.wait_dma2 semaphore(%arg20 : memref<!tpu.dma_semaphore, #tpu.memory_space<semaphore_mem>>) src(%arg14 : memref<32x128xf32, #tpu.memory_space<vmem>>) dst(%dma_wait3A_164 : memref<32x128xf32, #tpu.memory_space<hbm>>)
    return
  }
}

</mosaic_0001>

<sc_bundles>
// kernel: kernel.4.cloned.1.call-start
scs
__scs_entry_jumppad:
0x0: {  	(pc) =	sbr.rel $0x88, $3  }
0x1: {  	(tag) =	ssettag $0x0;
	lr =	simm.s32 $0x1  }
0x2: {  	[smem:$0x3F9F] =	sst lr;
	_ =	strace $0xD0000000  }
0x3: {  	_ = 	snop  }
0x4: {  	_ = 	snop  }
0x5: {  	_ = 	snop  }
0x6: {  	_ = 	snop  }
0x7: {  	_ = 	snop  }
__scs_overlays_trampoline_lowered:
0x8: {  	[smem:$0x3FAE] =	sst s0  }
0x9: {  	[smem:$0x3FAF] =	sst s1  }
0xa: {  	[smem:$0x3FB0] =	sst s2  }
0xb: {  	[smem:$0x3FB1] =	sst s3  }
0xc: {  	[smem:$0x3FB2] =	sst s4  }
0xd: {  	[smem:$0x3FB3] =	sst s5  }
0xe: {  	[smem:$0x3FB4] =	sst s6  }
0xf: {  	[smem:$0x3FB5] =	sst s7  }
0x10: {  	[smem:$0x3FB6] =	sst s8  }
0x11: {  	[smem:$0x3FB7] =	sst s9;
	s0 =	simm.s32 @!p0 $0x0  }
0x12: {  	s1 =	sld [smem:$0x3F9D];
	s0 =	simm.s32 @p0 $0x1  }
0x13: {  	[smem:$0x3FB8] =	sst s0;
	s0 =	simm.s32 @!p1 $0x0  }
0x14: {  	s2 =	sld [smem:$0x3F9C];
	s0 =	simm.s32 @p1 $0x1  }
0x15: {  	[smem:$0x3FB9] =	sst s0;
	s0 =	simm.s32 @!p2 $0x0  }
0x16: {  	s3 =	sld [smem:$0x3FDB];
	s0 =	simm.s32 @p2 $0x1  }
0x17: {  	s4 =	simm.s32 $0x1BF5;
	[smem:$0x3FBB] =	sst s0  }
0x18: {  	s0 =	sld [smem:$0x3F9E];
	_ =	swait.ge [sflag:s4], $0x0  }
0x19: {  	s7 =	sld [smem:$0x3F9F]  }
0x1a: {  	s8 =	sadd.s32 $0xFFFFE003, lr  }
0x1b: {  	s9 =	sadd.s32 $0xFFFFFEF7, lr;
	s5 =	simm.s32 $0xFFFFFFFF;
	p2 =	slt.u32 s8, $0xFFFFF086  }
0x1c: {  	p1 =	slt.u32 s9, $0xF7A;
	s5 =	simm.s32 @!p2 $0x0  }
0x1d: {  	s5 =	simm.s32 @p1 $0x1;
	p0 =	seq.s32 s7, s2  }
0x1e: {  	s7 =	smul.u32 @!p0 $0xF7A, s2;
	p2 =	seq.s32 @!p0 s5, $0x0  }
0x1f: {  	s9 =	smul.u32 $0xF7A, s1;
	s8 =	simm.s32 @!p0 $0x1BF5;
	p2 =	por !p2, p0  }
0x20: {  	[sflag:s8] =	ssyncset.s32 @!p0 $0xFFFFF086;
	s6 =	sadd.s32 @!p0 s3, s7;
	s7 =	simm.s32 @!p0 $0x108  }
0x21: {  	s3 =	sadd.s32 s3, s9;
	s6 =	sadd.s32 @!p0 $0x88, s6;
	s7 =	simm.s32 @p2 $0x1082  }
0x22: {  	[simem:s7], [sflag:s8] =	dma.local @!p0 [hbm:s6], $0xF7A  }
0x23: {  	s9 =	sor.u32 $0xD0000000, s2;
	s6 =	simm.s32 $0x108;
	_ =	swait.ge @!p0 [sflag:s8], $0x0  }
0x24: {  	s3 =	sadd.s32 $0x88, s3;
	s6 =	simm.s32 @!p1 $0x1082;
	[sflag:s4] =	ssyncset.s32 $0xFFFFF086  }
0x25: {  	[simem:s6], [sflag:s4] =	dma.local [hbm:s3], $0xF7A  }
0x26: {  	[smem:$0x3F9F] =	sst s1;
	(tag) =	ssettag s2;
	_ =	strace s9  }
0x27: {  	s1 =	sld [smem:$0x3FAF]  }
0x28: {  	s2 =	sld [smem:$0x3FB0]  }
0x29: {  	s4 =	sld [smem:$0x3FB2]  }
0x2a: {  	p0 =	seq.s32 s5, $0x0;
	s5 =	sld [smem:$0x3FB3]  }
0x2b: {  	s6 =	sld [smem:$0x3FB4]  }
0x2c: {  	s7 =	sld [smem:$0x3FB5]  }
0x2d: {  	s3 =	simm.s32 $0x108;
	s8 =	sld [smem:$0x3FB6]  }
0x2e: {  	s3 =	simm.s32 @!p0 $0x1082;
	s9 =	sld [smem:$0x3FB7]  }
0x2f: {  	lr =	sadd.s32 s0, s3;
	s0 =	sld [smem:$0x3FAE]  }
0x30: {  	s3 =	sld [smem:$0x3FB1]  }
0x31: {  	[smem:$0x3FBA] =	sst s10  }
0x32: {  	s10 =	sld [smem:$0x3FB8];
	_ =	sdelay $0x3  }
0x33: {  	p0 =	seq.s32 s10, $0x1;
	s10 =	sld [smem:$0x3FBA];
	_ =	sdelay $0x3  }
0x34: {  	[smem:$0x3FBA] =	sst s10  }
0x35: {  	s10 =	sld [smem:$0x3FB9];
	_ =	sdelay $0x3  }
0x36: {  	p1 =	seq.s32 s10, $0x1;
	s10 =	sld [smem:$0x3FBA];
	_ =	sdelay $0x3  }
0x37: {  	[smem:$0x3FBA] =	sst s10  }
0x38: {  	s10 =	sld [smem:$0x3FBB]  }
0x39: {  	_ = 	snop;
	(pc) =	sbr.ind lr, $3  }
0x3a: {  	_ = 	snop  }
0x3b: {  	_ = 	snop  }
0x3c: {  	p2 =	seq.s32 s10, $0x1;
	s10 =	sld [smem:$0x3FBA]  }
0x3d: {  	_ =	shalt  }
0x3e: {  	_ =	shalt  }
0x3f: {  	_ =	shalt  }
0x40: {  	_ =	shalt  }
0x41: {  	_ =	shalt  }
0x42: {  	_ =	shalt  }
0x43: {  	_ =	shalt  }
0x44: {  	_ =	shalt  }
0x45: {  	_ =	shalt  }
0x46: {  	_ =	shalt  }
0x47: {  	_ =	shalt  }
0x48: {  	_ =	shalt  }
0x49: {  	_ =	shalt  }
0x4a: {  	_ =	shalt  }
0x4b: {  	_ =	shalt  }
0x4c: {  	_ =	shalt  }
0x4d: {  	_ =	shalt  }
0x4e: {  	_ =	shalt  }
0x4f: {  	_ =	shalt  }
0x50: {  	_ =	shalt  }
0x51: {  	_ =	shalt  }
0x52: {  	_ =	shalt  }
0x53: {  	_ =	shalt  }
0x54: {  	_ =	shalt  }
0x55: {  	_ =	shalt  }
0x56: {  	_ =	shalt  }
0x57: {  	_ =	shalt  }
0x58: {  	_ =	shalt  }
0x59: {  	_ =	shalt  }
0x5a: {  	_ =	shalt  }
0x5b: {  	_ =	shalt  }
0x5c: {  	_ =	shalt  }
0x5d: {  	_ =	shalt  }
0x5e: {  	_ =	shalt  }
0x5f: {  	_ =	shalt  }
0x60: {  	_ =	shalt  }
0x61: {  	_ =	shalt  }
0x62: {  	_ =	shalt  }
0x63: {  	_ =	shalt  }
0x64: {  	_ =	shalt  }
0x65: {  	_ =	shalt  }
0x66: {  	_ =	shalt  }
0x67: {  	_ =	shalt  }
0x68: {  	_ =	shalt  }
0x69: {  	_ =	shalt  }
0x6a: {  	_ =	shalt  }
0x6b: {  	_ =	shalt  }
0x6c: {  	_ =	shalt  }
0x6d: {  	_ =	shalt  }
0x6e: {  	_ =	shalt  }
0x6f: {  	_ =	shalt  }
0x70: {  	_ =	shalt  }
0x71: {  	_ =	shalt  }
0x72: {  	_ =	shalt  }
0x73: {  	_ =	shalt  }
0x74: {  	_ =	shalt  }
0x75: {  	_ =	shalt  }
0x76: {  	_ =	shalt  }
0x77: {  	_ =	shalt  }
0x78: {  	_ =	shalt  }
0x79: {  	_ =	shalt  }
0x7a: {  	_ =	shalt  }
0x7b: {  	_ =	shalt  }
0x7c: {  	_ =	shalt  }
0x7d: {  	_ =	shalt  }
0x7e: {  	_ =	shalt  }
0x7f: {  	_ =	shalt  }
0x80: {  	_ =	shalt  }
0x81: {  	_ =	shalt  }
0x82: {  	_ =	shalt  }
0x83: {  	_ =	shalt  }
0x84: {  	_ =	shalt  }
0x85: {  	_ =	shalt  }
0x86: {  	_ =	shalt  }
0x87: {  	_ =	shalt  }
.Lfunc_end0:
.L_simem_size_0:
called_computation_lowered:
.L_overlay_start_0:
0x88: {  	s2 =	sld [smem:$0x3FD9]  }
0x89: {  	s3 =	sld [smem:$0x3FFE];
	_ =	sdelay $0x1  }
0x8a: {  	s1 =	srdreg.scid  }
0x8b: {  	s0 =	sand.u32 $0x1, s1  }
0x8c: {  	s17 =	sshll.u32 s0, $0xA;
	s2 =	sadd.s32 s3, s2  }
0x8d: {  	s2 =	sadd.s32 s2, s17  }
0x8e: {  	[smem:$0x3FC6] =	sst s2  }
0x8f: {  	_ = 	snop  }
0x90: {  	s2 =	sld [smem:$0x3FC8]  }
0x91: {  	s18 =	sld [smem:$0x3FD0];
	(tm) =	ssettm $0x1  }
0x92: {  	s4 =	sld [smem:$0x3FFB];
	_ =	sdelay $0x3  }
0x93: {  	_ =	strace s4  }
0x94: {  	s4 =	sld [smem:$0x3FFC];
	_ =	sdelay $0x3  }
0x95: {  	_ =	strace s4  }
0x96: {  	s4 =	sld [smem:$0x3FFD];
	_ =	sdelay $0x3  }
0x97: {  	_ =	strace s4  }
0x98: {  	_ =	strace $0x8FFFFFFF  }
0x99: {  	s19 =	sld [smem:$0x3FDB];
	_ =	sdelay $0x1  }
0x9a: {  	s5 =	simm.s32 $_scs_section_size  }
0x9b: {  	s6 =	simm.s32 $_size__tile_overlayer_lowered;
	s7 =	simm.s32 $_tile_overlayer_lowered  }
0x9c: {  	s22 =	simm.s32 $0x1BFF;
	s21 =	sshll.u32 s7, $0x1;
	s4 =	sadd.s32 s5, s19  }
0x9d: {  	s8 =	simm.s32 $0x0;
	s20 =	sshll.u32 s6, $0x1;
	s6 =	sadd.s32 s21, s4  }
0x9e: {  	[timem:s8], [sflag:s22] =	dma.local [hbm:s6], s20  }
0x9f: {  	_ =	swait.ge [sflag:s22], s20  }
0xa0: {  	s5 =	ssub.s32 $0x0, s20;
	[sflag:s22] =	ssyncset.done $0x0  }
0xa1: {  	[sflag:s22] =	ssyncadd.s32 s5;
	_ =	sdelay $0x1  }
0xa2: {  	s23 =	simm.s32 $0x1B8B  }
0xa3: {  	_ =	swait.ge [sflag:s23], $0x1  }
0xa4: {  	[sflag:s23] =	ssyncset.done $0x0  }
0xa5: {  	s25 =	simm.s32 $0x1B8E;
	s24 =	sld [smem:$0x3FFE];
	[sflag:s23] =	ssyncadd.s32 $0xFFFFFFFF  }
0xa6: {  	s26 =	simm.s32 $execute0_lowered;
	[smem:$0x3FD2] =	sst s25  }
0xa7: {  	s6 =	sshll.u32 s26, $0x1;
	_ =	strace $0x80000046;
	[dreg:$0x1] =	wrdreg $0xFFFFFFFF  }
0xa8: {  	s28 =	simm.s32 $_size_execute0_lowered;
	s4 =	sadd.s32 s4, s6;
	[dreg:$0x0] =	wrdreg $0x0  }
0xa9: {  	s6 =	sshll.u32 s28, $0x1;
	[dreg:$0x2] =	wrdreg s4  }
0xaa: {  	[dreg:$0x3] =	wrdreg s6  }
0xab: {  	[dreg:$0x4] =	wrdreg $0xC0  }
0xac: {  	_ =	task [dreg:s8], $0x5FFFF  }
0xad: {  	[dreg:$0x1] =	wrdreg $0xFFFFFFFF  }
0xae: {  	[dreg:$0x0] =	wrdreg $0x60  }
0xaf: {  	[dreg:$0x2] =	wrdreg s2  }
0xb0: {  	[dreg:$0x3] =	wrdreg s18  }
0xb1: {  	[dreg:$0x4] =	wrdreg s24  }
0xb2: {  	[dreg:$0x5] =	wrdreg $0x9  }
0xb3: {  	_ =	task.clear_ibuf [dreg:s8], $0x6FFFF;
	_ =	strace $0x90000046  }
0xb4: {  	s29 =	simm.s32 $0x9;
	_ =	strace $0x80000048  }
0xb5: {  	_ =	swait.ge [sflag:s29], $0x1  }
0xb6: {  	[sflag:s29] =	ssyncadd.s32 $0xFFFFFFFF  }
0xb7: {  	_ =	strace $0x90000048  }
0xb8: {  	_ =	sfence  }
0xb9: {  	s30 =	sld [smem:$0x0];
	_ =	sdelay $0x2  }
0xba: {  	s31 =	sshll.u32 s1, $0xD;
	s1 =	sshrl.u32 s1, $0x2  }
0xbb: {  	s3 =	sand.u32 $0x4000, s31;
	s1 =	sadd.s32 s1, s30  }
0xbc: {  	s0 =	sor.u32 s3, s0;
	s1 =	sshll.u32 s1, $0x11  }
0xbd: {  	s0 =	sor.u32 s1, s0  }
0xbe: {  	s0 =	sadd.s32 $0x8F2B, s0  }
0xbf: {  	[sflag:s0] =	ssyncadd.remote.s32 $0x1  }
0xc0: {  	_ =	sfence.sel $0xFFFF  }
0xc1: {  	[dreg:$0x0] =	wrdreg $0xFFFFFFFF;
	(pc) =	sbr.abs _section_cstart, $3  }
0xc2: {  	[dreg:$0x1] =	wrdreg $0xFFFFFFFF  }
0xc3: {  	_ =	task.clear_ibuf [dreg:s8], $0x2FFFF;
	_ =	strace $0x9FFFFFFF  }
0xc4: {  	(tm) =	ssettm $0x7FFFFFFF  }
0xc5: {  	_ =	shalt  }
tec
execute0_lowered:
.L_overlay_start_1:
0x0: {  	(tag) =	ssettag $0x1  }
0x1: {  	s1 =	rddreg [dreg:$0x0]  }
0x2: {  	s2 =	rddreg [dreg:$0x1]  }
0x3: {  	v0 =	vlaneseq.u32;
	s3 =	srdreg.scid;
	s0 =	stileid.u32  }
0x4: {  	s13 =	rddreg [dreg:$0x2];
	s4 =	simm.s32 $0x0;
	s16 =	simm.s32 $0x7A1400;
	v1 =	vmul.u32 $0x80, v0  }
0x5: {  	s14 =	simm.s32 $0x400;
	s17 =	simm.s32 $0x1000;
	s18 =	simm.s32 $0x2000;
	v3 =	vor.u32 $0x200, v0;
	v5 =	vor.u32 $0x400, v0;
	v7 =	vor.u32 $0x600, v0  }
0x6: {  	s19 =	simm.s32 $0x4000;
	s20 =	simm.s32 $0x5000;
	s21 =	simm.s32 $0x6000;
	v9 =	vor.u32 $0x800, v0;
	v11 =	vor.u32 $0xA00, v0;
	v13 =	vor.u32 $0xC00, v0  }
0x7: {  	s22 =	simm.s32 $0x3000;
	s23 =	simm.s32 $0x7000;
	s24 =	simm.s32 $0x0;
	v15 =	vor.u32 $0xE00, v0;
	v17 =	vor.u32 $0x10, v0;
	v19 =	vor.u32 $0x210, v0  }
0x8: {  	s6 =	sand.u32 $0x1, s3;
	s5 =	sshll.u32 s0, $0x1;
	[smem:$0x7FF] =	sst s4;
	v21 =	vor.u32 $0x410, v0;
	v23 =	vor.u32 $0x610, v0;
	v25 =	vor.u32 $0x810, v0  }
0x9: {  	s7 =	sadd.s32 $0x800, s13;
	s13 =	sadd.s32 $0x3D1000, s13;
	v27 =	vor.u32 $0xA10, v0;
	v29 =	vor.u32 $0xC10, v0;
	v31 =	vor.u32 $0xE10, v0;
	p0 =	sgt.u32 s0, $0x1  }
.Ltmp0:
0xa: {  	s5 =	sor.u32 s6, s5;
	s8 =	ssub.s32 $0x2, s6;
	v2 =	vor.u32 $0x10, v1;
	v4 =	vor.u32 $0x20, v1;
	v6 =	vor.u32 $0x30, v1;
	(pc) =	sbr.rel .LBB2_1-.Ltmp0, $4  }
0xb: {  	_ =	strace $0x80000047;
	s31 =	sshll.u32 s5, $0x7;
	s9 =	sshrl.u32 s8, $0x1;
	v8 =	vor.u32 $0x40, v1;
	v10 =	vor.u32 $0x50, v1;
	v12 =	vor.u32 $0x60, v1  }
0xc: {  	s10 =	sor.u32 $0x80, s5;
	s11 =	sor.u32 $0xA0, s5;
	v14 =	vor.u32 $0x70, v1;
	v16 =	vor.u32 $0x800, v1;
	s12 =	sor.u32 $0xC0, s5;
	v18 =	vor.u32 $0x810, v1  }
0xd: {  	v20 =	vor.u32 $0x820, v1;
	v22 =	vor.u32 $0x830, v1;
	v24 =	vor.u32 $0x840, v1;
	p1 =	sne.s32 s5, $0x1F;
	s6 =	sadd.s32 s1, s31;
	s15 =	ssub.s32 s8, s9  }
0xe: {  	v26 =	vor.u32 $0x850, v1;
	v28 =	vor.u32 $0x860, v1;
	v30 =	vor.u32 $0x870, v1;
	s8 =	sadd.s32 $0x1000, s6;
	s9 =	sadd.s32 $0x2000, s6;
	s15 =	smax.u32 s15, $0x1  }
.LBB2_19:
0xf: {  	s0 =	simm.s32 @!p0 $0x5  }
0x10: {  	_ =	swait.ge @!p0 [sflag:s0], $0x1000  }
0x11: {  	s3 =	simm.s32 @!p1 $0x4000;
	[sflag:s0] =	ssyncset.done @!p0 $0x0  }
0x12: {  	s25 =	simm.s32 @!p1 $0x9;
	[sflag:s0] =	ssyncadd.s32 @!p0 $0xFFFFF000;
	s0 =	simm.s32 @!p1 $0x0  }
0x13: {  	[tilespmem:s3], [sflag:$0x9] =	stream.linear.gather @!p1 [hbm4b:s2+s0], $0x800, $0x38;
	[tilespmem:$0x8000] =	vst v63  }
0x14: {  	s24 =	sadd.s32 $0x1, s24;
	_ =	swait.ge @!p1 [sflag:s25], $0x800  }
0x15: {  	p2 =	sne.s32 s24, s15;
	[sflag:s25] =	ssyncset.done @!p1 $0x0  }
.Ltmp1:
0x16: {  	[sflag:s25] =	ssyncadd.s32 @!p1 $0xFFFFF800;
	(pc) =	sbr.rel @!p2 .LBB2_20-.Ltmp1, $4  }
0x17: {  	[hbm4b:s13+s0] =	stream.linear.scatter @!p1 [tilespmem:s3], [sflag:$0x9], $0x800, $0x38;
	[tilespmem:$0x8000] =	vst v63  }
0x18: {  	_ =	swait.ge @!p1 [sflag:s25], $0x800  }
0x19: {  	[sflag:s25] =	ssyncset.done @!p1 $0x0  }
0x1a: {  	[sflag:s25] =	ssyncadd.s32 @!p1 $0xFFFFF800  }
.LBB2_1:
0x1b: {  	[tilespmem:s4], [sflag:$0x1] =	stream.strided.gather [hbm4b:s6+s14], $0x1000, s16, s14, $0x38;
	[tilespmem:$0x8000] =	vst v63  }
.Ltmp2:
0x1c: {  	_ = 	snop;
	(pc) =	sbr.rel .LBB2_2-.Ltmp2, $4  }
0x1d: {  	_ = 	snop  }
0x1e: {  	[tilespmem:s17], [sflag:$0x2] =	stream.strided.gather [hbm4b:s8+s14], $0x1000, s16, s14, $0x38;
	[tilespmem:$0x8000] =	vst v63  }
0x1f: {  	s25 =	simm.s32 $0x0  }
0x20: {  	[tilespmem:s18], [sflag:$0x3] =	stream.strided.gather [hbm4b:s9+s14], $0x1000, s16, s14, $0x38;
	[tilespmem:$0x8000] =	vst v63  }
.LBB2_18:
0x21: {  	s25 =	sadd.s32 $0x1, s25  }
0x22: {  	p2 =	sne.s32 s25, $0x3E  }
.Ltmp3:
0x23: {  	_ = 	snop;
	(pc) =	sbr.rel @!p2 .LBB2_19-.Ltmp3, $1  }
0x24: {  	_ =	sdelay $0x3  }
.LBB2_2:
0x25: {  	s28 =	sshll.u32 s25, $0x7  }
0x26: {  	s29 =	sor.u32 s28, s5  }
0x27: {  	s26 =	sor.u32 $0x60, s29  }
0x28: {  	p2 =	sgt.u32 s26, $0x1E83  }
0x29: {  	p4 =	sgt.u32 s29, $0x1E83;
	s30 =	sshll.u32 @!p2 s26, $0x7;
	s31 =	simm.s32 @!p2 $0x400  }
0x2a: {  	s3 =	simm.s32 @!p2 $0x7A1400;
	s0 =	simm.s32 @!p2 $0x3000;
	s30 =	sadd.s32 @!p2 s1, s30  }
0x2b: {  	[tilespmem:s0], [sflag:$0x4] =	stream.strided.gather @!p2 [hbm4b:s30+s31], $0x1000, s3, s31, $0x38;
	[tilespmem:$0x8000] =	vst v63  }
0x2c: {  	s0 =	simm.s32 @!p4 $0x1  }
0x2d: {  	_ =	swait.ge @!p4 [sflag:s0], $0x1000  }
.Ltmp4:
0x2e: {  	p3 =	seq.s32 s25, $0x0;
	[sflag:s0] =	ssyncset.done @!p4 $0x0;
	(pc) =	sbr.rel @p4 .LBB2_6-.Ltmp4, $4  }
0x2f: {  	[sflag:s0] =	ssyncadd.s32 @!p4 $0xFFFFF000;
	s0 =	simm.s32 @!p3 $0x5  }
0x30: {  	_ =	swait.ge @!p3 [sflag:s0], $0x1000  }
0x31: {  	[sflag:s0] =	ssyncset.done @!p3 $0x0  }
0x32: {  	s30 =	simm.s32 $0x0;
	[sflag:s0] =	ssyncadd.s32 @!p3 $0xFFFFF000  }
0x33: {  	v33 =	vadd.s32 s30, v0  }
0x34: {  	v34 =	vand.u32 $0xF, v33  }
0x35: {  	v35 =	vor.u32 v1, v34;
	_ =	sdelay $0x1  }
0x36: {  	v32 =	vshll.u32 v34, $0x5  }
0x37: {  	v37 =	vshll.u32 v33, $0x5;
	v36 =	vor.u32 v0, v32  }
0x38: {  	v37 =	vand.u32 $0x180, v37;
	v36 =	vand.u32 $0x6F, v36  }
0x39: {  	v36 =	vor.u32 v37, v36;
	v35 =	vld.idx.msk [tilespmem:v35+s4+$0x0], $0xffff  }
0x3a: {  	v38 =	vor.u32 v2, v33;
	_ =	sdelay $0x3  }
0x3b: {  	[tilespmem:v36+s19+$0x0] =	vst.idx.msk $0xffff, v35  }
0x3c: {  	v61 =	vor.u32 v3, v32;
	v35 =	vld.idx.msk [tilespmem:v38+s4+$0x0], $0xffff  }
0x3d: {  	v62 =	vor.u32 v4, v34;
	_ =	sdelay $0x3  }
0x3e: {  	[tilespmem:v61+s19+$0x0] =	vst.idx.msk $0xffff, v35  }
0x3f: {  	v63 =	vor.u32 v5, v32;
	v35 =	vld.idx.msk [tilespmem:v62+s4+$0x0], $0xffff  }
0x40: {  	v40 =	vor.u32 v6, v33;
	_ =	sdelay $0x3  }
0x41: {  	[tilespmem:v63+s19+$0x0] =	vst.idx.msk $0xffff, v35  }
0x42: {  	v41 =	vor.u32 v7, v32;
	v35 =	vld.idx.msk [tilespmem:v40+s4+$0x0], $0xffff  }
0x43: {  	v42 =	vor.u32 v8, v34;
	_ =	sdelay $0x3  }
0x44: {  	[tilespmem:v41+s19+$0x0] =	vst.idx.msk $0xffff, v35  }
0x45: {  	v43 =	vor.u32 v9, v32;
	v35 =	vld.idx.msk [tilespmem:v42+s4+$0x0], $0xffff  }
0x46: {  	v44 =	vor.u32 v10, v33;
	_ =	sdelay $0x3  }
0x47: {  	[tilespmem:v43+s19+$0x0] =	vst.idx.msk $0xffff, v35  }
0x48: {  	v45 =	vor.u32 v11, v32;
	v35 =	vld.idx.msk [tilespmem:v44+s4+$0x0], $0xffff  }
0x49: {  	v46 =	vor.u32 v12, v34;
	_ =	sdelay $0x3  }
0x4a: {  	[tilespmem:v45+s19+$0x0] =	vst.idx.msk $0xffff, v35  }
0x4b: {  	v47 =	vor.u32 v13, v32;
	v35 =	vld.idx.msk [tilespmem:v46+s4+$0x0], $0xffff  }
0x4c: {  	v48 =	vor.u32 v14, v33;
	_ =	sdelay $0x3  }
0x4d: {  	[tilespmem:v47+s19+$0x0] =	vst.idx.msk $0xffff, v35  }
0x4e: {  	v49 =	vor.u32 v15, v32;
	v35 =	vld.idx.msk [tilespmem:v48+s4+$0x0], $0xffff  }
0x4f: {  	v50 =	vor.u32 v16, v34;
	_ =	sdelay $0x2  }
0x50: {  	v39 =	vor.u32 v17, v32  }
0x51: {  	v51 =	vand.u32 $0x7F, v39;
	[tilespmem:v49+s19+$0x0] =	vst.idx.msk $0xffff, v35  }
0x52: {  	v35 =	vor.u32 v37, v51;
	v36 =	vld.idx.msk [tilespmem:v50+s4+$0x0], $0xffff  }
0x53: {  	v52 =	vor.u32 v18, v33;
	_ =	sdelay $0x3  }
0x54: {  	[tilespmem:v35+s19+$0x0] =	vst.idx.msk $0xffff, v36  }
0x55: {  	v53 =	vor.u32 v19, v32;
	v35 =	vld.idx.msk [tilespmem:v52+s4+$0x0], $0xffff  }
0x56: {  	v54 =	vor.u32 v20, v34;
	_ =	sdelay $0x3  }
0x57: {  	[tilespmem:v53+s19+$0x0] =	vst.idx.msk $0xffff, v35  }
0x58: {  	v55 =	vor.u32 v21, v32;
	v35 =	vld.idx.msk [tilespmem:v54+s4+$0x0], $0xffff  }
0x59: {  	v56 =	vor.u32 v22, v33;
	_ =	sdelay $0x3  }
0x5a: {  	[tilespmem:v55+s19+$0x0] =	vst.idx.msk $0xffff, v35  }
0x5b: {  	v57 =	vor.u32 v23, v32;
	v35 =	vld.idx.msk [tilespmem:v56+s4+$0x0], $0xffff  }
0x5c: {  	v58 =	vor.u32 v24, v34;
	_ =	sdelay $0x3  }
0x5d: {  	[tilespmem:v57+s19+$0x0] =	vst.idx.msk $0xffff, v35  }
0x5e: {  	v59 =	vor.u32 v25, v32;
	v35 =	vld.idx.msk [tilespmem:v58+s4+$0x0], $0xffff  }
0x5f: {  	v60 =	vor.u32 v26, v33;
	_ =	sdelay $0x3  }
0x60: {  	[tilespmem:v59+s19+$0x0] =	vst.idx.msk $0xffff, v35  }
0x61: {  	v61 =	vor.u32 v27, v32;
	v35 =	vld.idx.msk [tilespmem:v60+s4+$0x0], $0xffff  }
0x62: {  	v34 =	vor.u32 v28, v34;
	_ =	sdelay $0x3  }
0x63: {  	[tilespmem:v61+s19+$0x0] =	vst.idx.msk $0xffff, v35  }
0x64: {  	v62 =	vor.u32 v29, v32;
	v34 =	vld.idx.msk [tilespmem:v34+s4+$0x0], $0xffff  }
0x65: {  	v63 =	vor.u32 v30, v33;
	_ =	sdelay $0x3  }
0x66: {  	s0 =	sadd.s32 $0x1, s30;
	[tilespmem:v62+s19+$0x0] =	vst.idx.msk $0xffff, v34  }
0x67: {  	s30 =	sadd.s32 $0x1, s0;
	v33 =	vadd.s32 s0, v0;
	v35 =	vld.idx.msk [tilespmem:v63+s4+$0x0], $0xffff  }
.LBB2_4:
0x68: {  	p4 =	sne.s32 s30, $0xF;
	v34 =	vand.u32 $0xF, v33;
	v36 =	vor.u32 v31, v32  }
0x69: {  	v37 =	vor.u32 v1, v34;
	_ =	sdelay $0x2  }
0x6a: {  	v32 =	vshll.u32 v34, $0x5  }
0x6b: {  	v39 =	vshll.u32 v33, $0x5;
	v38 =	vor.u32 v0, v32;
	[tilespmem:v36+s19+$0x0] =	vst.idx.msk $0xffff, v35  }
0x6c: {  	v36 =	vand.u32 $0x6F, v38;
	v35 =	vld.idx.msk [tilespmem:v37+s4+$0x0], $0xffff;
	v37 =	vand.u32 $0x180, v39  }
0x6d: {  	v36 =	vor.u32 v37, v36  }
0x6e: {  	v38 =	vor.u32 v2, v33;
	_ =	sdelay $0x3  }
0x6f: {  	[tilespmem:v36+s19+$0x0] =	vst.idx.msk $0xffff, v35  }
0x70: {  	v35 =	vld.idx.msk [tilespmem:v38+s4+$0x0], $0xffff  }
0x71: {  	v36 =	vor.u32 v3, v32  }
0x72: {  	v38 =	vor.u32 v4, v34;
	_ =	sdelay $0x3  }
0x73: {  	[tilespmem:v36+s19+$0x0] =	vst.idx.msk $0xffff, v35  }
0x74: {  	v35 =	vld.idx.msk [tilespmem:v38+s4+$0x0], $0xffff  }
0x75: {  	v36 =	vor.u32 v5, v32  }
0x76: {  	v38 =	vor.u32 v6, v33;
	_ =	sdelay $0x3  }
0x77: {  	[tilespmem:v36+s19+$0x0] =	vst.idx.msk $0xffff, v35  }
0x78: {  	v35 =	vld.idx.msk [tilespmem:v38+s4+$0x0], $0xffff  }
0x79: {  	v36 =	vor.u32 v7, v32  }
0x7a: {  	v38 =	vor.u32 v8, v34;
	_ =	sdelay $0x3  }
0x7b: {  	[tilespmem:v36+s19+$0x0] =	vst.idx.msk $0xffff, v35  }
0x7c: {  	v35 =	vld.idx.msk [tilespmem:v38+s4+$0x0], $0xffff  }
0x7d: {  	v36 =	vor.u32 v9, v32  }
0x7e: {  	v38 =	vor.u32 v10, v33;
	_ =	sdelay $0x3  }
0x7f: {  	[tilespmem:v36+s19+$0x0] =	vst.idx.msk $0xffff, v35  }
0x80: {  	v35 =	vld.idx.msk [tilespmem:v38+s4+$0x0], $0xffff  }
0x81: {  	v36 =	vor.u32 v11, v32  }
0x82: {  	v38 =	vor.u32 v12, v34;
	_ =	sdelay $0x3  }
0x83: {  	[tilespmem:v36+s19+$0x0] =	vst.idx.msk $0xffff, v35  }
0x84: {  	v35 =	vld.idx.msk [tilespmem:v38+s4+$0x0], $0xffff  }
0x85: {  	v36 =	vor.u32 v13, v32  }
0x86: {  	v38 =	vor.u32 v14, v33;
	_ =	sdelay $0x3  }
0x87: {  	[tilespmem:v36+s19+$0x0] =	vst.idx.msk $0xffff, v35  }
0x88: {  	v35 =	vld.idx.msk [tilespmem:v38+s4+$0x0], $0xffff  }
0x89: {  	v36 =	vor.u32 v15, v32  }
0x8a: {  	v38 =	vor.u32 v16, v34;
	_ =	sdelay $0x3  }
0x8b: {  	[tilespmem:v36+s19+$0x0] =	vst.idx.msk $0xffff, v35;
	v35 =	vor.u32 v17, v32  }
0x8c: {  	v36 =	vld.idx.msk [tilespmem:v38+s4+$0x0], $0xffff;
	v35 =	vand.u32 $0x7F, v35  }
0x8d: {  	v35 =	vor.u32 v37, v35  }
0x8e: {  	v37 =	vor.u32 v18, v33;
	_ =	sdelay $0x3  }
0x8f: {  	[tilespmem:v35+s19+$0x0] =	vst.idx.msk $0xffff, v36  }
0x90: {  	v35 =	vld.idx.msk [tilespmem:v37+s4+$0x0], $0xffff  }
0x91: {  	v36 =	vor.u32 v19, v32  }
0x92: {  	v37 =	vor.u32 v20, v34;
	_ =	sdelay $0x3  }
0x93: {  	[tilespmem:v36+s19+$0x0] =	vst.idx.msk $0xffff, v35  }
0x94: {  	v35 =	vld.idx.msk [tilespmem:v37+s4+$0x0], $0xffff  }
0x95: {  	v36 =	vor.u32 v21, v32  }
0x96: {  	v37 =	vor.u32 v22, v33;
	_ =	sdelay $0x3  }
0x97: {  	[tilespmem:v36+s19+$0x0] =	vst.idx.msk $0xffff, v35  }
0x98: {  	v35 =	vld.idx.msk [tilespmem:v37+s4+$0x0], $0xffff  }
0x99: {  	v36 =	vor.u32 v23, v32  }
0x9a: {  	v37 =	vor.u32 v24, v34;
	_ =	sdelay $0x3  }
0x9b: {  	[tilespmem:v36+s19+$0x0] =	vst.idx.msk $0xffff, v35  }
0x9c: {  	v35 =	vld.idx.msk [tilespmem:v37+s4+$0x0], $0xffff  }
0x9d: {  	v36 =	vor.u32 v25, v32  }
0x9e: {  	v37 =	vor.u32 v26, v33;
	_ =	sdelay $0x3  }
0x9f: {  	[tilespmem:v36+s19+$0x0] =	vst.idx.msk $0xffff, v35  }
0xa0: {  	v35 =	vld.idx.msk [tilespmem:v37+s4+$0x0], $0xffff  }
0xa1: {  	v36 =	vor.u32 v27, v32  }
0xa2: {  	v34 =	vor.u32 v28, v34;
	_ =	sdelay $0x3  }
0xa3: {  	[tilespmem:v36+s19+$0x0] =	vst.idx.msk $0xffff, v35  }
0xa4: {  	v34 =	vld.idx.msk [tilespmem:v34+s4+$0x0], $0xffff  }
0xa5: {  	v35 =	vor.u32 v29, v32  }
0xa6: {  	v36 =	vor.u32 v30, v33  }
.Ltmp5:
0xa7: {  	(pc) =	sbr.rel @p4 .LBB2_4-.Ltmp5, $3  }
0xa8: {  	_ =	sdelay $0x1  }
0xa9: {  	[tilespmem:v35+s19+$0x0] =	vst.idx.msk $0xffff, v34  }
0xaa: {  	v33 =	vadd.s32 s30, v0;
	s30 =	sadd.s32 $0x1, s30;
	v35 =	vld.idx.msk [tilespmem:v36+s4+$0x0], $0xffff  }
0xab: {  	v34 =	vand.u32 $0xF, v33;
	v32 =	vor.u32 v31, v32  }
0xac: {  	v36 =	vor.u32 v1, v34;
	_ =	sdelay $0x1  }
0xad: {  	v37 =	vshll.u32 v34, $0x5  }
0xae: {  	v39 =	vshll.u32 v33, $0x5;
	v38 =	vor.u32 v0, v37  }
0xaf: {  	v57 =	vand.u32 $0x180, v39;
	v56 =	vand.u32 $0x6F, v38;
	[tilespmem:v32+s19+$0x0] =	vst.idx.msk $0xffff, v35  }
0xb0: {  	v32 =	vor.u32 v57, v56;
	v36 =	vld.idx.msk [tilespmem:v36+s4+$0x0], $0xffff  }
0xb1: {  	v58 =	vor.u32 v2, v33;
	_ =	sdelay $0x3  }
0xb2: {  	[tilespmem:v32+s19+$0x0] =	vst.idx.msk $0xffff, v36  }
0xb3: {  	v59 =	vor.u32 v3, v37;
	v32 =	vld.idx.msk [tilespmem:v58+s4+$0x0], $0xffff  }
0xb4: {  	v60 =	vor.u32 v4, v34;
	_ =	sdelay $0x3  }
0xb5: {  	[tilespmem:v59+s19+$0x0] =	vst.idx.msk $0xffff, v32  }
0xb6: {  	v61 =	vor.u32 v5, v37;
	v32 =	vld.idx.msk [tilespmem:v60+s4+$0x0], $0xffff  }
0xb7: {  	v62 =	vor.u32 v6, v33;
	_ =	sdelay $0x3  }
0xb8: {  	[tilespmem:v61+s19+$0x0] =	vst.idx.msk $0xffff, v32  }
0xb9: {  	v63 =	vor.u32 v7, v37;
	v32 =	vld.idx.msk [tilespmem:v62+s4+$0x0], $0xffff  }
0xba: {  	v40 =	vor.u32 v8, v34;
	_ =	sdelay $0x3  }
0xbb: {  	[tilespmem:v63+s19+$0x0] =	vst.idx.msk $0xffff, v32  }
0xbc: {  	v41 =	vor.u32 v9, v37;
	v32 =	vld.idx.msk [tilespmem:v40+s4+$0x0], $0xffff  }
0xbd: {  	v42 =	vor.u32 v10, v33;
	_ =	sdelay $0x3  }
0xbe: {  	[tilespmem:v41+s19+$0x0] =	vst.idx.msk $0xffff, v32  }
0xbf: {  	v43 =	vor.u32 v11, v37;
	v32 =	vld.idx.msk [tilespmem:v42+s4+$0x0], $0xffff  }
0xc0: {  	v44 =	vor.u32 v12, v34;
	_ =	sdelay $0x3  }
0xc1: {  	[tilespmem:v43+s19+$0x0] =	vst.idx.msk $0xffff, v32  }
0xc2: {  	v45 =	vor.u32 v13, v37;
	v32 =	vld.idx.msk [tilespmem:v44+s4+$0x0], $0xffff  }
0xc3: {  	v46 =	vor.u32 v14, v33;
	_ =	sdelay $0x3  }
0xc4: {  	[tilespmem:v45+s19+$0x0] =	vst.idx.msk $0xffff, v32  }
0xc5: {  	v47 =	vor.u32 v15, v37;
	v32 =	vld.idx.msk [tilespmem:v46+s4+$0x0], $0xffff  }
0xc6: {  	v48 =	vor.u32 v16, v34;
	_ =	sdelay $0x2  }
0xc7: {  	v49 =	vor.u32 v17, v37  }
0xc8: {  	v50 =	vand.u32 $0x7F, v49;
	[tilespmem:v47+s19+$0x0] =	vst.idx.msk $0xffff, v32  }
0xc9: {  	v32 =	vor.u32 v57, v50;
	v36 =	vld.idx.msk [tilespmem:v48+s4+$0x0], $0xffff  }
0xca: {  	v51 =	vor.u32 v18, v33;
	_ =	sdelay $0x3  }
0xcb: {  	[tilespmem:v32+s19+$0x0] =	vst.idx.msk $0xffff, v36  }
0xcc: {  	v52 =	vor.u32 v19, v37;
	v32 =	vld.idx.msk [tilespmem:v51+s4+$0x0], $0xffff  }
0xcd: {  	v53 =	vor.u32 v20, v34;
	_ =	sdelay $0x3  }
0xce: {  	[tilespmem:v52+s19+$0x0] =	vst.idx.msk $0xffff, v32  }
0xcf: {  	v54 =	vor.u32 v21, v37;
	v32 =	vld.idx.msk [tilespmem:v53+s4+$0x0], $0xffff  }
0xd0: {  	v55 =	vor.u32 v22, v33;
	_ =	sdelay $0x3  }
0xd1: {  	[tilespmem:v54+s19+$0x0] =	vst.idx.msk $0xffff, v32  }
0xd2: {  	v56 =	vor.u32 v23, v37;
	v32 =	vld.idx.msk [tilespmem:v55+s4+$0x0], $0xffff  }
0xd3: {  	v57 =	vor.u32 v24, v34;
	_ =	sdelay $0x3  }
0xd4: {  	[tilespmem:v56+s19+$0x0] =	vst.idx.msk $0xffff, v32  }
0xd5: {  	v58 =	vor.u32 v25, v37;
	v32 =	vld.idx.msk [tilespmem:v57+s4+$0x0], $0xffff  }
0xd6: {  	v59 =	vor.u32 v26, v33;
	_ =	sdelay $0x3  }
0xd7: {  	[tilespmem:v58+s19+$0x0] =	vst.idx.msk $0xffff, v32  }
0xd8: {  	v60 =	vor.u32 v27, v37;
	v32 =	vld.idx.msk [tilespmem:v59+s4+$0x0], $0xffff  }
0xd9: {  	v34 =	vor.u32 v28, v34;
	_ =	sdelay $0x3  }
0xda: {  	[tilespmem:v60+s19+$0x0] =	vst.idx.msk $0xffff, v32  }
0xdb: {  	v61 =	vor.u32 v29, v37;
	v32 =	vld.idx.msk [tilespmem:v34+s4+$0x0], $0xffff  }
0xdc: {  	v62 =	vor.u32 v30, v33;
	_ =	sdelay $0x3  }
0xdd: {  	[tilespmem:v61+s19+$0x0] =	vst.idx.msk $0xffff, v32  }
0xde: {  	v63 =	vor.u32 v31, v37;
	v32 =	vld.idx.msk [tilespmem:v62+s4+$0x0], $0xffff;
	_ =	sdelay $0x3  }
0xdf: {  	s0 =	sshll.u32 s29, $0x9  }
0xe0: {  	s0 =	sadd.s32 s7, s0;
	[tilespmem:v63+s19+$0x0] =	vst.idx.msk $0xffff, v32  }
0xe1: {  	[hbm4b:s0+s4] =	stream.linear.scatter [tilespmem:s19], [sflag:$0x5], $0x1000, $0x38;
	[tilespmem:$0x8000] =	vst v63  }
.LBB2_6:
0xe2: {  	s0 =	sadd.s32 s10, s28  }
0xe3: {  	p4 =	sgt.u32 s0, $0x1E83  }
0xe4: {  	s0 =	sshll.u32 @!p4 s0, $0x7;
	s3 =	simm.s32 @!p4 $0x400  }
0xe5: {  	s30 =	simm.s32 @!p4 $0x7A1400;
	s31 =	simm.s32 @!p4 $0x0;
	s0 =	sadd.s32 @!p4 s1, s0  }
0xe6: {  	[tilespmem:s31], [sflag:$0x1] =	stream.strided.gather @!p4 [hbm4b:s0+s3], $0x1000, s30, s3, $0x38;
	[tilespmem:$0x8000] =	vst v63  }
0xe7: {  	s30 =	sor.u32 $0x20, s29  }
0xe8: {  	p4 =	sgt.u32 s30, $0x1E83  }
0xe9: {  	s0 =	simm.s32 @!p4 $0x2  }
0xea: {  	_ =	swait.ge @!p4 [sflag:s0], $0x1000  }
.Ltmp6:
0xeb: {  	[sflag:s0] =	ssyncset.done @!p4 $0x0;
	(pc) =	sbr.rel @p4 .LBB2_10-.Ltmp6, $4  }
0xec: {  	[sflag:s0] =	ssyncadd.s32 @!p4 $0xFFFFF000;
	s0 =	simm.s32 @!p3 $0x6  }
0xed: {  	_ =	swait.ge @!p3 [sflag:s0], $0x1000  }
0xee: {  	[sflag:s0] =	ssyncset.done @!p3 $0x0  }
0xef: {  	s31 =	simm.s32 $0x0;
	[sflag:s0] =	ssyncadd.s32 @!p3 $0xFFFFF000  }
0xf0: {  	v33 =	vadd.s32 s31, v0  }
0xf1: {  	v34 =	vand.u32 $0xF, v33  }
0xf2: {  	v35 =	vor.u32 v1, v34;
	_ =	sdelay $0x1  }
0xf3: {  	v32 =	vshll.u32 v34, $0x5  }
0xf4: {  	v37 =	vshll.u32 v33, $0x5;
	v36 =	vor.u32 v0, v32  }
0xf5: {  	v37 =	vand.u32 $0x180, v37;
	v36 =	vand.u32 $0x6F, v36  }
0xf6: {  	v36 =	vor.u32 v37, v36;
	v35 =	vld.idx.msk [tilespmem:v35+s17+$0x0], $0xffff  }
0xf7: {  	v38 =	vor.u32 v2, v33;
	_ =	sdelay $0x3  }
0xf8: {  	[tilespmem:v36+s20+$0x0] =	vst.idx.msk $0xffff, v35  }
0xf9: {  	v61 =	vor.u32 v3, v32;
	v35 =	vld.idx.msk [tilespmem:v38+s17+$0x0], $0xffff  }
0xfa: {  	v62 =	vor.u32 v4, v34;
	_ =	sdelay $0x3  }
0xfb: {  	[tilespmem:v61+s20+$0x0] =	vst.idx.msk $0xffff, v35  }
0xfc: {  	v63 =	vor.u32 v5, v32;
	v35 =	vld.idx.msk [tilespmem:v62+s17+$0x0], $0xffff  }
0xfd: {  	v40 =	vor.u32 v6, v33;
	_ =	sdelay $0x3  }
0xfe: {  	[tilespmem:v63+s20+$0x0] =	vst.idx.msk $0xffff, v35  }
0xff: {  	v41 =	vor.u32 v7, v32;
	v35 =	vld.idx.msk [tilespmem:v40+s17+$0x0], $0xffff  }
0x100: {  	v42 =	vor.u32 v8, v34;
	_ =	sdelay $0x3  }
0x101: {  	[tilespmem:v41+s20+$0x0] =	vst.idx.msk $0xffff, v35  }
0x102: {  	v43 =	vor.u32 v9, v32;
	v35 =	vld.idx.msk [tilespmem:v42+s17+$0x0], $0xffff  }
0x103: {  	v44 =	vor.u32 v10, v33;
	_ =	sdelay $0x3  }
0x104: {  	[tilespmem:v43+s20+$0x0] =	vst.idx.msk $0xffff, v35  }
0x105: {  	v45 =	vor.u32 v11, v32;
	v35 =	vld.idx.msk [tilespmem:v44+s17+$0x0], $0xffff  }
0x106: {  	v46 =	vor.u32 v12, v34;
	_ =	sdelay $0x3  }
0x107: {  	[tilespmem:v45+s20+$0x0] =	vst.idx.msk $0xffff, v35  }
0x108: {  	v47 =	vor.u32 v13, v32;
	v35 =	vld.idx.msk [tilespmem:v46+s17+$0x0], $0xffff  }
0x109: {  	v48 =	vor.u32 v14, v33;
	_ =	sdelay $0x3  }
0x10a: {  	[tilespmem:v47+s20+$0x0] =	vst.idx.msk $0xffff, v35  }
0x10b: {  	v49 =	vor.u32 v15, v32;
	v35 =	vld.idx.msk [tilespmem:v48+s17+$0x0], $0xffff  }
0x10c: {  	v50 =	vor.u32 v16, v34;
	_ =	sdelay $0x2  }
0x10d: {  	v39 =	vor.u32 v17, v32  }
0x10e: {  	v51 =	vand.u32 $0x7F, v39;
	[tilespmem:v49+s20+$0x0] =	vst.idx.msk $0xffff, v35  }
0x10f: {  	v35 =	vor.u32 v37, v51;
	v36 =	vld.idx.msk [tilespmem:v50+s17+$0x0], $0xffff  }
0x110: {  	v52 =	vor.u32 v18, v33;
	_ =	sdelay $0x3  }
0x111: {  	[tilespmem:v35+s20+$0x0] =	vst.idx.msk $0xffff, v36  }
0x112: {  	v53 =	vor.u32 v19, v32;
	v35 =	vld.idx.msk [tilespmem:v52+s17+$0x0], $0xffff  }
0x113: {  	v54 =	vor.u32 v20, v34;
	_ =	sdelay $0x3  }
0x114: {  	[tilespmem:v53+s20+$0x0] =	vst.idx.msk $0xffff, v35  }
0x115: {  	v55 =	vor.u32 v21, v32;
	v35 =	vld.idx.msk [tilespmem:v54+s17+$0x0], $0xffff  }
0x116: {  	v56 =	vor.u32 v22, v33;
	_ =	sdelay $0x3  }
0x117: {  	[tilespmem:v55+s20+$0x0] =	vst.idx.msk $0xffff, v35  }
0x118: {  	v57 =	vor.u32 v23, v32;
	v35 =	vld.idx.msk [tilespmem:v56+s17+$0x0], $0xffff  }
0x119: {  	v58 =	vor.u32 v24, v34;
	_ =	sdelay $0x3  }
0x11a: {  	[tilespmem:v57+s20+$0x0] =	vst.idx.msk $0xffff, v35  }
0x11b: {  	v59 =	vor.u32 v25, v32;
	v35 =	vld.idx.msk [tilespmem:v58+s17+$0x0], $0xffff  }
0x11c: {  	v60 =	vor.u32 v26, v33;
	_ =	sdelay $0x3  }
0x11d: {  	[tilespmem:v59+s20+$0x0] =	vst.idx.msk $0xffff, v35  }
0x11e: {  	v61 =	vor.u32 v27, v32;
	v35 =	vld.idx.msk [tilespmem:v60+s17+$0x0], $0xffff  }
0x11f: {  	v34 =	vor.u32 v28, v34;
	_ =	sdelay $0x3  }
0x120: {  	[tilespmem:v61+s20+$0x0] =	vst.idx.msk $0xffff, v35  }
0x121: {  	v62 =	vor.u32 v29, v32;
	v34 =	vld.idx.msk [tilespmem:v34+s17+$0x0], $0xffff  }
0x122: {  	v63 =	vor.u32 v30, v33;
	_ =	sdelay $0x3  }
0x123: {  	s0 =	sadd.s32 $0x1, s31;
	[tilespmem:v62+s20+$0x0] =	vst.idx.msk $0xffff, v34  }
0x124: {  	s31 =	sadd.s32 $0x1, s0;
	v33 =	vadd.s32 s0, v0;
	v35 =	vld.idx.msk [tilespmem:v63+s17+$0x0], $0xffff  }
.LBB2_8:
0x125: {  	p4 =	sne.s32 s31, $0xF;
	v34 =	vand.u32 $0xF, v33;
	v36 =	vor.u32 v31, v32  }
0x126: {  	v37 =	vor.u32 v1, v34;
	_ =	sdelay $0x2  }
0x127: {  	v32 =	vshll.u32 v34, $0x5  }
0x128: {  	v39 =	vshll.u32 v33, $0x5;
	v38 =	vor.u32 v0, v32;
	[tilespmem:v36+s20+$0x0] =	vst.idx.msk $0xffff, v35  }
0x129: {  	v36 =	vand.u32 $0x6F, v38;
	v35 =	vld.idx.msk [tilespmem:v37+s17+$0x0], $0xffff;
	v37 =	vand.u32 $0x180, v39  }
0x12a: {  	v36 =	vor.u32 v37, v36  }
0x12b: {  	v38 =	vor.u32 v2, v33;
	_ =	sdelay $0x3  }
0x12c: {  	[tilespmem:v36+s20+$0x0] =	vst.idx.msk $0xffff, v35  }
0x12d: {  	v35 =	vld.idx.msk [tilespmem:v38+s17+$0x0], $0xffff  }
0x12e: {  	v36 =	vor.u32 v3, v32  }
0x12f: {  	v38 =	vor.u32 v4, v34;
	_ =	sdelay $0x3  }
0x130: {  	[tilespmem:v36+s20+$0x0] =	vst.idx.msk $0xffff, v35  }
0x131: {  	v35 =	vld.idx.msk [tilespmem:v38+s17+$0x0], $0xffff  }
0x132: {  	v36 =	vor.u32 v5, v32  }
0x133: {  	v38 =	vor.u32 v6, v33;
	_ =	sdelay $0x3  }
0x134: {  	[tilespmem:v36+s20+$0x0] =	vst.idx.msk $0xffff, v35  }
0x135: {  	v35 =	vld.idx.msk [tilespmem:v38+s17+$0x0], $0xffff  }
0x136: {  	v36 =	vor.u32 v7, v32  }
0x137: {  	v38 =	vor.u32 v8, v34;
	_ =	sdelay $0x3  }
0x138: {  	[tilespmem:v36+s20+$0x0] =	vst.idx.msk $0xffff, v35  }
0x139: {  	v35 =	vld.idx.msk [tilespmem:v38+s17+$0x0], $0xffff  }
0x13a: {  	v36 =	vor.u32 v9, v32  }
0x13b: {  	v38 =	vor.u32 v10, v33;
	_ =	sdelay $0x3  }
0x13c: {  	[tilespmem:v36+s20+$0x0] =	vst.idx.msk $0xffff, v35  }
0x13d: {  	v35 =	vld.idx.msk [tilespmem:v38+s17+$0x0], $0xffff  }
0x13e: {  	v36 =	vor.u32 v11, v32  }
0x13f: {  	v38 =	vor.u32 v12, v34;
	_ =	sdelay $0x3  }
0x140: {  	[tilespmem:v36+s20+$0x0] =	vst.idx.msk $0xffff, v35  }
0x141: {  	v35 =	vld.idx.msk [tilespmem:v38+s17+$0x0], $0xffff  }
0x142: {  	v36 =	vor.u32 v13, v32  }
0x143: {  	v38 =	vor.u32 v14, v33;
	_ =	sdelay $0x3  }
0x144: {  	[tilespmem:v36+s20+$0x0] =	vst.idx.msk $0xffff, v35  }
0x145: {  	v35 =	vld.idx.msk [tilespmem:v38+s17+$0x0], $0xffff  }
0x146: {  	v36 =	vor.u32 v15, v32  }
0x147: {  	v38 =	vor.u32 v16, v34;
	_ =	sdelay $0x3  }
0x148: {  	[tilespmem:v36+s20+$0x0] =	vst.idx.msk $0xffff, v35;
	v35 =	vor.u32 v17, v32  }
0x149: {  	v36 =	vld.idx.msk [tilespmem:v38+s17+$0x0], $0xffff;
	v35 =	vand.u32 $0x7F, v35  }
0x14a: {  	v35 =	vor.u32 v37, v35  }
0x14b: {  	v37 =	vor.u32 v18, v33;
	_ =	sdelay $0x3  }
0x14c: {  	[tilespmem:v35+s20+$0x0] =	vst.idx.msk $0xffff, v36  }
0x14d: {  	v35 =	vld.idx.msk [tilespmem:v37+s17+$0x0], $0xffff  }
0x14e: {  	v36 =	vor.u32 v19, v32  }
0x14f: {  	v37 =	vor.u32 v20, v34;
	_ =	sdelay $0x3  }
0x150: {  	[tilespmem:v36+s20+$0x0] =	vst.idx.msk $0xffff, v35  }
0x151: {  	v35 =	vld.idx.msk [tilespmem:v37+s17+$0x0], $0xffff  }
0x152: {  	v36 =	vor.u32 v21, v32  }
0x153: {  	v37 =	vor.u32 v22, v33;
	_ =	sdelay $0x3  }
0x154: {  	[tilespmem:v36+s20+$0x0] =	vst.idx.msk $0xffff, v35  }
0x155: {  	v35 =	vld.idx.msk [tilespmem:v37+s17+$0x0], $0xffff  }
0x156: {  	v36 =	vor.u32 v23, v32  }
0x157: {  	v37 =	vor.u32 v24, v34;
	_ =	sdelay $0x3  }
0x158: {  	[tilespmem:v36+s20+$0x0] =	vst.idx.msk $0xffff, v35  }
0x159: {  	v35 =	vld.idx.msk [tilespmem:v37+s17+$0x0], $0xffff  }
0x15a: {  	v36 =	vor.u32 v25, v32  }
0x15b: {  	v37 =	vor.u32 v26, v33;
	_ =	sdelay $0x3  }
0x15c: {  	[tilespmem:v36+s20+$0x0] =	vst.idx.msk $0xffff, v35  }
0x15d: {  	v35 =	vld.idx.msk [tilespmem:v37+s17+$0x0], $0xffff  }
0x15e: {  	v36 =	vor.u32 v27, v32  }
0x15f: {  	v34 =	vor.u32 v28, v34;
	_ =	sdelay $0x3  }
0x160: {  	[tilespmem:v36+s20+$0x0] =	vst.idx.msk $0xffff, v35  }
0x161: {  	v34 =	vld.idx.msk [tilespmem:v34+s17+$0x0], $0xffff  }
0x162: {  	v35 =	vor.u32 v29, v32  }
0x163: {  	v36 =	vor.u32 v30, v33  }
.Ltmp7:
0x164: {  	(pc) =	sbr.rel @p4 .LBB2_8-.Ltmp7, $3  }
0x165: {  	_ =	sdelay $0x1  }
0x166: {  	[tilespmem:v35+s20+$0x0] =	vst.idx.msk $0xffff, v34  }
0x167: {  	v33 =	vadd.s32 s31, v0;
	s31 =	sadd.s32 $0x1, s31;
	v35 =	vld.idx.msk [tilespmem:v36+s17+$0x0], $0xffff  }
0x168: {  	v34 =	vand.u32 $0xF, v33;
	v32 =	vor.u32 v31, v32  }
0x169: {  	v36 =	vor.u32 v1, v34;
	_ =	sdelay $0x1  }
0x16a: {  	v37 =	vshll.u32 v34, $0x5  }
0x16b: {  	v39 =	vshll.u32 v33, $0x5;
	v38 =	vor.u32 v0, v37  }
0x16c: {  	v57 =	vand.u32 $0x180, v39;
	v56 =	vand.u32 $0x6F, v38;
	[tilespmem:v32+s20+$0x0] =	vst.idx.msk $0xffff, v35  }
0x16d: {  	v32 =	vor.u32 v57, v56;
	v36 =	vld.idx.msk [tilespmem:v36+s17+$0x0], $0xffff  }
0x16e: {  	v58 =	vor.u32 v2, v33;
	_ =	sdelay $0x3  }
0x16f: {  	[tilespmem:v32+s20+$0x0] =	vst.idx.msk $0xffff, v36  }
0x170: {  	v59 =	vor.u32 v3, v37;
	v32 =	vld.idx.msk [tilespmem:v58+s17+$0x0], $0xffff  }
0x171: {  	v60 =	vor.u32 v4, v34;
	_ =	sdelay $0x3  }
0x172: {  	[tilespmem:v59+s20+$0x0] =	vst.idx.msk $0xffff, v32  }
0x173: {  	v61 =	vor.u32 v5, v37;
	v32 =	vld.idx.msk [tilespmem:v60+s17+$0x0], $0xffff  }
0x174: {  	v62 =	vor.u32 v6, v33;
	_ =	sdelay $0x3  }
0x175: {  	[tilespmem:v61+s20+$0x0] =	vst.idx.msk $0xffff, v32  }
0x176: {  	v63 =	vor.u32 v7, v37;
	v32 =	vld.idx.msk [tilespmem:v62+s17+$0x0], $0xffff  }
0x177: {  	v40 =	vor.u32 v8, v34;
	_ =	sdelay $0x3  }
0x178: {  	[tilespmem:v63+s20+$0x0] =	vst.idx.msk $0xffff, v32  }
0x179: {  	v41 =	vor.u32 v9, v37;
	v32 =	vld.idx.msk [tilespmem:v40+s17+$0x0], $0xffff  }
0x17a: {  	v42 =	vor.u32 v10, v33;
	_ =	sdelay $0x3  }
0x17b: {  	[tilespmem:v41+s20+$0x0] =	vst.idx.msk $0xffff, v32  }
0x17c: {  	v43 =	vor.u32 v11, v37;
	v32 =	vld.idx.msk [tilespmem:v42+s17+$0x0], $0xffff  }
0x17d: {  	v44 =	vor.u32 v12, v34;
	_ =	sdelay $0x3  }
0x17e: {  	[tilespmem:v43+s20+$0x0] =	vst.idx.msk $0xffff, v32  }
0x17f: {  	v45 =	vor.u32 v13, v37;
	v32 =	vld.idx.msk [tilespmem:v44+s17+$0x0], $0xffff  }
0x180: {  	v46 =	vor.u32 v14, v33;
	_ =	sdelay $0x3  }
0x181: {  	[tilespmem:v45+s20+$0x0] =	vst.idx.msk $0xffff, v32  }
0x182: {  	v47 =	vor.u32 v15, v37;
	v32 =	vld.idx.msk [tilespmem:v46+s17+$0x0], $0xffff  }
0x183: {  	v48 =	vor.u32 v16, v34;
	_ =	sdelay $0x2  }
0x184: {  	v49 =	vor.u32 v17, v37  }
0x185: {  	v50 =	vand.u32 $0x7F, v49;
	[tilespmem:v47+s20+$0x0] =	vst.idx.msk $0xffff, v32  }
0x186: {  	v32 =	vor.u32 v57, v50;
	v36 =	vld.idx.msk [tilespmem:v48+s17+$0x0], $0xffff  }
0x187: {  	v51 =	vor.u32 v18, v33;
	_ =	sdelay $0x3  }
0x188: {  	[tilespmem:v32+s20+$0x0] =	vst.idx.msk $0xffff, v36  }
0x189: {  	v52 =	vor.u32 v19, v37;
	v32 =	vld.idx.msk [tilespmem:v51+s17+$0x0], $0xffff  }
0x18a: {  	v53 =	vor.u32 v20, v34;
	_ =	sdelay $0x3  }
0x18b: {  	[tilespmem:v52+s20+$0x0] =	vst.idx.msk $0xffff, v32  }
0x18c: {  	v54 =	vor.u32 v21, v37;
	v32 =	vld.idx.msk [tilespmem:v53+s17+$0x0], $0xffff  }
0x18d: {  	v55 =	vor.u32 v22, v33;
	_ =	sdelay $0x3  }
0x18e: {  	[tilespmem:v54+s20+$0x0] =	vst.idx.msk $0xffff, v32  }
0x18f: {  	v56 =	vor.u32 v23, v37;
	v32 =	vld.idx.msk [tilespmem:v55+s17+$0x0], $0xffff  }
0x190: {  	v57 =	vor.u32 v24, v34;
	_ =	sdelay $0x3  }
0x191: {  	[tilespmem:v56+s20+$0x0] =	vst.idx.msk $0xffff, v32  }
0x192: {  	v58 =	vor.u32 v25, v37;
	v32 =	vld.idx.msk [tilespmem:v57+s17+$0x0], $0xffff  }
0x193: {  	v59 =	vor.u32 v26, v33;
	_ =	sdelay $0x3  }
0x194: {  	[tilespmem:v58+s20+$0x0] =	vst.idx.msk $0xffff, v32  }
0x195: {  	v60 =	vor.u32 v27, v37;
	v32 =	vld.idx.msk [tilespmem:v59+s17+$0x0], $0xffff  }
0x196: {  	v34 =	vor.u32 v28, v34;
	_ =	sdelay $0x3  }
0x197: {  	[tilespmem:v60+s20+$0x0] =	vst.idx.msk $0xffff, v32  }
0x198: {  	v61 =	vor.u32 v29, v37;
	v32 =	vld.idx.msk [tilespmem:v34+s17+$0x0], $0xffff  }
0x199: {  	v62 =	vor.u32 v30, v33;
	_ =	sdelay $0x3  }
0x19a: {  	[tilespmem:v61+s20+$0x0] =	vst.idx.msk $0xffff, v32  }
0x19b: {  	v63 =	vor.u32 v31, v37;
	v32 =	vld.idx.msk [tilespmem:v62+s17+$0x0], $0xffff;
	_ =	sdelay $0x3  }
0x19c: {  	s0 =	sshll.u32 s30, $0x9  }
0x19d: {  	s0 =	sadd.s32 s7, s0;
	[tilespmem:v63+s20+$0x0] =	vst.idx.msk $0xffff, v32  }
0x19e: {  	[hbm4b:s0+s4] =	stream.linear.scatter [tilespmem:s20], [sflag:$0x6], $0x1000, $0x38;
	[tilespmem:$0x8000] =	vst v63  }
.LBB2_10:
0x19f: {  	s0 =	sadd.s32 s11, s28  }
0x1a0: {  	p4 =	sgt.u32 s0, $0x1E83  }
0x1a1: {  	s29 =	sor.u32 $0x40, s29;
	s0 =	sshll.u32 @!p4 s0, $0x7;
	s3 =	simm.s32 @!p4 $0x400  }
0x1a2: {  	s30 =	simm.s32 @!p4 $0x7A1400;
	s31 =	simm.s32 @!p4 $0x1000;
	s0 =	sadd.s32 @!p4 s1, s0  }
0x1a3: {  	[tilespmem:s31], [sflag:$0x2] =	stream.strided.gather @!p4 [hbm4b:s0+s3], $0x1000, s30, s3, $0x38;
	[tilespmem:$0x8000] =	vst v63  }
0x1a4: {  	p4 =	sgt.u32 s29, $0x1E83  }
0x1a5: {  	s0 =	simm.s32 @!p4 $0x3  }
0x1a6: {  	_ =	swait.ge @!p4 [sflag:s0], $0x1000  }
.Ltmp8:
0x1a7: {  	[sflag:s0] =	ssyncset.done @!p4 $0x0;
	(pc) =	sbr.rel @p4 .LBB2_14-.Ltmp8, $4  }
0x1a8: {  	[sflag:s0] =	ssyncadd.s32 @!p4 $0xFFFFF000;
	s0 =	simm.s32 @!p3 $0x7  }
0x1a9: {  	_ =	swait.ge @!p3 [sflag:s0], $0x1000  }
0x1aa: {  	[sflag:s0] =	ssyncset.done @!p3 $0x0  }
0x1ab: {  	s30 =	simm.s32 $0x0;
	[sflag:s0] =	ssyncadd.s32 @!p3 $0xFFFFF000  }
0x1ac: {  	v33 =	vadd.s32 s30, v0  }
0x1ad: {  	v34 =	vand.u32 $0xF, v33  }
0x1ae: {  	v35 =	vor.u32 v1, v34;
	_ =	sdelay $0x1  }
0x1af: {  	v32 =	vshll.u32 v34, $0x5  }
0x1b0: {  	v37 =	vshll.u32 v33, $0x5;
	v36 =	vor.u32 v0, v32  }
0x1b1: {  	v37 =	vand.u32 $0x180, v37;
	v36 =	vand.u32 $0x6F, v36  }
0x1b2: {  	v36 =	vor.u32 v37, v36;
	v35 =	vld.idx.msk [tilespmem:v35+s18+$0x0], $0xffff  }
0x1b3: {  	v38 =	vor.u32 v2, v33;
	_ =	sdelay $0x3  }
0x1b4: {  	[tilespmem:v36+s21+$0x0] =	vst.idx.msk $0xffff, v35  }
0x1b5: {  	v61 =	vor.u32 v3, v32;
	v35 =	vld.idx.msk [tilespmem:v38+s18+$0x0], $0xffff  }
0x1b6: {  	v62 =	vor.u32 v4, v34;
	_ =	sdelay $0x3  }
0x1b7: {  	[tilespmem:v61+s21+$0x0] =	vst.idx.msk $0xffff, v35  }
0x1b8: {  	v63 =	vor.u32 v5, v32;
	v35 =	vld.idx.msk [tilespmem:v62+s18+$0x0], $0xffff  }
0x1b9: {  	v40 =	vor.u32 v6, v33;
	_ =	sdelay $0x3  }
0x1ba: {  	[tilespmem:v63+s21+$0x0] =	vst.idx.msk $0xffff, v35  }
0x1bb: {  	v41 =	vor.u32 v7, v32;
	v35 =	vld.idx.msk [tilespmem:v40+s18+$0x0], $0xffff  }
0x1bc: {  	v42 =	vor.u32 v8, v34;
	_ =	sdelay $0x3  }
0x1bd: {  	[tilespmem:v41+s21+$0x0] =	vst.idx.msk $0xffff, v35  }
0x1be: {  	v43 =	vor.u32 v9, v32;
	v35 =	vld.idx.msk [tilespmem:v42+s18+$0x0], $0xffff  }
0x1bf: {  	v44 =	vor.u32 v10, v33;
	_ =	sdelay $0x3  }
0x1c0: {  	[tilespmem:v43+s21+$0x0] =	vst.idx.msk $0xffff, v35  }
0x1c1: {  	v45 =	vor.u32 v11, v32;
	v35 =	vld.idx.msk [tilespmem:v44+s18+$0x0], $0xffff  }
0x1c2: {  	v46 =	vor.u32 v12, v34;
	_ =	sdelay $0x3  }
0x1c3: {  	[tilespmem:v45+s21+$0x0] =	vst.idx.msk $0xffff, v35  }
0x1c4: {  	v47 =	vor.u32 v13, v32;
	v35 =	vld.idx.msk [tilespmem:v46+s18+$0x0], $0xffff  }
0x1c5: {  	v48 =	vor.u32 v14, v33;
	_ =	sdelay $0x3  }
0x1c6: {  	[tilespmem:v47+s21+$0x0] =	vst.idx.msk $0xffff, v35  }
0x1c7: {  	v49 =	vor.u32 v15, v32;
	v35 =	vld.idx.msk [tilespmem:v48+s18+$0x0], $0xffff  }
0x1c8: {  	v50 =	vor.u32 v16, v34;
	_ =	sdelay $0x2  }
0x1c9: {  	v39 =	vor.u32 v17, v32  }
0x1ca: {  	v51 =	vand.u32 $0x7F, v39;
	[tilespmem:v49+s21+$0x0] =	vst.idx.msk $0xffff, v35  }
0x1cb: {  	v35 =	vor.u32 v37, v51;
	v36 =	vld.idx.msk [tilespmem:v50+s18+$0x0], $0xffff  }
0x1cc: {  	v52 =	vor.u32 v18, v33;
	_ =	sdelay $0x3  }
0x1cd: {  	[tilespmem:v35+s21+$0x0] =	vst.idx.msk $0xffff, v36  }
0x1ce: {  	v53 =	vor.u32 v19, v32;
	v35 =	vld.idx.msk [tilespmem:v52+s18+$0x0], $0xffff  }
0x1cf: {  	v54 =	vor.u32 v20, v34;
	_ =	sdelay $0x3  }
0x1d0: {  	[tilespmem:v53+s21+$0x0] =	vst.idx.msk $0xffff, v35  }
0x1d1: {  	v55 =	vor.u32 v21, v32;
	v35 =	vld.idx.msk [tilespmem:v54+s18+$0x0], $0xffff  }
0x1d2: {  	v56 =	vor.u32 v22, v33;
	_ =	sdelay $0x3  }
0x1d3: {  	[tilespmem:v55+s21+$0x0] =	vst.idx.msk $0xffff, v35  }
0x1d4: {  	v57 =	vor.u32 v23, v32;
	v35 =	vld.idx.msk [tilespmem:v56+s18+$0x0], $0xffff  }
0x1d5: {  	v58 =	vor.u32 v24, v34;
	_ =	sdelay $0x3  }
0x1d6: {  	[tilespmem:v57+s21+$0x0] =	vst.idx.msk $0xffff, v35  }
0x1d7: {  	v59 =	vor.u32 v25, v32;
	v35 =	vld.idx.msk [tilespmem:v58+s18+$0x0], $0xffff  }
0x1d8: {  	v60 =	vor.u32 v26, v33;
	_ =	sdelay $0x3  }
0x1d9: {  	[tilespmem:v59+s21+$0x0] =	vst.idx.msk $0xffff, v35  }
0x1da: {  	v61 =	vor.u32 v27, v32;
	v35 =	vld.idx.msk [tilespmem:v60+s18+$0x0], $0xffff  }
0x1db: {  	v34 =	vor.u32 v28, v34;
	_ =	sdelay $0x3  }
0x1dc: {  	[tilespmem:v61+s21+$0x0] =	vst.idx.msk $0xffff, v35  }
0x1dd: {  	v62 =	vor.u32 v29, v32;
	v34 =	vld.idx.msk [tilespmem:v34+s18+$0x0], $0xffff  }
0x1de: {  	v63 =	vor.u32 v30, v33;
	_ =	sdelay $0x3  }
0x1df: {  	s0 =	sadd.s32 $0x1, s30;
	[tilespmem:v62+s21+$0x0] =	vst.idx.msk $0xffff, v34  }
0x1e0: {  	s30 =	sadd.s32 $0x1, s0;
	v33 =	vadd.s32 s0, v0;
	v35 =	vld.idx.msk [tilespmem:v63+s18+$0x0], $0xffff  }
.LBB2_12:
0x1e1: {  	p4 =	sne.s32 s30, $0xF;
	v34 =	vand.u32 $0xF, v33;
	v36 =	vor.u32 v31, v32  }
0x1e2: {  	v37 =	vor.u32 v1, v34;
	_ =	sdelay $0x2  }
0x1e3: {  	v32 =	vshll.u32 v34, $0x5  }
0x1e4: {  	v39 =	vshll.u32 v33, $0x5;
	v38 =	vor.u32 v0, v32;
	[tilespmem:v36+s21+$0x0] =	vst.idx.msk $0xffff, v35  }
0x1e5: {  	v36 =	vand.u32 $0x6F, v38;
	v35 =	vld.idx.msk [tilespmem:v37+s18+$0x0], $0xffff;
	v37 =	vand.u32 $0x180, v39  }
0x1e6: {  	v36 =	vor.u32 v37, v36  }
0x1e7: {  	v38 =	vor.u32 v2, v33;
	_ =	sdelay $0x3  }
0x1e8: {  	[tilespmem:v36+s21+$0x0] =	vst.idx.msk $0xffff, v35  }
0x1e9: {  	v35 =	vld.idx.msk [tilespmem:v38+s18+$0x0], $0xffff  }
0x1ea: {  	v36 =	vor.u32 v3, v32  }
0x1eb: {  	v38 =	vor.u32 v4, v34;
	_ =	sdelay $0x3  }
0x1ec: {  	[tilespmem:v36+s21+$0x0] =	vst.idx.msk $0xffff, v35  }
0x1ed: {  	v35 =	vld.idx.msk [tilespmem:v38+s18+$0x0], $0xffff  }
0x1ee: {  	v36 =	vor.u32 v5, v32  }
0x1ef: {  	v38 =	vor.u32 v6, v33;
	_ =	sdelay $0x3  }
0x1f0: {  	[tilespmem:v36+s21+$0x0] =	vst.idx.msk $0xffff, v35  }
0x1f1: {  	v35 =	vld.idx.msk [tilespmem:v38+s18+$0x0], $0xffff  }
0x1f2: {  	v36 =	vor.u32 v7, v32  }
0x1f3: {  	v38 =	vor.u32 v8, v34;
	_ =	sdelay $0x3  }
0x1f4: {  	[tilespmem:v36+s21+$0x0] =	vst.idx.msk $0xffff, v35  }
0x1f5: {  	v35 =	vld.idx.msk [tilespmem:v38+s18+$0x0], $0xffff  }
0x1f6: {  	v36 =	vor.u32 v9, v32  }
0x1f7: {  	v38 =	vor.u32 v10, v33;
	_ =	sdelay $0x3  }
0x1f8: {  	[tilespmem:v36+s21+$0x0] =	vst.idx.msk $0xffff, v35  }
0x1f9: {  	v35 =	vld.idx.msk [tilespmem:v38+s18+$0x0], $0xffff  }
0x1fa: {  	v36 =	vor.u32 v11, v32  }
0x1fb: {  	v38 =	vor.u32 v12, v34;
	_ =	sdelay $0x3  }
0x1fc: {  	[tilespmem:v36+s21+$0x0] =	vst.idx.msk $0xffff, v35  }
0x1fd: {  	v35 =	vld.idx.msk [tilespmem:v38+s18+$0x0], $0xffff  }
0x1fe: {  	v36 =	vor.u32 v13, v32  }
0x1ff: {  	v38 =	vor.u32 v14, v33;
	_ =	sdelay $0x3  }
0x200: {  	[tilespmem:v36+s21+$0x0] =	vst.idx.msk $0xffff, v35  }
0x201: {  	v35 =	vld.idx.msk [tilespmem:v38+s18+$0x0], $0xffff  }
0x202: {  	v36 =	vor.u32 v15, v32  }
0x203: {  	v38 =	vor.u32 v16, v34;
	_ =	sdelay $0x3  }
0x204: {  	[tilespmem:v36+s21+$0x0] =	vst.idx.msk $0xffff, v35;
	v35 =	vor.u32 v17, v32  }
0x205: {  	v36 =	vld.idx.msk [tilespmem:v38+s18+$0x0], $0xffff;
	v35 =	vand.u32 $0x7F, v35  }
0x206: {  	v35 =	vor.u32 v37, v35  }
0x207: {  	v37 =	vor.u32 v18, v33;
	_ =	sdelay $0x3  }
0x208: {  	[tilespmem:v35+s21+$0x0] =	vst.idx.msk $0xffff, v36  }
0x209: {  	v35 =	vld.idx.msk [tilespmem:v37+s18+$0x0], $0xffff  }
0x20a: {  	v36 =	vor.u32 v19, v32  }
0x20b: {  	v37 =	vor.u32 v20, v34;
	_ =	sdelay $0x3  }
0x20c: {  	[tilespmem:v36+s21+$0x0] =	vst.idx.msk $0xffff, v35  }
0x20d: {  	v35 =	vld.idx.msk [tilespmem:v37+s18+$0x0], $0xffff  }
0x20e: {  	v36 =	vor.u32 v21, v32  }
0x20f: {  	v37 =	vor.u32 v22, v33;
	_ =	sdelay $0x3  }
0x210: {  	[tilespmem:v36+s21+$0x0] =	vst.idx.msk $0xffff, v35  }
0x211: {  	v35 =	vld.idx.msk [tilespmem:v37+s18+$0x0], $0xffff  }
0x212: {  	v36 =	vor.u32 v23, v32  }
0x213: {  	v37 =	vor.u32 v24, v34;
	_ =	sdelay $0x3  }
0x214: {  	[tilespmem:v36+s21+$0x0] =	vst.idx.msk $0xffff, v35  }
0x215: {  	v35 =	vld.idx.msk [tilespmem:v37+s18+$0x0], $0xffff  }
0x216: {  	v36 =	vor.u32 v25, v32  }
0x217: {  	v37 =	vor.u32 v26, v33;
	_ =	sdelay $0x3  }
0x218: {  	[tilespmem:v36+s21+$0x0] =	vst.idx.msk $0xffff, v35  }
0x219: {  	v35 =	vld.idx.msk [tilespmem:v37+s18+$0x0], $0xffff  }
0x21a: {  	v36 =	vor.u32 v27, v32  }
0x21b: {  	v34 =	vor.u32 v28, v34;
	_ =	sdelay $0x3  }
0x21c: {  	[tilespmem:v36+s21+$0x0] =	vst.idx.msk $0xffff, v35  }
0x21d: {  	v34 =	vld.idx.msk [tilespmem:v34+s18+$0x0], $0xffff  }
0x21e: {  	v35 =	vor.u32 v29, v32  }
0x21f: {  	v36 =	vor.u32 v30, v33  }
.Ltmp9:
0x220: {  	(pc) =	sbr.rel @p4 .LBB2_12-.Ltmp9, $3  }
0x221: {  	_ =	sdelay $0x1  }
0x222: {  	[tilespmem:v35+s21+$0x0] =	vst.idx.msk $0xffff, v34  }
0x223: {  	v33 =	vadd.s32 s30, v0;
	s30 =	sadd.s32 $0x1, s30;
	v35 =	vld.idx.msk [tilespmem:v36+s18+$0x0], $0xffff  }
0x224: {  	v34 =	vand.u32 $0xF, v33;
	v32 =	vor.u32 v31, v32  }
0x225: {  	v36 =	vor.u32 v1, v34;
	_ =	sdelay $0x1  }
0x226: {  	v37 =	vshll.u32 v34, $0x5  }
0x227: {  	v39 =	vshll.u32 v33, $0x5;
	v38 =	vor.u32 v0, v37  }
0x228: {  	v57 =	vand.u32 $0x180, v39;
	v56 =	vand.u32 $0x6F, v38;
	[tilespmem:v32+s21+$0x0] =	vst.idx.msk $0xffff, v35  }
0x229: {  	v32 =	vor.u32 v57, v56;
	v36 =	vld.idx.msk [tilespmem:v36+s18+$0x0], $0xffff  }
0x22a: {  	v58 =	vor.u32 v2, v33;
	_ =	sdelay $0x3  }
0x22b: {  	[tilespmem:v32+s21+$0x0] =	vst.idx.msk $0xffff, v36  }
0x22c: {  	v59 =	vor.u32 v3, v37;
	v32 =	vld.idx.msk [tilespmem:v58+s18+$0x0], $0xffff  }
0x22d: {  	v60 =	vor.u32 v4, v34;
	_ =	sdelay $0x3  }
0x22e: {  	[tilespmem:v59+s21+$0x0] =	vst.idx.msk $0xffff, v32  }
0x22f: {  	v61 =	vor.u32 v5, v37;
	v32 =	vld.idx.msk [tilespmem:v60+s18+$0x0], $0xffff  }
0x230: {  	v62 =	vor.u32 v6, v33;
	_ =	sdelay $0x3  }
0x231: {  	[tilespmem:v61+s21+$0x0] =	vst.idx.msk $0xffff, v32  }
0x232: {  	v63 =	vor.u32 v7, v37;
	v32 =	vld.idx.msk [tilespmem:v62+s18+$0x0], $0xffff  }
0x233: {  	v40 =	vor.u32 v8, v34;
	_ =	sdelay $0x3  }
0x234: {  	[tilespmem:v63+s21+$0x0] =	vst.idx.msk $0xffff, v32  }
0x235: {  	v41 =	vor.u32 v9, v37;
	v32 =	vld.idx.msk [tilespmem:v40+s18+$0x0], $0xffff  }
0x236: {  	v42 =	vor.u32 v10, v33;
	_ =	sdelay $0x3  }
0x237: {  	[tilespmem:v41+s21+$0x0] =	vst.idx.msk $0xffff, v32  }
0x238: {  	v43 =	vor.u32 v11, v37;
	v32 =	vld.idx.msk [tilespmem:v42+s18+$0x0], $0xffff  }
0x239: {  	v44 =	vor.u32 v12, v34;
	_ =	sdelay $0x3  }
0x23a: {  	[tilespmem:v43+s21+$0x0] =	vst.idx.msk $0xffff, v32  }
0x23b: {  	v45 =	vor.u32 v13, v37;
	v32 =	vld.idx.msk [tilespmem:v44+s18+$0x0], $0xffff  }
0x23c: {  	v46 =	vor.u32 v14, v33;
	_ =	sdelay $0x3  }
0x23d: {  	[tilespmem:v45+s21+$0x0] =	vst.idx.msk $0xffff, v32  }
0x23e: {  	v47 =	vor.u32 v15, v37;
	v32 =	vld.idx.msk [tilespmem:v46+s18+$0x0], $0xffff  }
0x23f: {  	v48 =	vor.u32 v16, v34;
	_ =	sdelay $0x2  }
0x240: {  	v49 =	vor.u32 v17, v37  }
0x241: {  	v50 =	vand.u32 $0x7F, v49;
	[tilespmem:v47+s21+$0x0] =	vst.idx.msk $0xffff, v32  }
0x242: {  	v32 =	vor.u32 v57, v50;
	v36 =	vld.idx.msk [tilespmem:v48+s18+$0x0], $0xffff  }
0x243: {  	v51 =	vor.u32 v18, v33;
	_ =	sdelay $0x3  }
0x244: {  	[tilespmem:v32+s21+$0x0] =	vst.idx.msk $0xffff, v36  }
0x245: {  	v52 =	vor.u32 v19, v37;
	v32 =	vld.idx.msk [tilespmem:v51+s18+$0x0], $0xffff  }
0x246: {  	v53 =	vor.u32 v20, v34;
	_ =	sdelay $0x3  }
0x247: {  	[tilespmem:v52+s21+$0x0] =	vst.idx.msk $0xffff, v32  }
0x248: {  	v54 =	vor.u32 v21, v37;
	v32 =	vld.idx.msk [tilespmem:v53+s18+$0x0], $0xffff  }
0x249: {  	v55 =	vor.u32 v22, v33;
	_ =	sdelay $0x3  }
0x24a: {  	[tilespmem:v54+s21+$0x0] =	vst.idx.msk $0xffff, v32  }
0x24b: {  	v56 =	vor.u32 v23, v37;
	v32 =	vld.idx.msk [tilespmem:v55+s18+$0x0], $0xffff  }
0x24c: {  	v57 =	vor.u32 v24, v34;
	_ =	sdelay $0x3  }
0x24d: {  	[tilespmem:v56+s21+$0x0] =	vst.idx.msk $0xffff, v32  }
0x24e: {  	v58 =	vor.u32 v25, v37;
	v32 =	vld.idx.msk [tilespmem:v57+s18+$0x0], $0xffff  }
0x24f: {  	v59 =	vor.u32 v26, v33;
	_ =	sdelay $0x3  }
0x250: {  	[tilespmem:v58+s21+$0x0] =	vst.idx.msk $0xffff, v32  }
0x251: {  	v60 =	vor.u32 v27, v37;
	v32 =	vld.idx.msk [tilespmem:v59+s18+$0x0], $0xffff  }
0x252: {  	v34 =	vor.u32 v28, v34;
	_ =	sdelay $0x3  }
0x253: {  	[tilespmem:v60+s21+$0x0] =	vst.idx.msk $0xffff, v32  }
0x254: {  	v61 =	vor.u32 v29, v37;
	v32 =	vld.idx.msk [tilespmem:v34+s18+$0x0], $0xffff  }
0x255: {  	v62 =	vor.u32 v30, v33;
	_ =	sdelay $0x3  }
0x256: {  	[tilespmem:v61+s21+$0x0] =	vst.idx.msk $0xffff, v32  }
0x257: {  	v63 =	vor.u32 v31, v37;
	v32 =	vld.idx.msk [tilespmem:v62+s18+$0x0], $0xffff;
	_ =	sdelay $0x3  }
0x258: {  	s0 =	sshll.u32 s29, $0x9  }
0x259: {  	s0 =	sadd.s32 s7, s0;
	[tilespmem:v63+s21+$0x0] =	vst.idx.msk $0xffff, v32  }
0x25a: {  	[hbm4b:s0+s4] =	stream.linear.scatter [tilespmem:s21], [sflag:$0x7], $0x1000, $0x38;
	[tilespmem:$0x8000] =	vst v63  }
.LBB2_14:
0x25b: {  	s0 =	sadd.s32 s12, s28  }
0x25c: {  	p4 =	sgt.u32 s0, $0x1E83  }
0x25d: {  	s0 =	sshll.u32 @!p4 s0, $0x7;
	s3 =	simm.s32 @!p4 $0x400  }
0x25e: {  	s28 =	simm.s32 @!p4 $0x7A1400;
	s29 =	simm.s32 @!p4 $0x2000;
	s0 =	sadd.s32 @!p4 s1, s0  }
0x25f: {  	[tilespmem:s29], [sflag:$0x3] =	stream.strided.gather @!p4 [hbm4b:s0+s3], $0x1000, s28, s3, $0x38;
	[tilespmem:$0x8000] =	vst v63  }
0x260: {  	s0 =	simm.s32 @!p2 $0x4  }
0x261: {  	_ =	swait.ge @!p2 [sflag:s0], $0x1000  }
.Ltmp10:
0x262: {  	[sflag:s0] =	ssyncset.done @!p2 $0x0;
	(pc) =	sbr.rel @p2 .LBB2_18-.Ltmp10, $4  }
0x263: {  	[sflag:s0] =	ssyncadd.s32 @!p2 $0xFFFFF000;
	s0 =	simm.s32 @!p3 $0x8  }
0x264: {  	_ =	swait.ge @!p3 [sflag:s0], $0x1000  }
0x265: {  	[sflag:s0] =	ssyncset.done @!p3 $0x0  }
0x266: {  	s28 =	simm.s32 $0x0;
	[sflag:s0] =	ssyncadd.s32 @!p3 $0xFFFFF000  }
0x267: {  	v33 =	vadd.s32 s28, v0  }
0x268: {  	v34 =	vand.u32 $0xF, v33  }
0x269: {  	v35 =	vor.u32 v1, v34;
	_ =	sdelay $0x1  }
0x26a: {  	v32 =	vshll.u32 v34, $0x5  }
0x26b: {  	v37 =	vshll.u32 v33, $0x5;
	v36 =	vor.u32 v0, v32  }
0x26c: {  	v37 =	vand.u32 $0x180, v37;
	v36 =	vand.u32 $0x6F, v36  }
0x26d: {  	v36 =	vor.u32 v37, v36;
	v35 =	vld.idx.msk [tilespmem:v35+s22+$0x0], $0xffff  }
0x26e: {  	v38 =	vor.u32 v2, v33;
	_ =	sdelay $0x3  }
0x26f: {  	[tilespmem:v36+s23+$0x0] =	vst.idx.msk $0xffff, v35  }
0x270: {  	v61 =	vor.u32 v3, v32;
	v35 =	vld.idx.msk [tilespmem:v38+s22+$0x0], $0xffff  }
0x271: {  	v62 =	vor.u32 v4, v34;
	_ =	sdelay $0x3  }
0x272: {  	[tilespmem:v61+s23+$0x0] =	vst.idx.msk $0xffff, v35  }
0x273: {  	v63 =	vor.u32 v5, v32;
	v35 =	vld.idx.msk [tilespmem:v62+s22+$0x0], $0xffff  }
0x274: {  	v40 =	vor.u32 v6, v33;
	_ =	sdelay $0x3  }
0x275: {  	[tilespmem:v63+s23+$0x0] =	vst.idx.msk $0xffff, v35  }
0x276: {  	v41 =	vor.u32 v7, v32;
	v35 =	vld.idx.msk [tilespmem:v40+s22+$0x0], $0xffff  }
0x277: {  	v42 =	vor.u32 v8, v34;
	_ =	sdelay $0x3  }
0x278: {  	[tilespmem:v41+s23+$0x0] =	vst.idx.msk $0xffff, v35  }
0x279: {  	v43 =	vor.u32 v9, v32;
	v35 =	vld.idx.msk [tilespmem:v42+s22+$0x0], $0xffff  }
0x27a: {  	v44 =	vor.u32 v10, v33;
	_ =	sdelay $0x3  }
0x27b: {  	[tilespmem:v43+s23+$0x0] =	vst.idx.msk $0xffff, v35  }
0x27c: {  	v45 =	vor.u32 v11, v32;
	v35 =	vld.idx.msk [tilespmem:v44+s22+$0x0], $0xffff  }
0x27d: {  	v46 =	vor.u32 v12, v34;
	_ =	sdelay $0x3  }
0x27e: {  	[tilespmem:v45+s23+$0x0] =	vst.idx.msk $0xffff, v35  }
0x27f: {  	v47 =	vor.u32 v13, v32;
	v35 =	vld.idx.msk [tilespmem:v46+s22+$0x0], $0xffff  }
0x280: {  	v48 =	vor.u32 v14, v33;
	_ =	sdelay $0x3  }
0x281: {  	[tilespmem:v47+s23+$0x0] =	vst.idx.msk $0xffff, v35  }
0x282: {  	v49 =	vor.u32 v15, v32;
	v35 =	vld.idx.msk [tilespmem:v48+s22+$0x0], $0xffff  }
0x283: {  	v50 =	vor.u32 v16, v34;
	_ =	sdelay $0x2  }
0x284: {  	v39 =	vor.u32 v17, v32  }
0x285: {  	v51 =	vand.u32 $0x7F, v39;
	[tilespmem:v49+s23+$0x0] =	vst.idx.msk $0xffff, v35  }
0x286: {  	v35 =	vor.u32 v37, v51;
	v36 =	vld.idx.msk [tilespmem:v50+s22+$0x0], $0xffff  }
0x287: {  	v52 =	vor.u32 v18, v33;
	_ =	sdelay $0x3  }
0x288: {  	[tilespmem:v35+s23+$0x0] =	vst.idx.msk $0xffff, v36  }
0x289: {  	v53 =	vor.u32 v19, v32;
	v35 =	vld.idx.msk [tilespmem:v52+s22+$0x0], $0xffff  }
0x28a: {  	v54 =	vor.u32 v20, v34;
	_ =	sdelay $0x3  }
0x28b: {  	[tilespmem:v53+s23+$0x0] =	vst.idx.msk $0xffff, v35  }
0x28c: {  	v55 =	vor.u32 v21, v32;
	v35 =	vld.idx.msk [tilespmem:v54+s22+$0x0], $0xffff  }
0x28d: {  	v56 =	vor.u32 v22, v33;
	_ =	sdelay $0x3  }
0x28e: {  	[tilespmem:v55+s23+$0x0] =	vst.idx.msk $0xffff, v35  }
0x28f: {  	v57 =	vor.u32 v23, v32;
	v35 =	vld.idx.msk [tilespmem:v56+s22+$0x0], $0xffff  }
0x290: {  	v58 =	vor.u32 v24, v34;
	_ =	sdelay $0x3  }
0x291: {  	[tilespmem:v57+s23+$0x0] =	vst.idx.msk $0xffff, v35  }
0x292: {  	v59 =	vor.u32 v25, v32;
	v35 =	vld.idx.msk [tilespmem:v58+s22+$0x0], $0xffff  }
0x293: {  	v60 =	vor.u32 v26, v33;
	_ =	sdelay $0x3  }
0x294: {  	[tilespmem:v59+s23+$0x0] =	vst.idx.msk $0xffff, v35  }
0x295: {  	v61 =	vor.u32 v27, v32;
	v35 =	vld.idx.msk [tilespmem:v60+s22+$0x0], $0xffff  }
0x296: {  	v34 =	vor.u32 v28, v34;
	_ =	sdelay $0x3  }
0x297: {  	[tilespmem:v61+s23+$0x0] =	vst.idx.msk $0xffff, v35  }
0x298: {  	v62 =	vor.u32 v29, v32;
	v34 =	vld.idx.msk [tilespmem:v34+s22+$0x0], $0xffff  }
0x299: {  	v63 =	vor.u32 v30, v33;
	_ =	sdelay $0x3  }
0x29a: {  	s0 =	sadd.s32 $0x1, s28;
	[tilespmem:v62+s23+$0x0] =	vst.idx.msk $0xffff, v34  }
0x29b: {  	s28 =	sadd.s32 $0x1, s0;
	v33 =	vadd.s32 s0, v0;
	v35 =	vld.idx.msk [tilespmem:v63+s22+$0x0], $0xffff  }
.LBB2_16:
0x29c: {  	p2 =	sne.s32 s28, $0xF;
	v34 =	vand.u32 $0xF, v33;
	v36 =	vor.u32 v31, v32  }
0x29d: {  	v37 =	vor.u32 v1, v34;
	_ =	sdelay $0x2  }
0x29e: {  	v32 =	vshll.u32 v34, $0x5  }
0x29f: {  	v39 =	vshll.u32 v33, $0x5;
	v38 =	vor.u32 v0, v32;
	[tilespmem:v36+s23+$0x0] =	vst.idx.msk $0xffff, v35  }
0x2a0: {  	v36 =	vand.u32 $0x6F, v38;
	v35 =	vld.idx.msk [tilespmem:v37+s22+$0x0], $0xffff;
	v37 =	vand.u32 $0x180, v39  }
0x2a1: {  	v36 =	vor.u32 v37, v36  }
0x2a2: {  	v38 =	vor.u32 v2, v33;
	_ =	sdelay $0x3  }
0x2a3: {  	[tilespmem:v36+s23+$0x0] =	vst.idx.msk $0xffff, v35  }
0x2a4: {  	v35 =	vld.idx.msk [tilespmem:v38+s22+$0x0], $0xffff  }
0x2a5: {  	v36 =	vor.u32 v3, v32  }
0x2a6: {  	v38 =	vor.u32 v4, v34;
	_ =	sdelay $0x3  }
0x2a7: {  	[tilespmem:v36+s23+$0x0] =	vst.idx.msk $0xffff, v35  }
0x2a8: {  	v35 =	vld.idx.msk [tilespmem:v38+s22+$0x0], $0xffff  }
0x2a9: {  	v36 =	vor.u32 v5, v32  }
0x2aa: {  	v38 =	vor.u32 v6, v33;
	_ =	sdelay $0x3  }
0x2ab: {  	[tilespmem:v36+s23+$0x0] =	vst.idx.msk $0xffff, v35  }
0x2ac: {  	v35 =	vld.idx.msk [tilespmem:v38+s22+$0x0], $0xffff  }
0x2ad: {  	v36 =	vor.u32 v7, v32  }
0x2ae: {  	v38 =	vor.u32 v8, v34;
	_ =	sdelay $0x3  }
0x2af: {  	[tilespmem:v36+s23+$0x0] =	vst.idx.msk $0xffff, v35  }
0x2b0: {  	v35 =	vld.idx.msk [tilespmem:v38+s22+$0x0], $0xffff  }
0x2b1: {  	v36 =	vor.u32 v9, v32  }
0x2b2: {  	v38 =	vor.u32 v10, v33;
	_ =	sdelay $0x3  }
0x2b3: {  	[tilespmem:v36+s23+$0x0] =	vst.idx.msk $0xffff, v35  }
0x2b4: {  	v35 =	vld.idx.msk [tilespmem:v38+s22+$0x0], $0xffff  }
0x2b5: {  	v36 =	vor.u32 v11, v32  }
0x2b6: {  	v38 =	vor.u32 v12, v34;
	_ =	sdelay $0x3  }
0x2b7: {  	[tilespmem:v36+s23+$0x0] =	vst.idx.msk $0xffff, v35  }
0x2b8: {  	v35 =	vld.idx.msk [tilespmem:v38+s22+$0x0], $0xffff  }
0x2b9: {  	v36 =	vor.u32 v13, v32  }
0x2ba: {  	v38 =	vor.u32 v14, v33;
	_ =	sdelay $0x3  }
0x2bb: {  	[tilespmem:v36+s23+$0x0] =	vst.idx.msk $0xffff, v35  }
0x2bc: {  	v35 =	vld.idx.msk [tilespmem:v38+s22+$0x0], $0xffff  }
0x2bd: {  	v36 =	vor.u32 v15, v32  }
0x2be: {  	v38 =	vor.u32 v16, v34;
	_ =	sdelay $0x3  }
0x2bf: {  	[tilespmem:v36+s23+$0x0] =	vst.idx.msk $0xffff, v35;
	v35 =	vor.u32 v17, v32  }
0x2c0: {  	v36 =	vld.idx.msk [tilespmem:v38+s22+$0x0], $0xffff;
	v35 =	vand.u32 $0x7F, v35  }
0x2c1: {  	v35 =	vor.u32 v37, v35  }
0x2c2: {  	v37 =	vor.u32 v18, v33;
	_ =	sdelay $0x3  }
0x2c3: {  	[tilespmem:v35+s23+$0x0] =	vst.idx.msk $0xffff, v36  }
0x2c4: {  	v35 =	vld.idx.msk [tilespmem:v37+s22+$0x0], $0xffff  }
0x2c5: {  	v36 =	vor.u32 v19, v32  }
0x2c6: {  	v37 =	vor.u32 v20, v34;
	_ =	sdelay $0x3  }
0x2c7: {  	[tilespmem:v36+s23+$0x0] =	vst.idx.msk $0xffff, v35  }
0x2c8: {  	v35 =	vld.idx.msk [tilespmem:v37+s22+$0x0], $0xffff  }
0x2c9: {  	v36 =	vor.u32 v21, v32  }
0x2ca: {  	v37 =	vor.u32 v22, v33;
	_ =	sdelay $0x3  }
0x2cb: {  	[tilespmem:v36+s23+$0x0] =	vst.idx.msk $0xffff, v35  }
0x2cc: {  	v35 =	vld.idx.msk [tilespmem:v37+s22+$0x0], $0xffff  }
0x2cd: {  	v36 =	vor.u32 v23, v32  }
0x2ce: {  	v37 =	vor.u32 v24, v34;
	_ =	sdelay $0x3  }
0x2cf: {  	[tilespmem:v36+s23+$0x0] =	vst.idx.msk $0xffff, v35  }
0x2d0: {  	v35 =	vld.idx.msk [tilespmem:v37+s22+$0x0], $0xffff  }
0x2d1: {  	v36 =	vor.u32 v25, v32  }
0x2d2: {  	v37 =	vor.u32 v26, v33;
	_ =	sdelay $0x3  }
0x2d3: {  	[tilespmem:v36+s23+$0x0] =	vst.idx.msk $0xffff, v35  }
0x2d4: {  	v35 =	vld.idx.msk [tilespmem:v37+s22+$0x0], $0xffff  }
0x2d5: {  	v36 =	vor.u32 v27, v32  }
0x2d6: {  	v34 =	vor.u32 v28, v34;
	_ =	sdelay $0x3  }
0x2d7: {  	[tilespmem:v36+s23+$0x0] =	vst.idx.msk $0xffff, v35  }
0x2d8: {  	v34 =	vld.idx.msk [tilespmem:v34+s22+$0x0], $0xffff  }
0x2d9: {  	v35 =	vor.u32 v29, v32  }
0x2da: {  	v36 =	vor.u32 v30, v33  }
.Ltmp11:
0x2db: {  	(pc) =	sbr.rel @p2 .LBB2_16-.Ltmp11, $3  }
0x2dc: {  	_ =	sdelay $0x1  }
0x2dd: {  	[tilespmem:v35+s23+$0x0] =	vst.idx.msk $0xffff, v34  }
0x2de: {  	v33 =	vadd.s32 s28, v0;
	s28 =	sadd.s32 $0x1, s28;
	v35 =	vld.idx.msk [tilespmem:v36+s22+$0x0], $0xffff  }
0x2df: {  	v34 =	vand.u32 $0xF, v33;
	v32 =	vor.u32 v31, v32  }
0x2e0: {  	v36 =	vor.u32 v1, v34;
	_ =	sdelay $0x1  }
0x2e1: {  	v37 =	vshll.u32 v34, $0x5  }
0x2e2: {  	v39 =	vshll.u32 v33, $0x5;
	v38 =	vor.u32 v0, v37  }
0x2e3: {  	v57 =	vand.u32 $0x180, v39;
	v56 =	vand.u32 $0x6F, v38;
	[tilespmem:v32+s23+$0x0] =	vst.idx.msk $0xffff, v35  }
0x2e4: {  	v32 =	vor.u32 v57, v56;
	v36 =	vld.idx.msk [tilespmem:v36+s22+$0x0], $0xffff  }
0x2e5: {  	v58 =	vor.u32 v2, v33;
	_ =	sdelay $0x3  }
0x2e6: {  	[tilespmem:v32+s23+$0x0] =	vst.idx.msk $0xffff, v36  }
0x2e7: {  	v59 =	vor.u32 v3, v37;
	v32 =	vld.idx.msk [tilespmem:v58+s22+$0x0], $0xffff  }
0x2e8: {  	v60 =	vor.u32 v4, v34;
	_ =	sdelay $0x3  }
0x2e9: {  	[tilespmem:v59+s23+$0x0] =	vst.idx.msk $0xffff, v32  }
0x2ea: {  	v61 =	vor.u32 v5, v37;
	v32 =	vld.idx.msk [tilespmem:v60+s22+$0x0], $0xffff  }
0x2eb: {  	v62 =	vor.u32 v6, v33;
	_ =	sdelay $0x3  }
0x2ec: {  	[tilespmem:v61+s23+$0x0] =	vst.idx.msk $0xffff, v32  }
0x2ed: {  	v63 =	vor.u32 v7, v37;
	v32 =	vld.idx.msk [tilespmem:v62+s22+$0x0], $0xffff  }
0x2ee: {  	v40 =	vor.u32 v8, v34;
	_ =	sdelay $0x3  }
0x2ef: {  	[tilespmem:v63+s23+$0x0] =	vst.idx.msk $0xffff, v32  }
0x2f0: {  	v41 =	vor.u32 v9, v37;
	v32 =	vld.idx.msk [tilespmem:v40+s22+$0x0], $0xffff  }
0x2f1: {  	v42 =	vor.u32 v10, v33;
	_ =	sdelay $0x3  }
0x2f2: {  	[tilespmem:v41+s23+$0x0] =	vst.idx.msk $0xffff, v32  }
0x2f3: {  	v43 =	vor.u32 v11, v37;
	v32 =	vld.idx.msk [tilespmem:v42+s22+$0x0], $0xffff  }
0x2f4: {  	v44 =	vor.u32 v12, v34;
	_ =	sdelay $0x3  }
0x2f5: {  	[tilespmem:v43+s23+$0x0] =	vst.idx.msk $0xffff, v32  }
0x2f6: {  	v45 =	vor.u32 v13, v37;
	v32 =	vld.idx.msk [tilespmem:v44+s22+$0x0], $0xffff  }
0x2f7: {  	v46 =	vor.u32 v14, v33;
	_ =	sdelay $0x3  }
0x2f8: {  	[tilespmem:v45+s23+$0x0] =	vst.idx.msk $0xffff, v32  }
0x2f9: {  	v47 =	vor.u32 v15, v37;
	v32 =	vld.idx.msk [tilespmem:v46+s22+$0x0], $0xffff  }
0x2fa: {  	v48 =	vor.u32 v16, v34;
	_ =	sdelay $0x2  }
0x2fb: {  	v49 =	vor.u32 v17, v37  }
0x2fc: {  	v50 =	vand.u32 $0x7F, v49;
	[tilespmem:v47+s23+$0x0] =	vst.idx.msk $0xffff, v32  }
0x2fd: {  	v32 =	vor.u32 v57, v50;
	v36 =	vld.idx.msk [tilespmem:v48+s22+$0x0], $0xffff  }
0x2fe: {  	v51 =	vor.u32 v18, v33;
	_ =	sdelay $0x3  }
0x2ff: {  	[tilespmem:v32+s23+$0x0] =	vst.idx.msk $0xffff, v36  }
0x300: {  	v52 =	vor.u32 v19, v37;
	v32 =	vld.idx.msk [tilespmem:v51+s22+$0x0], $0xffff  }
0x301: {  	v53 =	vor.u32 v20, v34;
	_ =	sdelay $0x3  }
0x302: {  	[tilespmem:v52+s23+$0x0] =	vst.idx.msk $0xffff, v32  }
0x303: {  	v54 =	vor.u32 v21, v37;
	v32 =	vld.idx.msk [tilespmem:v53+s22+$0x0], $0xffff  }
0x304: {  	v55 =	vor.u32 v22, v33;
	_ =	sdelay $0x3  }
0x305: {  	[tilespmem:v54+s23+$0x0] =	vst.idx.msk $0xffff, v32  }
0x306: {  	v56 =	vor.u32 v23, v37;
	v32 =	vld.idx.msk [tilespmem:v55+s22+$0x0], $0xffff  }
0x307: {  	v57 =	vor.u32 v24, v34;
	_ =	sdelay $0x3  }
0x308: {  	[tilespmem:v56+s23+$0x0] =	vst.idx.msk $0xffff, v32  }
0x309: {  	v58 =	vor.u32 v25, v37;
	v32 =	vld.idx.msk [tilespmem:v57+s22+$0x0], $0xffff  }
0x30a: {  	v59 =	vor.u32 v26, v33;
	_ =	sdelay $0x3  }
0x30b: {  	[tilespmem:v58+s23+$0x0] =	vst.idx.msk $0xffff, v32  }
0x30c: {  	v60 =	vor.u32 v27, v37;
	v32 =	vld.idx.msk [tilespmem:v59+s22+$0x0], $0xffff  }
0x30d: {  	v34 =	vor.u32 v28, v34;
	_ =	sdelay $0x3  }
0x30e: {  	[tilespmem:v60+s23+$0x0] =	vst.idx.msk $0xffff, v32  }
0x30f: {  	v61 =	vor.u32 v29, v37;
	v32 =	vld.idx.msk [tilespmem:v34+s22+$0x0], $0xffff  }
0x310: {  	v62 =	vor.u32 v30, v33;
	_ =	sdelay $0x3  }
0x311: {  	[tilespmem:v61+s23+$0x0] =	vst.idx.msk $0xffff, v32  }
0x312: {  	v63 =	vor.u32 v31, v37;
	v32 =	vld.idx.msk [tilespmem:v62+s22+$0x0], $0xffff;
	_ =	sdelay $0x1  }
.Ltmp12:
0x313: {  	_ = 	snop;
	(pc) =	sbr.rel .LBB2_18-.Ltmp12, $4  }
0x314: {  	_ = 	snop  }
0x315: {  	s0 =	sshll.u32 s26, $0x9  }
0x316: {  	s0 =	sadd.s32 s7, s0;
	[tilespmem:v63+s23+$0x0] =	vst.idx.msk $0xffff, v32  }
0x317: {  	[hbm4b:s0+s4] =	stream.linear.scatter [tilespmem:s23], [sflag:$0x8], $0x1000, $0x38;
	[tilespmem:$0x8000] =	vst v63  }
.LBB2_20:
0x318: {  	_ =	sfence.sel $0x180000  }
0x319: {  	[bflag:$0x0] =	sbarrier.arrive $0xFFFF  }
0x31a: {  	_ =	strace $0x90000047  }
0x31b: {  	s0 =	stileid.u32;
	[bflag:$0x2] =	sbarrier.arrive $0xFFFF  }
0x31c: {  	p0 =	sne.s32 s0, $0x0;
	s0 =	rddreg [dreg:$0x3]  }
0x31d: {  	s0 =	sadd.s32 @!p0 $0x100000, s0  }
0x31e: {  	[sflag:s0] =	ssyncadd.tile.s32 @!p0 $0x1;
	_ =	shalt  }
.Lfunc_end2:
_tile_overlayer_lowered:
.L_overlay_start_2:
0x31f: {  	(tag) =	ssettag $0x2  }
0x320: {  	s0 =	rddreg [dreg:$0x0];
	s2 =	stileid.u32  }
0x321: {  	s1 =	rddreg [dreg:$0x1];
	p0 =	sne.s32 s2, $0x0  }
0x322: {  	s3 =	rddreg [dreg:$0x2];
	[bflag:$0x3] =	sbarrier.arrive $0xFFFF;
	s2 =	simm.s32 @!p0 $0x1C09  }
0x323: {  	[timem:s3], [sflag:s2] =	dma.local @!p0 [hbm:s0], s1  }
0x324: {  	s0 =	simm.s32 @!p0 $0x9  }
0x325: {  	_ =	swait.ge @!p0 [sflag:s0], s1  }
0x326: {  	s1 =	ssub.s32 @!p0 $0x0, s1;
	[sflag:s0] =	ssyncset.done @!p0 $0x0  }
0x327: {  	[sflag:s0] =	ssyncadd.s32 @!p0 s1  }
0x328: {  	[bflag:$0x3] =	sbarrier.arrive $0xFFFF  }
0x329: {  	_ =	shalt  }

// kernel: kernel.7.cloned.1.call-start
scs
__scs_entry_jumppad:
0x0: {  	(pc) =	sbr.rel $0x88, $3  }
0x1: {  	(tag) =	ssettag $0x0;
	lr =	simm.s32 $0x1  }
0x2: {  	[smem:$0x3F9F] =	sst lr;
	_ =	strace $0xD0000000  }
0x3: {  	_ = 	snop  }
0x4: {  	_ = 	snop  }
0x5: {  	_ = 	snop  }
0x6: {  	_ = 	snop  }
0x7: {  	_ = 	snop  }
__scs_overlays_trampoline_lowered:
0x8: {  	[smem:$0x3FAE] =	sst s0  }
0x9: {  	[smem:$0x3FAF] =	sst s1  }
0xa: {  	[smem:$0x3FB0] =	sst s2  }
0xb: {  	[smem:$0x3FB1] =	sst s3  }
0xc: {  	[smem:$0x3FB2] =	sst s4  }
0xd: {  	[smem:$0x3FB3] =	sst s5  }
0xe: {  	[smem:$0x3FB4] =	sst s6  }
0xf: {  	[smem:$0x3FB5] =	sst s7  }
0x10: {  	[smem:$0x3FB6] =	sst s8  }
0x11: {  	[smem:$0x3FB7] =	sst s9;
	s0 =	simm.s32 @!p0 $0x0  }
0x12: {  	s1 =	sld [smem:$0x3F9D];
	s0 =	simm.s32 @p0 $0x1  }
0x13: {  	[smem:$0x3FB8] =	sst s0;
	s0 =	simm.s32 @!p1 $0x0  }
0x14: {  	s2 =	sld [smem:$0x3F9C];
	s0 =	simm.s32 @p1 $0x1  }
0x15: {  	[smem:$0x3FB9] =	sst s0;
	s0 =	simm.s32 @!p2 $0x0  }
0x16: {  	s3 =	sld [smem:$0x3FDB];
	s0 =	simm.s32 @p2 $0x1  }
0x17: {  	s4 =	simm.s32 $0x1BF5;
	[smem:$0x3FBB] =	sst s0  }
0x18: {  	s0 =	sld [smem:$0x3F9E];
	_ =	swait.ge [sflag:s4], $0x0  }
0x19: {  	s7 =	sld [smem:$0x3F9F]  }
0x1a: {  	s8 =	sadd.s32 $0xFFFFE003, lr  }
0x1b: {  	s9 =	sadd.s32 $0xFFFFFEF7, lr;
	s5 =	simm.s32 $0xFFFFFFFF;
	p2 =	slt.u32 s8, $0xFFFFF086  }
0x1c: {  	p1 =	slt.u32 s9, $0xF7A;
	s5 =	simm.s32 @!p2 $0x0  }
0x1d: {  	s5 =	simm.s32 @p1 $0x1;
	p0 =	seq.s32 s7, s2  }
0x1e: {  	s7 =	smul.u32 @!p0 $0xF7A, s2;
	p2 =	seq.s32 @!p0 s5, $0x0  }
0x1f: {  	s9 =	smul.u32 $0xF7A, s1;
	s8 =	simm.s32 @!p0 $0x1BF5;
	p2 =	por !p2, p0  }
0x20: {  	[sflag:s8] =	ssyncset.s32 @!p0 $0xFFFFF086;
	s6 =	sadd.s32 @!p0 s3, s7;
	s7 =	simm.s32 @!p0 $0x108  }
0x21: {  	s3 =	sadd.s32 s3, s9;
	s6 =	sadd.s32 @!p0 $0x88, s6;
	s7 =	simm.s32 @p2 $0x1082  }
0x22: {  	[simem:s7], [sflag:s8] =	dma.local @!p0 [hbm:s6], $0xF7A  }
0x23: {  	s9 =	sor.u32 $0xD0000000, s2;
	s6 =	simm.s32 $0x108;
	_ =	swait.ge @!p0 [sflag:s8], $0x0  }
0x24: {  	s3 =	sadd.s32 $0x88, s3;
	s6 =	simm.s32 @!p1 $0x1082;
	[sflag:s4] =	ssyncset.s32 $0xFFFFF086  }
0x25: {  	[simem:s6], [sflag:s4] =	dma.local [hbm:s3], $0xF7A  }
0x26: {  	[smem:$0x3F9F] =	sst s1;
	(tag) =	ssettag s2;
	_ =	strace s9  }
0x27: {  	s1 =	sld [smem:$0x3FAF]  }
0x28: {  	s2 =	sld [smem:$0x3FB0]  }
0x29: {  	s4 =	sld [smem:$0x3FB2]  }
0x2a: {  	p0 =	seq.s32 s5, $0x0;
	s5 =	sld [smem:$0x3FB3]  }
0x2b: {  	s6 =	sld [smem:$0x3FB4]  }
0x2c: {  	s7 =	sld [smem:$0x3FB5]  }
0x2d: {  	s3 =	simm.s32 $0x108;
	s8 =	sld [smem:$0x3FB6]  }
0x2e: {  	s3 =	simm.s32 @!p0 $0x1082;
	s9 =	sld [smem:$0x3FB7]  }
0x2f: {  	lr =	sadd.s32 s0, s3;
	s0 =	sld [smem:$0x3FAE]  }
0x30: {  	s3 =	sld [smem:$0x3FB1]  }
0x31: {  	[smem:$0x3FBA] =	sst s10  }
0x32: {  	s10 =	sld [smem:$0x3FB8];
	_ =	sdelay $0x3  }
0x33: {  	p0 =	seq.s32 s10, $0x1;
	s10 =	sld [smem:$0x3FBA];
	_ =	sdelay $0x3  }
0x34: {  	[smem:$0x3FBA] =	sst s10  }
0x35: {  	s10 =	sld [smem:$0x3FB9];
	_ =	sdelay $0x3  }
0x36: {  	p1 =	seq.s32 s10, $0x1;
	s10 =	sld [smem:$0x3FBA];
	_ =	sdelay $0x3  }
0x37: {  	[smem:$0x3FBA] =	sst s10  }
0x38: {  	s10 =	sld [smem:$0x3FBB]  }
0x39: {  	_ = 	snop;
	(pc) =	sbr.ind lr, $3  }
0x3a: {  	_ = 	snop  }
0x3b: {  	_ = 	snop  }
0x3c: {  	p2 =	seq.s32 s10, $0x1;
	s10 =	sld [smem:$0x3FBA]  }
0x3d: {  	_ =	shalt  }
0x3e: {  	_ =	shalt  }
0x3f: {  	_ =	shalt  }
0x40: {  	_ =	shalt  }
0x41: {  	_ =	shalt  }
0x42: {  	_ =	shalt  }
0x43: {  	_ =	shalt  }
0x44: {  	_ =	shalt  }
0x45: {  	_ =	shalt  }
0x46: {  	_ =	shalt  }
0x47: {  	_ =	shalt  }
0x48: {  	_ =	shalt  }
0x49: {  	_ =	shalt  }
0x4a: {  	_ =	shalt  }
0x4b: {  	_ =	shalt  }
0x4c: {  	_ =	shalt  }
0x4d: {  	_ =	shalt  }
0x4e: {  	_ =	shalt  }
0x4f: {  	_ =	shalt  }
0x50: {  	_ =	shalt  }
0x51: {  	_ =	shalt  }
0x52: {  	_ =	shalt  }
0x53: {  	_ =	shalt  }
0x54: {  	_ =	shalt  }
0x55: {  	_ =	shalt  }
0x56: {  	_ =	shalt  }
0x57: {  	_ =	shalt  }
0x58: {  	_ =	shalt  }
0x59: {  	_ =	shalt  }
0x5a: {  	_ =	shalt  }
0x5b: {  	_ =	shalt  }
0x5c: {  	_ =	shalt  }
0x5d: {  	_ =	shalt  }
0x5e: {  	_ =	shalt  }
0x5f: {  	_ =	shalt  }
0x60: {  	_ =	shalt  }
0x61: {  	_ =	shalt  }
0x62: {  	_ =	shalt  }
0x63: {  	_ =	shalt  }
0x64: {  	_ =	shalt  }
0x65: {  	_ =	shalt  }
0x66: {  	_ =	shalt  }
0x67: {  	_ =	shalt  }
0x68: {  	_ =	shalt  }
0x69: {  	_ =	shalt  }
0x6a: {  	_ =	shalt  }
0x6b: {  	_ =	shalt  }
0x6c: {  	_ =	shalt  }
0x6d: {  	_ =	shalt  }
0x6e: {  	_ =	shalt  }
0x6f: {  	_ =	shalt  }
0x70: {  	_ =	shalt  }
0x71: {  	_ =	shalt  }
0x72: {  	_ =	shalt  }
0x73: {  	_ =	shalt  }
0x74: {  	_ =	shalt  }
0x75: {  	_ =	shalt  }
0x76: {  	_ =	shalt  }
0x77: {  	_ =	shalt  }
0x78: {  	_ =	shalt  }
0x79: {  	_ =	shalt  }
0x7a: {  	_ =	shalt  }
0x7b: {  	_ =	shalt  }
0x7c: {  	_ =	shalt  }
0x7d: {  	_ =	shalt  }
0x7e: {  	_ =	shalt  }
0x7f: {  	_ =	shalt  }
0x80: {  	_ =	shalt  }
0x81: {  	_ =	shalt  }
0x82: {  	_ =	shalt  }
0x83: {  	_ =	shalt  }
0x84: {  	_ =	shalt  }
0x85: {  	_ =	shalt  }
0x86: {  	_ =	shalt  }
0x87: {  	_ =	shalt  }
.Lfunc_end0:
.L_simem_size_0:
called_computation.1_lowered:
.L_overlay_start_0:
0x88: {  	s2 =	sld [smem:$0x3FD9]  }
0x89: {  	s3 =	sld [smem:$0x3FFE];
	_ =	sdelay $0x1  }
0x8a: {  	s1 =	srdreg.scid  }
0x8b: {  	s0 =	sand.u32 $0x1, s1  }
0x8c: {  	s17 =	sshll.u32 s0, $0xA;
	s2 =	sadd.s32 s3, s2  }
0x8d: {  	s2 =	sadd.s32 s2, s17  }
0x8e: {  	[smem:$0x3FC6] =	sst s2  }
0x8f: {  	_ = 	snop  }
0x90: {  	s2 =	sld [smem:$0x3FC9]  }
0x91: {  	s18 =	sld [smem:$0x3FD0];
	(tm) =	ssettm $0x1  }
0x92: {  	s4 =	sld [smem:$0x3FFB];
	_ =	sdelay $0x3  }
0x93: {  	_ =	strace s4  }
0x94: {  	s4 =	sld [smem:$0x3FFC];
	_ =	sdelay $0x3  }
0x95: {  	_ =	strace s4  }
0x96: {  	s4 =	sld [smem:$0x3FFD];
	_ =	sdelay $0x3  }
0x97: {  	_ =	strace s4  }
0x98: {  	_ =	strace $0x8FFFFFFF  }
0x99: {  	s19 =	sld [smem:$0x3FDB];
	_ =	sdelay $0x1  }
0x9a: {  	s5 =	simm.s32 $_scs_section_size  }
0x9b: {  	s6 =	simm.s32 $_size__tile_overlayer_lowered;
	s7 =	simm.s32 $_tile_overlayer_lowered  }
0x9c: {  	s22 =	simm.s32 $0x1BFF;
	s21 =	sshll.u32 s7, $0x1;
	s4 =	sadd.s32 s5, s19  }
0x9d: {  	s8 =	simm.s32 $0x0;
	s20 =	sshll.u32 s6, $0x1;
	s6 =	sadd.s32 s21, s4  }
0x9e: {  	[timem:s8], [sflag:s22] =	dma.local [hbm:s6], s20  }
0x9f: {  	_ =	swait.ge [sflag:s22], s20  }
0xa0: {  	s5 =	ssub.s32 $0x0, s20;
	[sflag:s22] =	ssyncset.done $0x0  }
0xa1: {  	[sflag:s22] =	ssyncadd.s32 s5;
	_ =	sdelay $0x1  }
0xa2: {  	s23 =	simm.s32 $0x1B8B  }
0xa3: {  	_ =	swait.ge [sflag:s23], $0x1  }
0xa4: {  	[sflag:s23] =	ssyncset.done $0x0  }
0xa5: {  	s25 =	simm.s32 $0x1B8E;
	s24 =	sld [smem:$0x3FFE];
	[sflag:s23] =	ssyncadd.s32 $0xFFFFFFFF  }
0xa6: {  	s26 =	simm.s32 $execute0_lowered;
	[smem:$0x3FD2] =	sst s25  }
0xa7: {  	s6 =	sshll.u32 s26, $0x1;
	_ =	strace $0x80000049;
	[dreg:$0x1] =	wrdreg $0xFFFFFFFF  }
0xa8: {  	s28 =	simm.s32 $_size_execute0_lowered;
	s4 =	sadd.s32 s4, s6;
	[dreg:$0x0] =	wrdreg $0x0  }
0xa9: {  	s6 =	sshll.u32 s28, $0x1;
	[dreg:$0x2] =	wrdreg s4  }
0xaa: {  	[dreg:$0x3] =	wrdreg s6  }
0xab: {  	[dreg:$0x4] =	wrdreg $0xC0  }
0xac: {  	_ =	task [dreg:s8], $0x5FFFF  }
0xad: {  	[dreg:$0x1] =	wrdreg $0xFFFFFFFF  }
0xae: {  	[dreg:$0x0] =	wrdreg $0x60  }
0xaf: {  	[dreg:$0x2] =	wrdreg s2  }
0xb0: {  	[dreg:$0x3] =	wrdreg s24  }
0xb1: {  	[dreg:$0x4] =	wrdreg s18  }
0xb2: {  	[dreg:$0x5] =	wrdreg $0x9  }
0xb3: {  	_ =	task.clear_ibuf [dreg:s8], $0x6FFFF;
	_ =	strace $0x90000049  }
0xb4: {  	s29 =	simm.s32 $0x9;
	_ =	strace $0x8000004B  }
0xb5: {  	_ =	swait.ge [sflag:s29], $0x1  }
0xb6: {  	[sflag:s29] =	ssyncadd.s32 $0xFFFFFFFF  }
0xb7: {  	_ =	strace $0x9000004B  }
0xb8: {  	_ =	sfence  }
0xb9: {  	s30 =	sld [smem:$0x0];
	_ =	sdelay $0x2  }
0xba: {  	s31 =	sshll.u32 s1, $0xD;
	s1 =	sshrl.u32 s1, $0x2  }
0xbb: {  	s3 =	sand.u32 $0x4000, s31;
	s1 =	sadd.s32 s1, s30  }
0xbc: {  	s0 =	sor.u32 s3, s0;
	s1 =	sshll.u32 s1, $0x11  }
0xbd: {  	s0 =	sor.u32 s1, s0  }
0xbe: {  	s0 =	sadd.s32 $0x8F2B, s0  }
0xbf: {  	[sflag:s0] =	ssyncadd.remote.s32 $0x1  }
0xc0: {  	_ =	sfence.sel $0xFFFF  }
0xc1: {  	[dreg:$0x0] =	wrdreg $0xFFFFFFFF;
	(pc) =	sbr.abs _section_cstart, $3  }
0xc2: {  	[dreg:$0x1] =	wrdreg $0xFFFFFFFF  }
0xc3: {  	_ =	task.clear_ibuf [dreg:s8], $0x2FFFF;
	_ =	strace $0x9FFFFFFF  }
0xc4: {  	(tm) =	ssettm $0x7FFFFFFF  }
0xc5: {  	_ =	shalt  }
tec
execute0_lowered:
.L_overlay_start_1:
0x0: {  	(tag) =	ssettag $0x1  }
0x1: {  	s1 =	rddreg [dreg:$0x0];
	s2 =	srdreg.scid  }
0x2: {  	s8 =	rddreg [dreg:$0x1];
	s0 =	stileid.u32  }
0x3: {  	s3 =	rddreg [dreg:$0x2];
	s4 =	simm.s32 $0x0;
	s12 =	simm.s32 $0x1  }
0x4: {  	s13 =	simm.s32 $0x80;
	s14 =	simm.s32 $0x100;
	s15 =	simm.s32 $0x300  }
0x5: {  	s16 =	simm.s32 $0x2;
	s17 =	simm.s32 $0x180;
	s18 =	simm.s32 $0x4300  }
0x6: {  	s19 =	simm.s32 $0x3;
	s20 =	simm.s32 $0x8300;
	s21 =	simm.s32 $0x400  }
0x7: {  	s22 =	simm.s32 $0x8000;
	s23 =	simm.s32 $0x4;
	s24 =	simm.s32 $0x6  }
0x8: {  	v0 =	vlaneseq.u32;
	s25 =	simm.s32 $0x9300;
	s26 =	simm.s32 $0x5;
	s6 =	sand.u32 $0x1, s2  }
0x9: {  	s28 =	simm.s32 $0x0;
	s5 =	sshll.u32 s0, $0xB;
	v1 =	vmul.u32 $0x80, v0;
	v3 =	vor.u32 $0x10, v0;
	v5 =	vor.u32 $0x20, v0;
	s7 =	sshll.u32 s6, $0xA  }
0xa: {  	[smem:$0x7FF] =	sst s4;
	v7 =	vor.u32 $0x30, v0;
	v9 =	vor.u32 $0x40, v0;
	v11 =	vor.u32 $0x50, v0;
	s9 =	ssub.s32 $0x2, s6;
	s5 =	sor.u32 s7, s5  }
0xb: {  	s8 =	sadd.s32 $0x800, s8;
	v13 =	vor.u32 $0x60, v0;
	v15 =	vor.u32 $0x70, v0;
	s10 =	sshrl.u32 s9, $0x1;
	v2 =	vor.u32 $0x800, v1;
	s6 =	sshrl.u32 s5, $0x3  }
0xc: {  	_ =	strace $0x8000004A;
	v4 =	vor.u32 $0x1000, v1;
	v6 =	vor.u32 $0x1800, v1;
	v8 =	vor.u32 $0x2000, v1;
	s11 =	ssub.s32 s9, s10;
	s7 =	sadd.s32 s1, s6  }
0xd: {  	v10 =	vor.u32 $0x2800, v1;
	v12 =	vor.u32 $0x3000, v1;
	v14 =	vor.u32 $0x3800, v1;
	s10 =	sadd.s32 $0x4000, s3;
	s11 =	smax.u32 s11, $0x1;
	s9 =	sadd.s32 $0x10, s7  }
.LBB2_1:
0xe: {  	[tilespmem:s4], [sflag:$0x1] =	stream.linear.gather [hbm4b:s7+s4], $0x80, $0x38;
	[tilespmem:$0xA300] =	vst v63  }
0xf: {  	_ =	swait.ge [sflag:s12], $0x80  }
0x10: {  	[sflag:s12] =	ssyncset.done $0x0  }
0x11: {  	[sflag:s12] =	ssyncadd.s32 $0xFFFFFF80  }
0x12: {  	v16 =	vld [tilespmem:$0x0];
	_ =	sdelay $0x1  }
0x13: {  	v17 =	vld [tilespmem:$0x10];
	_ =	sdelay $0x1  }
0x14: {  	v18 =	vld [tilespmem:$0x20]  }
0x15: {  	v19 =	vshrl.u32 v16, $0x2;
	v16 =	vshll.u32 v16, $0x5  }
0x16: {  	v60 =	vld [tilespmem:$0x30];
	[tilespmem:$0x100] =	vst v19;
	v16 =	vand.u32 $0x60, v16  }
0x17: {  	[tilespmem:$0x200] =	vst v16;
	v16 =	vshrl.u32 v17, $0x2;
	v17 =	vshll.u32 v17, $0x5  }
0x18: {  	[tilespmem:$0x110] =	vst v16;
	v16 =	vand.u32 $0x60, v17;
	v17 =	vld [tilespmem:$0x40]  }
0x19: {  	[tilespmem:$0x210] =	vst v16;
	v16 =	vshrl.u32 v18, $0x2;
	v18 =	vshll.u32 v18, $0x5  }
0x1a: {  	v61 =	vld [tilespmem:$0x50];
	[tilespmem:$0x120] =	vst v16;
	v16 =	vand.u32 $0x60, v18  }
0x1b: {  	v19 =	vshll.u32 v60, $0x5;
	[tilespmem:$0x220] =	vst v16;
	v16 =	vshrl.u32 v60, $0x2  }
0x1c: {  	v62 =	vld [tilespmem:$0x60];
	[tilespmem:$0x130] =	vst v16;
	v16 =	vand.u32 $0x60, v19  }
0x1d: {  	[tilespmem:$0x230] =	vst v16;
	v16 =	vshrl.u32 v17, $0x2;
	v17 =	vshll.u32 v17, $0x5  }
0x1e: {  	[tilespmem:$0x140] =	vst v16;
	v16 =	vand.u32 $0x60, v17;
	v17 =	vld [tilespmem:$0x70]  }
0x1f: {  	v18 =	vshll.u32 v61, $0x5;
	[tilespmem:$0x240] =	vst v16;
	v16 =	vshrl.u32 v61, $0x2  }
0x20: {  	[tilespmem:$0x150] =	vst v16;
	v16 =	vand.u32 $0x60, v18  }
0x21: {  	v63 =	vshll.u32 v62, $0x5;
	[tilespmem:$0x250] =	vst v16;
	v16 =	vshrl.u32 v62, $0x2  }
0x22: {  	[tilespmem:$0x160] =	vst v16;
	v16 =	vand.u32 $0x60, v63  }
0x23: {  	[tilespmem:$0x260] =	vst v16;
	v16 =	vshrl.u32 v17, $0x2;
	v17 =	vshll.u32 v17, $0x5  }
0x24: {  	[tilespmem:$0x170] =	vst v16;
	v16 =	vand.u32 $0x60, v17  }
0x25: {  	[tilespmem:$0x270] =	vst v16  }
0x26: {  	[tilespmem:s15], [sflag:$0x3] =	stream.indirect.gather [hbm4b:s8+s13], $0x80, s14, s13, $0xb8;
	[tilespmem:$0xA300] =	vst v63  }
0x27: {  	s29 =	simm.s32 $0x0  }
0x28: {  	[tilespmem:s13], [sflag:$0x2] =	stream.linear.gather [hbm4b:s9+s4], $0x80, $0x38;
	[tilespmem:$0xA300] =	vst v63  }
.LBB2_2:
0x29: {  	_ =	swait.ge [sflag:s16], $0x80  }
0x2a: {  	[sflag:s16] =	ssyncset.done $0x0  }
0x2b: {  	[sflag:s16] =	ssyncadd.s32 $0xFFFFFF80  }
0x2c: {  	v16 =	vld [tilespmem:$0x80];
	_ =	sdelay $0x1  }
0x2d: {  	v17 =	vld [tilespmem:$0x90];
	_ =	sdelay $0x1  }
0x2e: {  	v18 =	vld [tilespmem:$0xA0]  }
0x2f: {  	v19 =	vshrl.u32 v16, $0x2;
	v16 =	vshll.u32 v16, $0x5  }
0x30: {  	[tilespmem:$0x180] =	vst v19;
	v16 =	vand.u32 $0x60, v16;
	v19 =	vld [tilespmem:$0xB0]  }
0x31: {  	[tilespmem:$0x280] =	vst v16;
	v16 =	vshrl.u32 v17, $0x2;
	v17 =	vshll.u32 v17, $0x5  }
0x32: {  	[tilespmem:$0x190] =	vst v16;
	v16 =	vand.u32 $0x60, v17;
	v17 =	vld [tilespmem:$0xC0]  }
0x33: {  	[tilespmem:$0x290] =	vst v16;
	v16 =	vshrl.u32 v18, $0x2;
	v18 =	vshll.u32 v18, $0x5  }
0x34: {  	[tilespmem:$0x1A0] =	vst v16;
	v16 =	vand.u32 $0x60, v18;
	v18 =	vld [tilespmem:$0xD0]  }
0x35: {  	[tilespmem:$0x2A0] =	vst v16;
	v16 =	vshrl.u32 v19, $0x2;
	v19 =	vshll.u32 v19, $0x5  }
0x36: {  	[tilespmem:$0x1B0] =	vst v16;
	v16 =	vand.u32 $0x60, v19;
	v19 =	vld [tilespmem:$0xE0]  }
0x37: {  	[tilespmem:$0x2B0] =	vst v16;
	v16 =	vshrl.u32 v17, $0x2;
	v17 =	vshll.u32 v17, $0x5  }
0x38: {  	[tilespmem:$0x1C0] =	vst v16;
	v16 =	vand.u32 $0x60, v17;
	v17 =	vld [tilespmem:$0xF0]  }
0x39: {  	s31 =	sshll.u32 s29, $0x1;
	p0 =	seq.s32 s29, $0x18;
	[tilespmem:$0x2C0] =	vst v16;
	v16 =	vshrl.u32 v18, $0x2;
	v18 =	vshll.u32 v18, $0x5  }
0x3a: {  	s30 =	sadd.s32 @!p0 $0x2, s31;
	[tilespmem:$0x1D0] =	vst v16;
	v16 =	vand.u32 $0x60, v18  }
0x3b: {  	s2 =	sshll.u32 @!p0 s30, $0x7;
	s30 =	sshll.u32 @!p0 s30, $0xC;
	[tilespmem:$0x2D0] =	vst v16;
	v16 =	vshrl.u32 v19, $0x2;
	v18 =	vshll.u32 v19, $0x5  }
0x3c: {  	s2 =	sand.u32 @!p0 $0x300, s2;
	s30 =	sand.u32 @!p0 $0x78000, s30;
	[tilespmem:$0x1E0] =	vst v16;
	v16 =	vand.u32 $0x60, v18  }
0x3d: {  	s2 =	sor.u32 @!p0 s30, s2;
	[tilespmem:$0x2E0] =	vst v16;
	v16 =	vshrl.u32 v17, $0x2;
	v17 =	vshll.u32 v17, $0x5  }
0x3e: {  	s2 =	sor.u32 @!p0 s5, s2;
	[tilespmem:$0x1F0] =	vst v16;
	v16 =	vand.u32 $0x60, v17  }
0x3f: {  	s2 =	sshrl.u32 @!p0 s2, $0x3;
	[tilespmem:$0x2F0] =	vst v16  }
0x40: {  	[tilespmem:s18], [sflag:$0x4] =	stream.indirect.gather [hbm4b:s8+s13], $0x80, s17, s13, $0xb8;
	[tilespmem:$0xA300] =	vst v63  }
0x41: {  	s30 =	simm.s32 @!p0 $0x0;
	s2 =	sadd.s32 @!p0 s1, s2  }
0x42: {  	[tilespmem:s30], [sflag:$0x1] =	stream.linear.gather @!p0 [hbm4b:s2+s30], $0x80, $0x38;
	[tilespmem:$0xA300] =	vst v63  }
0x43: {  	_ =	swait.ge [sflag:s19], $0x4000  }
0x44: {  	p0 =	seq.s32 s29, $0x0;
	[sflag:s19] =	ssyncset.done $0x0  }
0x45: {  	s2 =	simm.s32 @!p0 $0x5;
	[sflag:s19] =	ssyncadd.s32 $0xFFFFC000  }
0x46: {  	_ =	swait.ge @!p0 [sflag:s2], $0x1000  }
0x47: {  	[sflag:s2] =	ssyncset.done @!p0 $0x0  }
0x48: {  	[sflag:s2] =	ssyncadd.s32 @!p0 $0xFFFFF000  }
0x49: {  	v23 =	vld [tilespmem:$0x200];
	_ =	sdelay $0x1  }
0x4a: {  	s2 =	simm.s32 $0x0  }
0x4b: {  	v16 =	vadd.s32 s2, v0  }
0x4c: {  	v25 =	vand.u32 $0x1F, v16  }
0x4d: {  	v16 =	vadd.s32 v23, v25  }
0x4e: {  	v22 =	vld [tilespmem:$0x210];
	v16 =	vadd.s32 v1, v16;
	_ =	sdelay $0x3  }
0x4f: {  	v21 =	vld [tilespmem:$0x220];
	v24 =	vshll.u32 v25, $0x7  }
0x50: {  	v27 =	vor.u32 v0, v24;
	v26 =	vld.idx.msk [tilespmem:v16+s15+$0x0], $0xffff;
	v16 =	vadd.s32 v22, v25  }
0x51: {  	v19 =	vld [tilespmem:$0x230];
	v28 =	vadd.s32 v2, v16  }
0x52: {  	v20 =	vld [tilespmem:$0x240]  }
0x53: {  	v18 =	vld [tilespmem:$0x250]  }
0x54: {  	v17 =	vld [tilespmem:$0x260]  }
0x55: {  	v16 =	vld [tilespmem:$0x270];
	[tilespmem:v27+s20+$0x0] =	vst.idx.msk $0xffff, v26  }
0x56: {  	v58 =	vadd.s32 v21, v25;
	v27 =	vor.u32 v3, v24;
	v26 =	vld.idx.msk [tilespmem:v28+s15+$0x0], $0xffff  }
0x57: {  	v28 =	vadd.s32 v4, v58;
	_ =	sdelay $0x3  }
0x58: {  	[tilespmem:v27+s20+$0x0] =	vst.idx.msk $0xffff, v26  }
0x59: {  	v59 =	vadd.s32 v19, v25;
	v27 =	vor.u32 v5, v24;
	v26 =	vld.idx.msk [tilespmem:v28+s15+$0x0], $0xffff  }
0x5a: {  	v28 =	vadd.s32 v6, v59;
	_ =	sdelay $0x3  }
0x5b: {  	[tilespmem:v27+s20+$0x0] =	vst.idx.msk $0xffff, v26  }
0x5c: {  	v60 =	vadd.s32 v20, v25;
	v27 =	vor.u32 v7, v24;
	v26 =	vld.idx.msk [tilespmem:v28+s15+$0x0], $0xffff  }
0x5d: {  	v28 =	vadd.s32 v8, v60;
	_ =	sdelay $0x3  }
0x5e: {  	[tilespmem:v27+s20+$0x0] =	vst.idx.msk $0xffff, v26  }
0x5f: {  	v61 =	vadd.s32 v18, v25;
	v27 =	vor.u32 v9, v24;
	v26 =	vld.idx.msk [tilespmem:v28+s15+$0x0], $0xffff  }
0x60: {  	v28 =	vadd.s32 v10, v61;
	_ =	sdelay $0x3  }
0x61: {  	[tilespmem:v27+s20+$0x0] =	vst.idx.msk $0xffff, v26  }
0x62: {  	v62 =	vadd.s32 v17, v25;
	v27 =	vor.u32 v11, v24;
	v26 =	vld.idx.msk [tilespmem:v28+s15+$0x0], $0xffff  }
0x63: {  	v28 =	vadd.s32 v12, v62;
	_ =	sdelay $0x3  }
0x64: {  	[tilespmem:v27+s20+$0x0] =	vst.idx.msk $0xffff, v26  }
0x65: {  	v63 =	vor.u32 v13, v24;
	v25 =	vadd.s32 v16, v25;
	v27 =	vld.idx.msk [tilespmem:v28+s15+$0x0], $0xffff  }
0x66: {  	v25 =	vadd.s32 v14, v25;
	_ =	sdelay $0x2  }
0x67: {  	s2 =	simm.s32 $0x1  }
0x68: {  	s30 =	simm.s32 $0x2;
	v26 =	vadd.s32 s2, v0;
	[tilespmem:v63+s20+$0x0] =	vst.idx.msk $0xffff, v27  }
.LBB2_3:
0x69: {  	p1 =	sne.s32 s30, $0x1F;
	v26 =	vand.u32 $0x1F, v26;
	v25 =	vld.idx.msk [tilespmem:v25+s15+$0x0], $0xffff  }
0x6a: {  	v24 =	vor.u32 v15, v24;
	v27 =	vadd.s32 v23, v26  }
0x6b: {  	v27 =	vadd.s32 v1, v27;
	_ =	sdelay $0x3  }
0x6c: {  	[tilespmem:v24+s20+$0x0] =	vst.idx.msk $0xffff, v25  }
0x6d: {  	v24 =	vshll.u32 v26, $0x7;
	v25 =	vld.idx.msk [tilespmem:v27+s15+$0x0], $0xffff  }
0x6e: {  	v28 =	vadd.s32 v22, v26;
	v27 =	vor.u32 v0, v24  }
0x6f: {  	v28 =	vadd.s32 v2, v28;
	_ =	sdelay $0x3  }
0x70: {  	[tilespmem:v27+s20+$0x0] =	vst.idx.msk $0xffff, v25  }
0x71: {  	v25 =	vld.idx.msk [tilespmem:v28+s15+$0x0], $0xffff  }
0x72: {  	v27 =	vor.u32 v3, v24;
	v28 =	vadd.s32 v21, v26  }
0x73: {  	v28 =	vadd.s32 v4, v28;
	_ =	sdelay $0x3  }
0x74: {  	[tilespmem:v27+s20+$0x0] =	vst.idx.msk $0xffff, v25  }
0x75: {  	v25 =	vld.idx.msk [tilespmem:v28+s15+$0x0], $0xffff  }
0x76: {  	v27 =	vor.u32 v5, v24;
	v28 =	vadd.s32 v19, v26  }
0x77: {  	v28 =	vadd.s32 v6, v28;
	_ =	sdelay $0x3  }
0x78: {  	[tilespmem:v27+s20+$0x0] =	vst.idx.msk $0xffff, v25  }
0x79: {  	v25 =	vld.idx.msk [tilespmem:v28+s15+$0x0], $0xffff  }
0x7a: {  	v27 =	vor.u32 v7, v24;
	v28 =	vadd.s32 v20, v26  }
0x7b: {  	v28 =	vadd.s32 v8, v28;
	_ =	sdelay $0x3  }
0x7c: {  	[tilespmem:v27+s20+$0x0] =	vst.idx.msk $0xffff, v25  }
0x7d: {  	v25 =	vld.idx.msk [tilespmem:v28+s15+$0x0], $0xffff  }
0x7e: {  	v27 =	vor.u32 v9, v24;
	v28 =	vadd.s32 v18, v26  }
0x7f: {  	v28 =	vadd.s32 v10, v28;
	_ =	sdelay $0x3  }
0x80: {  	[tilespmem:v27+s20+$0x0] =	vst.idx.msk $0xffff, v25  }
0x81: {  	v25 =	vld.idx.msk [tilespmem:v28+s15+$0x0], $0xffff  }
0x82: {  	v27 =	vor.u32 v11, v24;
	v28 =	vadd.s32 v17, v26  }
0x83: {  	v28 =	vadd.s32 v12, v28;
	_ =	sdelay $0x3  }
0x84: {  	[tilespmem:v27+s20+$0x0] =	vst.idx.msk $0xffff, v25  }
0x85: {  	v27 =	vld.idx.msk [tilespmem:v28+s15+$0x0], $0xffff  }
0x86: {  	v25 =	vadd.s32 v16, v26;
	v28 =	vor.u32 v13, v24  }
.Ltmp0:
0x87: {  	v25 =	vadd.s32 v14, v25;
	(pc) =	sbr.rel @p1 .LBB2_3-.Ltmp0, $2  }
0x88: {  	_ =	sdelay $0x2  }
0x89: {  	v26 =	vadd.s32 s30, v0;
	s30 =	sadd.s32 $0x1, s30;
	[tilespmem:v28+s20+$0x0] =	vst.idx.msk $0xffff, v27  }
0x8a: {  	_ =	sdelay $0x2  }
0x8b: {  	v26 =	vand.u32 $0x1F, v26  }
0x8c: {  	v25 =	vld.idx.msk [tilespmem:v25+s15+$0x0], $0xffff;
	v24 =	vor.u32 v15, v24;
	v23 =	vadd.s32 v23, v26  }
0x8d: {  	v23 =	vadd.s32 v1, v23;
	_ =	sdelay $0x3  }
0x8e: {  	v56 =	vshll.u32 v26, $0x7;
	[tilespmem:v24+s20+$0x0] =	vst.idx.msk $0xffff, v25  }
0x8f: {  	v22 =	vadd.s32 v22, v26;
	v57 =	vor.u32 v0, v56;
	v23 =	vld.idx.msk [tilespmem:v23+s15+$0x0], $0xffff  }
0x90: {  	v22 =	vadd.s32 v2, v22;
	_ =	sdelay $0x3  }
0x91: {  	[tilespmem:v57+s20+$0x0] =	vst.idx.msk $0xffff, v23  }
0x92: {  	v21 =	vadd.s32 v21, v26;
	v58 =	vor.u32 v3, v56;
	v22 =	vld.idx.msk [tilespmem:v22+s15+$0x0], $0xffff  }
0x93: {  	v21 =	vadd.s32 v4, v21;
	_ =	sdelay $0x3  }
0x94: {  	[tilespmem:v58+s20+$0x0] =	vst.idx.msk $0xffff, v22  }
0x95: {  	v19 =	vadd.s32 v19, v26;
	v59 =	vor.u32 v5, v56;
	v21 =	vld.idx.msk [tilespmem:v21+s15+$0x0], $0xffff  }
0x96: {  	v19 =	vadd.s32 v6, v19;
	_ =	sdelay $0x3  }
0x97: {  	[tilespmem:v59+s20+$0x0] =	vst.idx.msk $0xffff, v21  }
0x98: {  	v20 =	vadd.s32 v20, v26;
	v60 =	vor.u32 v7, v56;
	v19 =	vld.idx.msk [tilespmem:v19+s15+$0x0], $0xffff  }
0x99: {  	v20 =	vadd.s32 v8, v20;
	_ =	sdelay $0x3  }
0x9a: {  	[tilespmem:v60+s20+$0x0] =	vst.idx.msk $0xffff, v19  }
0x9b: {  	v18 =	vadd.s32 v18, v26;
	v61 =	vor.u32 v9, v56;
	v19 =	vld.idx.msk [tilespmem:v20+s15+$0x0], $0xffff  }
0x9c: {  	v18 =	vadd.s32 v10, v18;
	_ =	sdelay $0x3  }
0x9d: {  	[tilespmem:v61+s20+$0x0] =	vst.idx.msk $0xffff, v19  }
0x9e: {  	v17 =	vadd.s32 v17, v26;
	v62 =	vor.u32 v11, v56;
	v18 =	vld.idx.msk [tilespmem:v18+s15+$0x0], $0xffff  }
0x9f: {  	v17 =	vadd.s32 v12, v17;
	_ =	sdelay $0x3  }
0xa0: {  	[tilespmem:v62+s20+$0x0] =	vst.idx.msk $0xffff, v18  }
0xa1: {  	v16 =	vadd.s32 v16, v26;
	v63 =	vor.u32 v13, v56;
	v17 =	vld.idx.msk [tilespmem:v17+s15+$0x0], $0xffff  }
0xa2: {  	v16 =	vadd.s32 v14, v16;
	_ =	sdelay $0x3  }
0xa3: {  	[tilespmem:v63+s20+$0x0] =	vst.idx.msk $0xffff, v17  }
0xa4: {  	v17 =	vor.u32 v15, v56;
	v16 =	vld.idx.msk [tilespmem:v16+s15+$0x0], $0xffff  }
0xa5: {  	p1 =	sne.s32 s29, $0x18  }
.Ltmp1:
0xa6: {  	_ = 	snop;
	(pc) =	sbr.rel @p1 .LBB2_6-.Ltmp1, $4  }
0xa7: {  	s30 =	sshll.u32 s29, $0xF  }
0xa8: {  	s2 =	sadd.s32 s3, s30  }
0xa9: {  	s2 =	sadd.s32 s6, s2;
	[tilespmem:v17+s20+$0x0] =	vst.idx.msk $0xffff, v16  }
0xaa: {  	[hbm4b:s2+s21] =	stream.strided.scatter [tilespmem:s20], [sflag:$0x5], $0x1000, s22, s21, $0x38;
	[tilespmem:$0xA300] =	vst v63  }
.Ltmp2:
0xab: {  	(pc) =	sbr.rel .LBB2_7-.Ltmp2, $4  }
0xac: {  	_ = 	snop  }
0xad: {  	_ =	swait.ge [sflag:s23], $0x4000  }
0xae: {  	[sflag:s23] =	ssyncset.done $0x0  }
0xaf: {  	[sflag:s23] =	ssyncadd.s32 $0xFFFFC000  }
.LBB2_6:
0xb0: {  	_ =	swait.ge [sflag:s12], $0x80  }
0xb1: {  	[sflag:s12] =	ssyncset.done $0x0  }
0xb2: {  	[sflag:s12] =	ssyncadd.s32 $0xFFFFFF80  }
0xb3: {  	v16 =	vld [tilespmem:$0x0];
	_ =	sdelay $0x1  }
0xb4: {  	v17 =	vld [tilespmem:$0x10];
	_ =	sdelay $0x1  }
0xb5: {  	v18 =	vld [tilespmem:$0x20]  }
0xb6: {  	v19 =	vshrl.u32 v16, $0x2;
	v16 =	vshll.u32 v16, $0x5  }
0xb7: {  	v60 =	vld [tilespmem:$0x30];
	[tilespmem:$0x100] =	vst v19;
	v16 =	vand.u32 $0x60, v16  }
0xb8: {  	[tilespmem:$0x200] =	vst v16;
	v16 =	vshrl.u32 v17, $0x2;
	v17 =	vshll.u32 v17, $0x5  }
0xb9: {  	[tilespmem:$0x110] =	vst v16;
	v16 =	vand.u32 $0x60, v17;
	v17 =	vld [tilespmem:$0x40]  }
0xba: {  	[tilespmem:$0x210] =	vst v16;
	v16 =	vshrl.u32 v18, $0x2;
	v18 =	vshll.u32 v18, $0x5  }
0xbb: {  	v61 =	vld [tilespmem:$0x50];
	[tilespmem:$0x120] =	vst v16;
	v16 =	vand.u32 $0x60, v18  }
0xbc: {  	v19 =	vshll.u32 v60, $0x5;
	[tilespmem:$0x220] =	vst v16;
	v16 =	vshrl.u32 v60, $0x2  }
0xbd: {  	v62 =	vld [tilespmem:$0x60];
	[tilespmem:$0x130] =	vst v16;
	v16 =	vand.u32 $0x60, v19  }
0xbe: {  	[tilespmem:$0x230] =	vst v16;
	v16 =	vshrl.u32 v17, $0x2;
	v17 =	vshll.u32 v17, $0x5  }
0xbf: {  	[tilespmem:$0x140] =	vst v16;
	v16 =	vand.u32 $0x60, v17;
	v17 =	vld [tilespmem:$0x70]  }
0xc0: {  	v18 =	vshll.u32 v61, $0x5;
	[tilespmem:$0x240] =	vst v16;
	v16 =	vshrl.u32 v61, $0x2  }
0xc1: {  	s2 =	sadd.s32 $0x3, s31;
	[tilespmem:$0x150] =	vst v16;
	v16 =	vand.u32 $0x60, v18  }
0xc2: {  	s31 =	sshll.u32 s2, $0x7;
	s2 =	sshll.u32 s2, $0xC;
	v63 =	vshll.u32 v62, $0x5;
	[tilespmem:$0x250] =	vst v16;
	v16 =	vshrl.u32 v62, $0x2  }
0xc3: {  	s31 =	sand.u32 $0x380, s31;
	s2 =	sand.u32 $0x78000, s2;
	[tilespmem:$0x160] =	vst v16;
	v16 =	vand.u32 $0x60, v63  }
0xc4: {  	s2 =	sor.u32 s2, s31;
	[tilespmem:$0x260] =	vst v16;
	v16 =	vshrl.u32 v17, $0x2;
	v17 =	vshll.u32 v17, $0x5  }
0xc5: {  	s2 =	sor.u32 s5, s2;
	[tilespmem:$0x170] =	vst v16;
	v16 =	vand.u32 $0x60, v17  }
0xc6: {  	s2 =	sshrl.u32 s2, $0x3;
	[tilespmem:$0x270] =	vst v16  }
0xc7: {  	[tilespmem:s15], [sflag:$0x3] =	stream.indirect.gather [hbm4b:s8+s13], $0x80, s14, s13, $0xb8;
	[tilespmem:$0xA300] =	vst v63  }
.Ltmp3:
0xc8: {  	s2 =	sadd.s32 s1, s2;
	(pc) =	sbr.rel @p0 .LBB2_8-.Ltmp3, $4  }
0xc9: {  	[tilespmem:s13], [sflag:$0x2] =	stream.linear.gather [hbm4b:s2+s4], $0x80, $0x38;
	[tilespmem:$0xA300] =	vst v63  }
0xca: {  	_ =	swait.ge [sflag:s23], $0x4000  }
0xcb: {  	[sflag:s23] =	ssyncset.done $0x0  }
0xcc: {  	[sflag:s23] =	ssyncadd.s32 $0xFFFFC000  }
.LBB2_7:
0xcd: {  	_ =	swait.ge [sflag:s24], $0x1000  }
0xce: {  	[sflag:s24] =	ssyncset.done $0x0  }
0xcf: {  	[sflag:s24] =	ssyncadd.s32 $0xFFFFF000  }
.LBB2_8:
0xd0: {  	v23 =	vld [tilespmem:$0x280];
	_ =	sdelay $0x1  }
0xd1: {  	s2 =	simm.s32 $0x0  }
0xd2: {  	v16 =	vadd.s32 s2, v0  }
0xd3: {  	v25 =	vand.u32 $0x1F, v16  }
0xd4: {  	v16 =	vadd.s32 v23, v25  }
0xd5: {  	v22 =	vld [tilespmem:$0x290];
	v16 =	vadd.s32 v1, v16;
	_ =	sdelay $0x3  }
0xd6: {  	v21 =	vld [tilespmem:$0x2A0];
	v24 =	vshll.u32 v25, $0x7  }
0xd7: {  	v27 =	vor.u32 v0, v24;
	v26 =	vld.idx.msk [tilespmem:v16+s18+$0x0], $0xffff;
	v16 =	vadd.s32 v22, v25  }
0xd8: {  	v19 =	vld [tilespmem:$0x2B0];
	v28 =	vadd.s32 v2, v16  }
0xd9: {  	v20 =	vld [tilespmem:$0x2C0]  }
0xda: {  	v18 =	vld [tilespmem:$0x2D0]  }
0xdb: {  	v17 =	vld [tilespmem:$0x2E0]  }
0xdc: {  	v16 =	vld [tilespmem:$0x2F0];
	[tilespmem:v27+s25+$0x0] =	vst.idx.msk $0xffff, v26  }
0xdd: {  	v58 =	vadd.s32 v21, v25;
	v27 =	vor.u32 v3, v24;
	v26 =	vld.idx.msk [tilespmem:v28+s18+$0x0], $0xffff  }
0xde: {  	v28 =	vadd.s32 v4, v58;
	_ =	sdelay $0x3  }
0xdf: {  	[tilespmem:v27+s25+$0x0] =	vst.idx.msk $0xffff, v26  }
0xe0: {  	v59 =	vadd.s32 v19, v25;
	v27 =	vor.u32 v5, v24;
	v26 =	vld.idx.msk [tilespmem:v28+s18+$0x0], $0xffff  }
0xe1: {  	v28 =	vadd.s32 v6, v59;
	_ =	sdelay $0x3  }
0xe2: {  	[tilespmem:v27+s25+$0x0] =	vst.idx.msk $0xffff, v26  }
0xe3: {  	v60 =	vadd.s32 v20, v25;
	v27 =	vor.u32 v7, v24;
	v26 =	vld.idx.msk [tilespmem:v28+s18+$0x0], $0xffff  }
0xe4: {  	v28 =	vadd.s32 v8, v60;
	_ =	sdelay $0x3  }
0xe5: {  	[tilespmem:v27+s25+$0x0] =	vst.idx.msk $0xffff, v26  }
0xe6: {  	v61 =	vadd.s32 v18, v25;
	v27 =	vor.u32 v9, v24;
	v26 =	vld.idx.msk [tilespmem:v28+s18+$0x0], $0xffff  }
0xe7: {  	v28 =	vadd.s32 v10, v61;
	_ =	sdelay $0x3  }
0xe8: {  	[tilespmem:v27+s25+$0x0] =	vst.idx.msk $0xffff, v26  }
0xe9: {  	v62 =	vadd.s32 v17, v25;
	v27 =	vor.u32 v11, v24;
	v26 =	vld.idx.msk [tilespmem:v28+s18+$0x0], $0xffff  }
0xea: {  	v28 =	vadd.s32 v12, v62;
	_ =	sdelay $0x3  }
0xeb: {  	[tilespmem:v27+s25+$0x0] =	vst.idx.msk $0xffff, v26  }
0xec: {  	v63 =	vor.u32 v13, v24;
	v25 =	vadd.s32 v16, v25;
	v27 =	vld.idx.msk [tilespmem:v28+s18+$0x0], $0xffff  }
0xed: {  	v25 =	vadd.s32 v14, v25;
	_ =	sdelay $0x2  }
0xee: {  	s2 =	simm.s32 $0x1  }
0xef: {  	s31 =	simm.s32 $0x2;
	v26 =	vadd.s32 s2, v0;
	[tilespmem:v63+s25+$0x0] =	vst.idx.msk $0xffff, v27  }
.LBB2_9:
0xf0: {  	p0 =	sne.s32 s31, $0x1F;
	v26 =	vand.u32 $0x1F, v26;
	v25 =	vld.idx.msk [tilespmem:v25+s18+$0x0], $0xffff  }
0xf1: {  	v24 =	vor.u32 v15, v24;
	v27 =	vadd.s32 v23, v26  }
0xf2: {  	v27 =	vadd.s32 v1, v27;
	_ =	sdelay $0x3  }
0xf3: {  	[tilespmem:v24+s25+$0x0] =	vst.idx.msk $0xffff, v25  }
0xf4: {  	v24 =	vshll.u32 v26, $0x7;
	v25 =	vld.idx.msk [tilespmem:v27+s18+$0x0], $0xffff  }
0xf5: {  	v28 =	vadd.s32 v22, v26;
	v27 =	vor.u32 v0, v24  }
0xf6: {  	v28 =	vadd.s32 v2, v28;
	_ =	sdelay $0x3  }
0xf7: {  	[tilespmem:v27+s25+$0x0] =	vst.idx.msk $0xffff, v25  }
0xf8: {  	v25 =	vld.idx.msk [tilespmem:v28+s18+$0x0], $0xffff  }
0xf9: {  	v27 =	vor.u32 v3, v24;
	v28 =	vadd.s32 v21, v26  }
0xfa: {  	v28 =	vadd.s32 v4, v28;
	_ =	sdelay $0x3  }
0xfb: {  	[tilespmem:v27+s25+$0x0] =	vst.idx.msk $0xffff, v25  }
0xfc: {  	v25 =	vld.idx.msk [tilespmem:v28+s18+$0x0], $0xffff  }
0xfd: {  	v27 =	vor.u32 v5, v24;
	v28 =	vadd.s32 v19, v26  }
0xfe: {  	v28 =	vadd.s32 v6, v28;
	_ =	sdelay $0x3  }
0xff: {  	[tilespmem:v27+s25+$0x0] =	vst.idx.msk $0xffff, v25  }
0x100: {  	v25 =	vld.idx.msk [tilespmem:v28+s18+$0x0], $0xffff  }
0x101: {  	v27 =	vor.u32 v7, v24;
	v28 =	vadd.s32 v20, v26  }
0x102: {  	v28 =	vadd.s32 v8, v28;
	_ =	sdelay $0x3  }
0x103: {  	[tilespmem:v27+s25+$0x0] =	vst.idx.msk $0xffff, v25  }
0x104: {  	v25 =	vld.idx.msk [tilespmem:v28+s18+$0x0], $0xffff  }
0x105: {  	v27 =	vor.u32 v9, v24;
	v28 =	vadd.s32 v18, v26  }
0x106: {  	v28 =	vadd.s32 v10, v28;
	_ =	sdelay $0x3  }
0x107: {  	[tilespmem:v27+s25+$0x0] =	vst.idx.msk $0xffff, v25  }
0x108: {  	v25 =	vld.idx.msk [tilespmem:v28+s18+$0x0], $0xffff  }
0x109: {  	v27 =	vor.u32 v11, v24;
	v28 =	vadd.s32 v17, v26  }
0x10a: {  	v28 =	vadd.s32 v12, v28;
	_ =	sdelay $0x3  }
0x10b: {  	[tilespmem:v27+s25+$0x0] =	vst.idx.msk $0xffff, v25  }
0x10c: {  	v27 =	vld.idx.msk [tilespmem:v28+s18+$0x0], $0xffff  }
0x10d: {  	v25 =	vadd.s32 v16, v26;
	v28 =	vor.u32 v13, v24  }
.Ltmp4:
0x10e: {  	v25 =	vadd.s32 v14, v25;
	(pc) =	sbr.rel @p0 .LBB2_9-.Ltmp4, $2  }
0x10f: {  	_ =	sdelay $0x2  }
0x110: {  	v26 =	vadd.s32 s31, v0;
	s31 =	sadd.s32 $0x1, s31;
	[tilespmem:v28+s25+$0x0] =	vst.idx.msk $0xffff, v27  }
0x111: {  	_ =	sdelay $0x2  }
0x112: {  	v26 =	vand.u32 $0x1F, v26  }
0x113: {  	v25 =	vld.idx.msk [tilespmem:v25+s18+$0x0], $0xffff;
	v24 =	vor.u32 v15, v24;
	v23 =	vadd.s32 v23, v26  }
0x114: {  	v23 =	vadd.s32 v1, v23;
	_ =	sdelay $0x3  }
0x115: {  	v56 =	vshll.u32 v26, $0x7;
	[tilespmem:v24+s25+$0x0] =	vst.idx.msk $0xffff, v25  }
0x116: {  	v22 =	vadd.s32 v22, v26;
	v57 =	vor.u32 v0, v56;
	v23 =	vld.idx.msk [tilespmem:v23+s18+$0x0], $0xffff  }
0x117: {  	v22 =	vadd.s32 v2, v22;
	_ =	sdelay $0x3  }
0x118: {  	[tilespmem:v57+s25+$0x0] =	vst.idx.msk $0xffff, v23  }
0x119: {  	v21 =	vadd.s32 v21, v26;
	v58 =	vor.u32 v3, v56;
	v22 =	vld.idx.msk [tilespmem:v22+s18+$0x0], $0xffff  }
0x11a: {  	v21 =	vadd.s32 v4, v21;
	_ =	sdelay $0x3  }
0x11b: {  	[tilespmem:v58+s25+$0x0] =	vst.idx.msk $0xffff, v22  }
0x11c: {  	v19 =	vadd.s32 v19, v26;
	v59 =	vor.u32 v5, v56;
	v21 =	vld.idx.msk [tilespmem:v21+s18+$0x0], $0xffff  }
0x11d: {  	v19 =	vadd.s32 v6, v19;
	_ =	sdelay $0x3  }
0x11e: {  	[tilespmem:v59+s25+$0x0] =	vst.idx.msk $0xffff, v21  }
0x11f: {  	v20 =	vadd.s32 v20, v26;
	v60 =	vor.u32 v7, v56;
	v19 =	vld.idx.msk [tilespmem:v19+s18+$0x0], $0xffff  }
0x120: {  	v20 =	vadd.s32 v8, v20;
	_ =	sdelay $0x3  }
0x121: {  	[tilespmem:v60+s25+$0x0] =	vst.idx.msk $0xffff, v19  }
0x122: {  	v18 =	vadd.s32 v18, v26;
	v61 =	vor.u32 v9, v56;
	v19 =	vld.idx.msk [tilespmem:v20+s18+$0x0], $0xffff  }
0x123: {  	v18 =	vadd.s32 v10, v18;
	_ =	sdelay $0x3  }
0x124: {  	[tilespmem:v61+s25+$0x0] =	vst.idx.msk $0xffff, v19  }
0x125: {  	v17 =	vadd.s32 v17, v26;
	v62 =	vor.u32 v11, v56;
	v18 =	vld.idx.msk [tilespmem:v18+s18+$0x0], $0xffff  }
0x126: {  	v17 =	vadd.s32 v12, v17;
	_ =	sdelay $0x3  }
0x127: {  	[tilespmem:v62+s25+$0x0] =	vst.idx.msk $0xffff, v18  }
0x128: {  	v16 =	vadd.s32 v16, v26;
	v63 =	vor.u32 v13, v56;
	v17 =	vld.idx.msk [tilespmem:v17+s18+$0x0], $0xffff  }
0x129: {  	v16 =	vadd.s32 v14, v16;
	_ =	sdelay $0x3  }
0x12a: {  	[tilespmem:v63+s25+$0x0] =	vst.idx.msk $0xffff, v17  }
0x12b: {  	s29 =	sadd.s32 $0x1, s29;
	v17 =	vor.u32 v15, v56;
	v16 =	vld.idx.msk [tilespmem:v16+s18+$0x0], $0xffff  }
0x12c: {  	p0 =	sne.s32 s29, $0x19  }
.Ltmp5:
0x12d: {  	_ = 	snop;
	(pc) =	sbr.rel @p0 .LBB2_2-.Ltmp5, $4  }
0x12e: {  	_ = 	snop  }
0x12f: {  	s2 =	sadd.s32 s30, s10  }
0x130: {  	s2 =	sadd.s32 s6, s2;
	[tilespmem:v17+s25+$0x0] =	vst.idx.msk $0xffff, v16  }
0x131: {  	[hbm4b:s2+s21] =	stream.strided.scatter [tilespmem:s25], [sflag:$0x6], $0x1000, s22, s21, $0x38;
	[tilespmem:$0xA300] =	vst v63  }
0x132: {  	s28 =	sadd.s32 $0x1, s28  }
0x133: {  	_ =	swait.ge [sflag:s26], $0x1000;
	p0 =	sne.s32 s28, s11  }
.Ltmp6:
0x134: {  	[sflag:s26] =	ssyncset.done $0x0;
	(pc) =	sbr.rel @p0 .LBB2_1-.Ltmp6, $4  }
0x135: {  	[sflag:s26] =	ssyncadd.s32 $0xFFFFF000  }
0x136: {  	_ =	swait.ge [sflag:s24], $0x1000  }
0x137: {  	[sflag:s24] =	ssyncset.done $0x0  }
0x138: {  	[sflag:s24] =	ssyncadd.s32 $0xFFFFF000  }
0x139: {  	_ =	sfence.sel $0x180000  }
0x13a: {  	[bflag:$0x0] =	sbarrier.arrive $0xFFFF  }
0x13b: {  	_ =	strace $0x9000004A  }
0x13c: {  	[bflag:$0x2] =	sbarrier.arrive $0xFFFF  }
0x13d: {  	p0 =	sne.s32 s0, $0x0;
	s0 =	rddreg [dreg:$0x3]  }
0x13e: {  	s0 =	sadd.s32 @!p0 $0x100000, s0  }
0x13f: {  	[sflag:s0] =	ssyncadd.tile.s32 @!p0 $0x1;
	_ =	shalt  }
.Lfunc_end2:
_tile_overlayer_lowered:
.L_overlay_start_2:
0x140: {  	(tag) =	ssettag $0x2  }
0x141: {  	s0 =	rddreg [dreg:$0x0];
	s2 =	stileid.u32  }
0x142: {  	s1 =	rddreg [dreg:$0x1];
	p0 =	sne.s32 s2, $0x0  }
0x143: {  	s3 =	rddreg [dreg:$0x2];
	[bflag:$0x3] =	sbarrier.arrive $0xFFFF;
	s2 =	simm.s32 @!p0 $0x1C07  }
0x144: {  	[timem:s3], [sflag:s2] =	dma.local @!p0 [hbm:s0], s1  }
0x145: {  	s0 =	simm.s32 @!p0 $0x7  }
0x146: {  	_ =	swait.ge @!p0 [sflag:s0], s1  }
0x147: {  	s1 =	ssub.s32 @!p0 $0x0, s1;
	[sflag:s0] =	ssyncset.done @!p0 $0x0  }
0x148: {  	[sflag:s0] =	ssyncadd.s32 @!p0 s1  }
0x149: {  	[bflag:$0x3] =	sbarrier.arrive $0xFFFF  }
0x14a: {  	_ =	shalt  }

</sc_bundles>
